<compile_context>
chip_gen: v7x
topology: tpu7x:2x2x1
jax: 0.10.2.dev20260603
libtpu: 0.0.44.dev20260713+nightly
codegen_flags: <defaults>
</compile_context>

<pallas_src>
import functools
import jax
import jax.numpy as jnp
from jax import lax
from jax.experimental import pallas as pl
from jax.experimental.pallas import tpu as pltpu
from jax.experimental.pallas import tpu_sc as plsc

B, T, S, V, DIM = 1024, 200, 50, 1000, 16
TP = 208
NG = 2
NGRP = B // 16
BB = 8


def _sc_body(encp_h, w_h, e_h, prev_h, enc16_v, tbl_v, e16_v,
             prev16a_v, prev16b_v, gsem, wsem):
    wid = lax.axis_index("s") * 2 + lax.axis_index("c")
    iota = lax.iota(jnp.int32, 16)
    zeros16i = jnp.zeros((16,), jnp.int32)

    def clr(r, carry):
        tbl_v[pl.ds(r * 16, 16)] = zeros16i
        return carry
    lax.fori_loop(0, V, clr, 0)

    lanes_base = iota * TP
    prev_bufs = (prev16a_v, prev16b_v)

    def fire_gathers():
        return [pltpu.async_copy(
            w_h.at[enc16_v.at[pl.ds(l0 * TP + cc * 104, 104)]],
            e16_v.at[l0, pl.ds(cc * 104, 104)], gsem)
            for l0 in range(16) for cc in range(2)]

    def run_scan(g, prev_v):
        tag0 = (g + 1) * 256

        def aloop(t, carry):
            v = plsc.load_gather(enc16_v, [lanes_base + t])
            fidx = v * 16 + iota
            lp = plsc.load_gather(tbl_v, [fidx])
            plsc.store_scatter(tbl_v, [fidx],
                               jnp.full((16,), tag0 + t, jnp.int32))
            valid = lax.shift_right_logical(lp, 8) == (g + 1)
            prevt = jnp.where(valid, lp & 255, jnp.full((16,), -1, jnp.int32))
            plsc.store_scatter(prev_v, [iota, jnp.full((16,), t, jnp.int32)],
                               prevt)
            return carry

        lax.fori_loop(0, T, aloop, 0, unroll=4)

    G0 = wid * NG
    pltpu.sync_copy(encp_h.at[G0], enc16_v)
    copies = fire_gathers()
    run_scan(0, prev_bufs[0])
    for c in copies:
        c.wait()
    wb_e = pltpu.async_copy(e16_v, e_h.at[pl.ds(G0 * 16, 16)], wsem)
    wb_p = pltpu.async_copy(prev_bufs[0], prev_h.at[pl.ds(G0 * 16, 16)], wsem)

    G1 = G0 + 1
    pltpu.sync_copy(encp_h.at[G1], enc16_v)
    run_scan(1, prev_bufs[1])
    wb_e.wait()
    copies = fire_gathers()
    for c in copies:
        c.wait()
    wb_p.wait()
    pltpu.sync_copy(e16_v, e_h.at[pl.ds(G1 * 16, 16)])
    pltpu.sync_copy(prev_bufs[1], prev_h.at[pl.ds(G1 * 16, 16)])


def _tc_kernel(lo_ref, hi_ref, prev_ref, e_ref, bias_ref, out_ref):
    lo = lo_ref[...]
    hi = hi_ref[...]
    prev = prev_ref[...]
    pos = lax.broadcasted_iota(jnp.int32, (BB, S, TP), 2)
    lob = lo[:, :, None]
    mask = ((pos >= lob) & (pos < hi[:, :, None])
            & (prev[:, None, :] < lob)).astype(jnp.float32)
    out = lax.dot_general(
        mask, e_ref[...],
        dimension_numbers=(((2,), (1,)), ((0,), (0,))),
        preferred_element_type=jnp.float32,
    )
    out_ref[...] = out + bias_ref[...][None, None, :]


def kernel(word_encs, span_idxs, W, bias):
    enc = word_encs.astype(jnp.int32)
    enc_pad = jnp.zeros((B, TP), jnp.int32).at[:, :T].set(enc)
    encp_h = enc_pad.reshape(NGRP, 16 * TP)

    mesh = plsc.VectorSubcoreMesh(core_axis_name="c", subcore_axis_name="s")
    sc = functools.partial(
        pl.kernel,
        out_type=(
            jax.ShapeDtypeStruct((B, TP, DIM), jnp.float32),
            jax.ShapeDtypeStruct((B, TP), jnp.int32),
        ),
        mesh=mesh,
        compiler_params=pltpu.CompilerParams(
            needs_layout_passes=False, use_tc_tiling_on_sc=False,
            skip_device_barrier=True),
        scratch_types=[
            pltpu.VMEM((16 * TP,), jnp.int32),
            pltpu.VMEM((V * 16,), jnp.int32),
            pltpu.VMEM((16, TP, DIM), jnp.float32),
            pltpu.VMEM((16, TP), jnp.int32),
            pltpu.VMEM((16, TP), jnp.int32),
            pltpu.SemaphoreType.DMA,
            pltpu.SemaphoreType.DMA,
        ],
    )(_sc_body)
    e_rows, prev = sc(encp_h, W.astype(jnp.float32))

    lo = span_idxs[:, :, 0].astype(jnp.int32)
    hi = span_idxs[:, :, 1].astype(jnp.int32)
    return pl.pallas_call(
        _tc_kernel,
        grid=(B // BB,),
        in_specs=[
            pl.BlockSpec((BB, S), lambda g: (g, 0)),
            pl.BlockSpec((BB, S), lambda g: (g, 0)),
            pl.BlockSpec((BB, TP), lambda g: (g, 0)),
            pl.BlockSpec((BB, TP, DIM), lambda g: (g, 0, 0)),
            pl.BlockSpec((DIM,), lambda g: (0,)),
        ],
        out_specs=pl.BlockSpec((BB, S, DIM), lambda g: (g, 0, 0)),
        out_shape=jax.ShapeDtypeStruct((B, S, DIM), jnp.float32),
    )(lo, hi, prev, e_rows, bias.astype(jnp.float32))

# --- scband reference (transcript-rebuilt; emitter-appended) ---
"""Pipeline reference for scband-bow-24781961298234 (READ-ONLY COPY).

The authoritative reference and input builder live on the scoring server;
editing this copy changes nothing except your own understanding.
"""

import jax, jax.numpy as jnp
import numpy as np

B, T, S, V, DIM = 1024, 200, 50, 1000, 16

def setup_inputs(seed: int = 0) -> dict:
    key = jax.random.key(seed)
    k1, k2, k3, k4 = jax.random.split(key, 4)
    word_encs = jax.random.randint(k1, (B, T), 0, V)
    span_idxs = jnp.sort(jax.random.randint(k2, (B, S, 2), 0, T), axis=-1)
    # dim_reduction params: torch nn.Linear(V, DIM) -> W stored as [V, DIM] (transposed), bias [DIM]
    W = jax.random.normal(k3, (V, DIM), dtype=jnp.float32) * 0.02
    bias = jax.random.normal(k4, (DIM,), dtype=jnp.float32) * 0.02
    return {"word_encs": word_encs, "span_idxs": span_idxs, "W": W, "bias": bias}

def reference(word_encs, span_idxs, W, bias):
    Bb, Tt = word_encs.shape
    Ss = span_idxs.shape[1]
    Vv = W.shape[0]
    pos = jnp.arange(Tt)
    # mask[b, s, t] = True if token t is inside span (i, j) for example b, segment s
    mask = (pos[None, None, :] >= span_idxs[:, :, 0:1]) & (pos[None, None, :] < span_idxs[:, :, 1:2])
    vals = mask.astype(jnp.float32)
    b_idx = jnp.broadcast_to(jnp.arange(Bb)[:, None, None], (Bb, Ss, Tt))
    s_idx = jnp.broadcast_to(jnp.arange(Ss)[None, :, None], (Bb, Ss, Tt))
    w_idx = jnp.broadcast_to(word_encs[:, None, :], (Bb, Ss, Tt))
    # scatter: batch_bow[k][s][word_ids] = 1 (overwrite with 1 == scatter-max of {0,1})
    batch_bow = jnp.zeros((Bb, Ss, Vv), dtype=jnp.float32).at[b_idx, s_idx, w_idx].max(vals)
    # dim_reduction (nn.Linear)
    return batch_bow @ W + bias

if __name__ == "__main__":
    import jax
    _d = setup_inputs()
    print(jax.jit(kernel)(*tuple(_d.values())))

</pallas_src>

<mosaic_0001>
#map = affine_map<(d0, d1) -> (0, 0)>
#map1 = affine_map<(d0, d1) -> (0, 0, 0)>
module attributes {stable_mosaic.version = 14 : i64} {
  func.func @_sc_body(%arg0: i32, %arg1: i32, %arg2: memref<64x3328xi32, #tpu.memory_space<hbm>>, %arg3: memref<1000x16xf32, #tpu.memory_space<hbm>>, %arg4: memref<1024x208x16xf32, #tpu.memory_space<hbm>>, %arg5: memref<1024x208xi32, #tpu.memory_space<hbm>>, %arg6: memref<3328xi32, #tpu.memory_space<vmem>>, %arg7: memref<16000xi32, #tpu.memory_space<vmem>>, %arg8: memref<16x208x16xf32, #tpu.memory_space<vmem>>, %arg9: memref<16x208xi32, #tpu.memory_space<vmem>>, %arg10: memref<16x208xi32, #tpu.memory_space<vmem>>, %arg11: memref<!tpu.dma_semaphore, #tpu.memory_space<semaphore_mem>>, %arg12: memref<!tpu.dma_semaphore, #tpu.memory_space<semaphore_mem>>) attributes {dimension_semantics = [#tpu.dimension_semantics<core_parallel>, #tpu.dimension_semantics<subcore_parallel>], iteration_bounds = array<i64: 2, 16>, scalar_prefetch = 0 : i64, scratch_operands = 7 : i64, tpu.core_type = #tpu.core_type<sc_vector_subcore>, window_params = [{transform_indices = #map}, {transform_indices = #map}, {transform_indices = #map1}, {transform_indices = #map}]} {
    %mul3A = arith.constant 2 : i32
    %mul3A_0 = arith.muli %arg1, %mul3A : i32
    %add3A = arith.addi %mul3A_0, %arg0 : i32
    %iota3A = tpu.iota {dimensions = array<i32: 0>} : vector<16xi32>
    %broadcast_in_dim3A = arith.constant 0 : i32
    %broadcast_in_dim3A_1 = vector.broadcast %broadcast_in_dim3A : i32 to vector<16xi32>
    %scan3A = arith.constant 0 : i32
    %scan3A_2 = arith.constant 0 : i32
    %scan3A_3 = arith.constant 1000 : i32
    %scan3A_4 = arith.addi %scan3A_2, %scan3A_3 : i32
    %scan3A_5 = arith.constant 1 : i32
    scf.for %scan3A_1332 = %scan3A_2 to %scan3A_4 step %scan3A_5  : i32 {
      %mul3A_1333 = arith.constant 16 : i32
      %mul3A_1334 = arith.muli %scan3A_1332, %mul3A_1333 : i32
      %swap3A = arith.index_cast %mul3A_1334 : i32 to index
      %swap3A_1335 = tpu.vector_load %arg7[%swap3A] {strides = array<i32>} : memref<16000xi32, #tpu.memory_space<vmem>>, vector<16xi32>,
      tpu.vector_store %arg7[%swap3A], %broadcast_in_dim3A_1 {strides = array<i32>} : memref<16000xi32, #tpu.memory_space<vmem>>, vector<16xi32>,
    }
    %scan3A_6 = arith.constant 1000 : i32
    %mul3A_7 = arith.constant 208 : i32
    %mul3A_8 = vector.broadcast %mul3A_7 : i32 to vector<16xi32>
    %mul3A_9 = arith.muli %iota3A, %mul3A_8 : vector<16xi32>
    %mul3A_10 = arith.constant 2 : i32
    %mul3A_11 = arith.muli %add3A, %mul3A_10 : i32
    "tpu.region"() ({
      %run_scoped3A = tpu.sem_alloc : memref<!tpu.dma_semaphore, #tpu.memory_space<semaphore_mem>>
      %dma_start3A_1332 = arith.constant 0 : i32
      %dma_start3A_1333 = tpu.memref_slice %arg2[%mul3A_11, %dma_start3A_1332] : memref<64x3328xi32, #tpu.memory_space<hbm>> -> memref<1x3328xi32, #tpu.memory_space<hbm>>
      %dma_start3A_1334 = tpu.memref_squeeze %dma_start3A_1333 : memref<1x3328xi32, #tpu.memory_space<hbm>> -> memref<3328xi32, #tpu.memory_space<hbm>>
      %dma_start3A_1335 = arith.constant 0 : i32
      %dma_start3A_1336 = tpu.memref_slice %arg2[%mul3A_11, %dma_start3A_1335] : memref<64x3328xi32, #tpu.memory_space<hbm>> -> memref<1x3328xi32, #tpu.memory_space<hbm>>
      %dma_start3A_1337 = tpu.memref_squeeze %dma_start3A_1336 : memref<1x3328xi32, #tpu.memory_space<hbm>> -> memref<3328xi32, #tpu.memory_space<hbm>>
      tpu.enqueue_dma source(%dma_start3A_1337 : memref<3328xi32, #tpu.memory_space<hbm>>) target(%arg6 : memref<3328xi32, #tpu.memory_space<vmem>>) target_semaphore(%run_scoped3A : memref<!tpu.dma_semaphore, #tpu.memory_space<semaphore_mem>>)
      %dma_wait3A_1338 = arith.constant 0 : i32
      %dma_wait3A_1339 = tpu.memref_slice %arg2[%mul3A_11, %dma_wait3A_1338] : memref<64x3328xi32, #tpu.memory_space<hbm>> -> memref<1x3328xi32, #tpu.memory_space<hbm>>
      %dma_wait3A_1340 = tpu.memref_squeeze %dma_wait3A_1339 : memref<1x3328xi32, #tpu.memory_space<hbm>> -> memref<3328xi32, #tpu.memory_space<hbm>>
      %dma_wait3A_1341 = arith.constant 0 : i32
      %dma_wait3A_1342 = tpu.memref_slice %arg2[%mul3A_11, %dma_wait3A_1341] : memref<64x3328xi32, #tpu.memory_space<hbm>> -> memref<1x3328xi32, #tpu.memory_space<hbm>>
      %dma_wait3A_1343 = tpu.memref_squeeze %dma_wait3A_1342 : memref<1x3328xi32, #tpu.memory_space<hbm>> -> memref<3328xi32, #tpu.memory_space<hbm>>
      tpu.wait_dma2 semaphore(%run_scoped3A : memref<!tpu.dma_semaphore, #tpu.memory_space<semaphore_mem>>) src(%dma_wait3A_1343 : memref<3328xi32, #tpu.memory_space<hbm>>) dst(%arg6 : memref<3328xi32, #tpu.memory_space<vmem>>)
      tpu.yield
    }) : () -> ()
    %dma_start3A = arith.constant 0 : i32
    %dma_start3A_12 = arith.constant 0 : i32
    %dma_start3A_13 = arith.constant 0 : i32
    %dma_start3A_14 = tpu.memref_slice %arg8[%dma_start3A, %dma_start3A_12, %dma_start3A_13] : memref<16x208x16xf32, #tpu.memory_space<vmem>> -> memref<1x104x16xf32, #tpu.memory_space<vmem>>
    %dma_start3A_15 = tpu.memref_squeeze %dma_start3A_14 : memref<1x104x16xf32, #tpu.memory_space<vmem>> -> memref<104x16xf32, #tpu.memory_space<vmem>>
    %dma_start3A_16 = arith.constant 0 : i32
    %dma_start3A_17 = tpu.memref_slice %arg6[%dma_start3A_16] : memref<3328xi32, #tpu.memory_space<vmem>> -> memref<104xi32, #tpu.memory_space<vmem>>
    %dma_start3A_18 = arith.constant 0 : i32
    %dma_start3A_19 = arith.constant 0 : i32
    %dma_start3A_20 = tpu.memref_slice %arg3[%dma_start3A_18, %dma_start3A_19] : memref<1000x16xf32, #tpu.memory_space<hbm>> -> memref<1000x16xf32, #tpu.memory_space<hbm>>
    tpu.enqueue_indirect_dma source(%dma_start3A_20 : memref<1000x16xf32, #tpu.memory_space<hbm>>) target(%dma_start3A_15 : memref<104x16xf32, #tpu.memory_space<vmem>>) offsets(%dma_start3A_17 : memref<104xi32, #tpu.memory_space<vmem>>) semaphore(%arg11 : memref<!tpu.dma_semaphore, #tpu.memory_space<semaphore_mem>>)
    %dma_start3A_21 = arith.constant 0 : i32
    %dma_start3A_22 = arith.constant 104 : i32
    %dma_start3A_23 = arith.constant 0 : i32
    %dma_start3A_24 = tpu.memref_slice %arg8[%dma_start3A_21, %dma_start3A_22, %dma_start3A_23] : memref<16x208x16xf32, #tpu.memory_space<vmem>> -> memref<1x104x16xf32, #tpu.memory_space<vmem>>
    %dma_start3A_25 = tpu.memref_squeeze %dma_start3A_24 : memref<1x104x16xf32, #tpu.memory_space<vmem>> -> memref<104x16xf32, #tpu.memory_space<vmem>>
    %dma_start3A_26 = arith.constant 104 : i32
    %dma_start3A_27 = tpu.memref_slice %arg6[%dma_start3A_26] : memref<3328xi32, #tpu.memory_space<vmem>> -> memref<104xi32, #tpu.memory_space<vmem>>
    %dma_start3A_28 = arith.constant 0 : i32
    %dma_start3A_29 = arith.constant 0 : i32
    %dma_start3A_30 = tpu.memref_slice %arg3[%dma_start3A_28, %dma_start3A_29] : memref<1000x16xf32, #tpu.memory_space<hbm>> -> memref<1000x16xf32, #tpu.memory_space<hbm>>
    tpu.enqueue_indirect_dma source(%dma_start3A_30 : memref<1000x16xf32, #tpu.memory_space<hbm>>) target(%dma_start3A_25 : memref<104x16xf32, #tpu.memory_space<vmem>>) offsets(%dma_start3A_27 : memref<104xi32, #tpu.memory_space<vmem>>) semaphore(%arg11 : memref<!tpu.dma_semaphore, #tpu.memory_space<semaphore_mem>>)
    %dma_start3A_31 = arith.constant 1 : i32
    %dma_start3A_32 = arith.constant 0 : i32
    %dma_start3A_33 = arith.constant 0 : i32
    %dma_start3A_34 = tpu.memref_slice %arg8[%dma_start3A_31, %dma_start3A_32, %dma_start3A_33] : memref<16x208x16xf32, #tpu.memory_space<vmem>> -> memref<1x104x16xf32, #tpu.memory_space<vmem>>
    %dma_start3A_35 = tpu.memref_squeeze %dma_start3A_34 : memref<1x104x16xf32, #tpu.memory_space<vmem>> -> memref<104x16xf32, #tpu.memory_space<vmem>>
    %dma_start3A_36 = arith.constant 208 : i32
    %dma_start3A_37 = tpu.memref_slice %arg6[%dma_start3A_36] : memref<3328xi32, #tpu.memory_space<vmem>> -> memref<104xi32, #tpu.memory_space<vmem>>
    %dma_start3A_38 = arith.constant 0 : i32
    %dma_start3A_39 = arith.constant 0 : i32
    %dma_start3A_40 = tpu.memref_slice %arg3[%dma_start3A_38, %dma_start3A_39] : memref<1000x16xf32, #tpu.memory_space<hbm>> -> memref<1000x16xf32, #tpu.memory_space<hbm>>
    tpu.enqueue_indirect_dma source(%dma_start3A_40 : memref<1000x16xf32, #tpu.memory_space<hbm>>) target(%dma_start3A_35 : memref<104x16xf32, #tpu.memory_space<vmem>>) offsets(%dma_start3A_37 : memref<104xi32, #tpu.memory_space<vmem>>) semaphore(%arg11 : memref<!tpu.dma_semaphore, #tpu.memory_space<semaphore_mem>>)
    %dma_start3A_41 = arith.constant 1 : i32
    %dma_start3A_42 = arith.constant 104 : i32
    %dma_start3A_43 = arith.constant 0 : i32
    %dma_start3A_44 = tpu.memref_slice %arg8[%dma_start3A_41, %dma_start3A_42, %dma_start3A_43] : memref<16x208x16xf32, #tpu.memory_space<vmem>> -> memref<1x104x16xf32, #tpu.memory_space<vmem>>
    %dma_start3A_45 = tpu.memref_squeeze %dma_start3A_44 : memref<1x104x16xf32, #tpu.memory_space<vmem>> -> memref<104x16xf32, #tpu.memory_space<vmem>>
    %dma_start3A_46 = arith.constant 312 : i32
    %dma_start3A_47 = tpu.memref_slice %arg6[%dma_start3A_46] : memref<3328xi32, #tpu.memory_space<vmem>> -> memref<104xi32, #tpu.memory_space<vmem>>
    %dma_start3A_48 = arith.constant 0 : i32
    %dma_start3A_49 = arith.constant 0 : i32
    %dma_start3A_50 = tpu.memref_slice %arg3[%dma_start3A_48, %dma_start3A_49] : memref<1000x16xf32, #tpu.memory_space<hbm>> -> memref<1000x16xf32, #tpu.memory_space<hbm>>
    tpu.enqueue_indirect_dma source(%dma_start3A_50 : memref<1000x16xf32, #tpu.memory_space<hbm>>) target(%dma_start3A_45 : memref<104x16xf32, #tpu.memory_space<vmem>>) offsets(%dma_start3A_47 : memref<104xi32, #tpu.memory_space<vmem>>) semaphore(%arg11 : memref<!tpu.dma_semaphore, #tpu.memory_space<semaphore_mem>>)
    %dma_start3A_51 = arith.constant 2 : i32
    %dma_start3A_52 = arith.constant 0 : i32
    %dma_start3A_53 = arith.constant 0 : i32
    %dma_start3A_54 = tpu.memref_slice %arg8[%dma_start3A_51, %dma_start3A_52, %dma_start3A_53] : memref<16x208x16xf32, #tpu.memory_space<vmem>> -> memref<1x104x16xf32, #tpu.memory_space<vmem>>
    %dma_start3A_55 = tpu.memref_squeeze %dma_start3A_54 : memref<1x104x16xf32, #tpu.memory_space<vmem>> -> memref<104x16xf32, #tpu.memory_space<vmem>>
    %dma_start3A_56 = arith.constant 416 : i32
    %dma_start3A_57 = tpu.memref_slice %arg6[%dma_start3A_56] : memref<3328xi32, #tpu.memory_space<vmem>> -> memref<104xi32, #tpu.memory_space<vmem>>
    %dma_start3A_58 = arith.constant 0 : i32
    %dma_start3A_59 = arith.constant 0 : i32
    %dma_start3A_60 = tpu.memref_slice %arg3[%dma_start3A_58, %dma_start3A_59] : memref<1000x16xf32, #tpu.memory_space<hbm>> -> memref<1000x16xf32, #tpu.memory_space<hbm>>
    tpu.enqueue_indirect_dma source(%dma_start3A_60 : memref<1000x16xf32, #tpu.memory_space<hbm>>) target(%dma_start3A_55 : memref<104x16xf32, #tpu.memory_space<vmem>>) offsets(%dma_start3A_57 : memref<104xi32, #tpu.memory_space<vmem>>) semaphore(%arg11 : memref<!tpu.dma_semaphore, #tpu.memory_space<semaphore_mem>>)
    %dma_start3A_61 = arith.constant 2 : i32
    %dma_start3A_62 = arith.constant 104 : i32
    %dma_start3A_63 = arith.constant 0 : i32
    %dma_start3A_64 = tpu.memref_slice %arg8[%dma_start3A_61, %dma_start3A_62, %dma_start3A_63] : memref<16x208x16xf32, #tpu.memory_space<vmem>> -> memref<1x104x16xf32, #tpu.memory_space<vmem>>
    %dma_start3A_65 = tpu.memref_squeeze %dma_start3A_64 : memref<1x104x16xf32, #tpu.memory_space<vmem>> -> memref<104x16xf32, #tpu.memory_space<vmem>>
    %dma_start3A_66 = arith.constant 520 : i32
    %dma_start3A_67 = tpu.memref_slice %arg6[%dma_start3A_66] : memref<3328xi32, #tpu.memory_space<vmem>> -> memref<104xi32, #tpu.memory_space<vmem>>
    %dma_start3A_68 = arith.constant 0 : i32
    %dma_start3A_69 = arith.constant 0 : i32
    %dma_start3A_70 = tpu.memref_slice %arg3[%dma_start3A_68, %dma_start3A_69] : memref<1000x16xf32, #tpu.memory_space<hbm>> -> memref<1000x16xf32, #tpu.memory_space<hbm>>
    tpu.enqueue_indirect_dma source(%dma_start3A_70 : memref<1000x16xf32, #tpu.memory_space<hbm>>) target(%dma_start3A_65 : memref<104x16xf32, #tpu.memory_space<vmem>>) offsets(%dma_start3A_67 : memref<104xi32, #tpu.memory_space<vmem>>) semaphore(%arg11 : memref<!tpu.dma_semaphore, #tpu.memory_space<semaphore_mem>>)
    %dma_start3A_71 = arith.constant 3 : i32
    %dma_start3A_72 = arith.constant 0 : i32
    %dma_start3A_73 = arith.constant 0 : i32
    %dma_start3A_74 = tpu.memref_slice %arg8[%dma_start3A_71, %dma_start3A_72, %dma_start3A_73] : memref<16x208x16xf32, #tpu.memory_space<vmem>> -> memref<1x104x16xf32, #tpu.memory_space<vmem>>
    %dma_start3A_75 = tpu.memref_squeeze %dma_start3A_74 : memref<1x104x16xf32, #tpu.memory_space<vmem>> -> memref<104x16xf32, #tpu.memory_space<vmem>>
    %dma_start3A_76 = arith.constant 624 : i32
    %dma_start3A_77 = tpu.memref_slice %arg6[%dma_start3A_76] : memref<3328xi32, #tpu.memory_space<vmem>> -> memref<104xi32, #tpu.memory_space<vmem>>
    %dma_start3A_78 = arith.constant 0 : i32
    %dma_start3A_79 = arith.constant 0 : i32
    %dma_start3A_80 = tpu.memref_slice %arg3[%dma_start3A_78, %dma_start3A_79] : memref<1000x16xf32, #tpu.memory_space<hbm>> -> memref<1000x16xf32, #tpu.memory_space<hbm>>
    tpu.enqueue_indirect_dma source(%dma_start3A_80 : memref<1000x16xf32, #tpu.memory_space<hbm>>) target(%dma_start3A_75 : memref<104x16xf32, #tpu.memory_space<vmem>>) offsets(%dma_start3A_77 : memref<104xi32, #tpu.memory_space<vmem>>) semaphore(%arg11 : memref<!tpu.dma_semaphore, #tpu.memory_space<semaphore_mem>>)
    %dma_start3A_81 = arith.constant 3 : i32
    %dma_start3A_82 = arith.constant 104 : i32
    %dma_start3A_83 = arith.constant 0 : i32
    %dma_start3A_84 = tpu.memref_slice %arg8[%dma_start3A_81, %dma_start3A_82, %dma_start3A_83] : memref<16x208x16xf32, #tpu.memory_space<vmem>> -> memref<1x104x16xf32, #tpu.memory_space<vmem>>
    %dma_start3A_85 = tpu.memref_squeeze %dma_start3A_84 : memref<1x104x16xf32, #tpu.memory_space<vmem>> -> memref<104x16xf32, #tpu.memory_space<vmem>>
    %dma_start3A_86 = arith.constant 728 : i32
    %dma_start3A_87 = tpu.memref_slice %arg6[%dma_start3A_86] : memref<3328xi32, #tpu.memory_space<vmem>> -> memref<104xi32, #tpu.memory_space<vmem>>
    %dma_start3A_88 = arith.constant 0 : i32
    %dma_start3A_89 = arith.constant 0 : i32
    %dma_start3A_90 = tpu.memref_slice %arg3[%dma_start3A_88, %dma_start3A_89] : memref<1000x16xf32, #tpu.memory_space<hbm>> -> memref<1000x16xf32, #tpu.memory_space<hbm>>
    tpu.enqueue_indirect_dma source(%dma_start3A_90 : memref<1000x16xf32, #tpu.memory_space<hbm>>) target(%dma_start3A_85 : memref<104x16xf32, #tpu.memory_space<vmem>>) offsets(%dma_start3A_87 : memref<104xi32, #tpu.memory_space<vmem>>) semaphore(%arg11 : memref<!tpu.dma_semaphore, #tpu.memory_space<semaphore_mem>>)
    %dma_start3A_91 = arith.constant 4 : i32
    %dma_start3A_92 = arith.constant 0 : i32
    %dma_start3A_93 = arith.constant 0 : i32
    %dma_start3A_94 = tpu.memref_slice %arg8[%dma_start3A_91, %dma_start3A_92, %dma_start3A_93] : memref<16x208x16xf32, #tpu.memory_space<vmem>> -> memref<1x104x16xf32, #tpu.memory_space<vmem>>
    %dma_start3A_95 = tpu.memref_squeeze %dma_start3A_94 : memref<1x104x16xf32, #tpu.memory_space<vmem>> -> memref<104x16xf32, #tpu.memory_space<vmem>>
    %dma_start3A_96 = arith.constant 832 : i32
    %dma_start3A_97 = tpu.memref_slice %arg6[%dma_start3A_96] : memref<3328xi32, #tpu.memory_space<vmem>> -> memref<104xi32, #tpu.memory_space<vmem>>
    %dma_start3A_98 = arith.constant 0 : i32
    %dma_start3A_99 = arith.constant 0 : i32
    %dma_start3A_100 = tpu.memref_slice %arg3[%dma_start3A_98, %dma_start3A_99] : memref<1000x16xf32, #tpu.memory_space<hbm>> -> memref<1000x16xf32, #tpu.memory_space<hbm>>
    tpu.enqueue_indirect_dma source(%dma_start3A_100 : memref<1000x16xf32, #tpu.memory_space<hbm>>) target(%dma_start3A_95 : memref<104x16xf32, #tpu.memory_space<vmem>>) offsets(%dma_start3A_97 : memref<104xi32, #tpu.memory_space<vmem>>) semaphore(%arg11 : memref<!tpu.dma_semaphore, #tpu.memory_space<semaphore_mem>>)
    %dma_start3A_101 = arith.constant 4 : i32
    %dma_start3A_102 = arith.constant 104 : i32
    %dma_start3A_103 = arith.constant 0 : i32
    %dma_start3A_104 = tpu.memref_slice %arg8[%dma_start3A_101, %dma_start3A_102, %dma_start3A_103] : memref<16x208x16xf32, #tpu.memory_space<vmem>> -> memref<1x104x16xf32, #tpu.memory_space<vmem>>
    %dma_start3A_105 = tpu.memref_squeeze %dma_start3A_104 : memref<1x104x16xf32, #tpu.memory_space<vmem>> -> memref<104x16xf32, #tpu.memory_space<vmem>>
    %dma_start3A_106 = arith.constant 936 : i32
    %dma_start3A_107 = tpu.memref_slice %arg6[%dma_start3A_106] : memref<3328xi32, #tpu.memory_space<vmem>> -> memref<104xi32, #tpu.memory_space<vmem>>
    %dma_start3A_108 = arith.constant 0 : i32
    %dma_start3A_109 = arith.constant 0 : i32
    %dma_start3A_110 = tpu.memref_slice %arg3[%dma_start3A_108, %dma_start3A_109] : memref<1000x16xf32, #tpu.memory_space<hbm>> -> memref<1000x16xf32, #tpu.memory_space<hbm>>
    tpu.enqueue_indirect_dma source(%dma_start3A_110 : memref<1000x16xf32, #tpu.memory_space<hbm>>) target(%dma_start3A_105 : memref<104x16xf32, #tpu.memory_space<vmem>>) offsets(%dma_start3A_107 : memref<104xi32, #tpu.memory_space<vmem>>) semaphore(%arg11 : memref<!tpu.dma_semaphore, #tpu.memory_space<semaphore_mem>>)
    %dma_start3A_111 = arith.constant 5 : i32
    %dma_start3A_112 = arith.constant 0 : i32
    %dma_start3A_113 = arith.constant 0 : i32
    %dma_start3A_114 = tpu.memref_slice %arg8[%dma_start3A_111, %dma_start3A_112, %dma_start3A_113] : memref<16x208x16xf32, #tpu.memory_space<vmem>> -> memref<1x104x16xf32, #tpu.memory_space<vmem>>
    %dma_start3A_115 = tpu.memref_squeeze %dma_start3A_114 : memref<1x104x16xf32, #tpu.memory_space<vmem>> -> memref<104x16xf32, #tpu.memory_space<vmem>>
    %dma_start3A_116 = arith.constant 1040 : i32
    %dma_start3A_117 = tpu.memref_slice %arg6[%dma_start3A_116] : memref<3328xi32, #tpu.memory_space<vmem>> -> memref<104xi32, #tpu.memory_space<vmem>>
    %dma_start3A_118 = arith.constant 0 : i32
    %dma_start3A_119 = arith.constant 0 : i32
    %dma_start3A_120 = tpu.memref_slice %arg3[%dma_start3A_118, %dma_start3A_119] : memref<1000x16xf32, #tpu.memory_space<hbm>> -> memref<1000x16xf32, #tpu.memory_space<hbm>>
    tpu.enqueue_indirect_dma source(%dma_start3A_120 : memref<1000x16xf32, #tpu.memory_space<hbm>>) target(%dma_start3A_115 : memref<104x16xf32, #tpu.memory_space<vmem>>) offsets(%dma_start3A_117 : memref<104xi32, #tpu.memory_space<vmem>>) semaphore(%arg11 : memref<!tpu.dma_semaphore, #tpu.memory_space<semaphore_mem>>)
    %dma_start3A_121 = arith.constant 5 : i32
    %dma_start3A_122 = arith.constant 104 : i32
    %dma_start3A_123 = arith.constant 0 : i32
    %dma_start3A_124 = tpu.memref_slice %arg8[%dma_start3A_121, %dma_start3A_122, %dma_start3A_123] : memref<16x208x16xf32, #tpu.memory_space<vmem>> -> memref<1x104x16xf32, #tpu.memory_space<vmem>>
    %dma_start3A_125 = tpu.memref_squeeze %dma_start3A_124 : memref<1x104x16xf32, #tpu.memory_space<vmem>> -> memref<104x16xf32, #tpu.memory_space<vmem>>
    %dma_start3A_126 = arith.constant 1144 : i32
    %dma_start3A_127 = tpu.memref_slice %arg6[%dma_start3A_126] : memref<3328xi32, #tpu.memory_space<vmem>> -> memref<104xi32, #tpu.memory_space<vmem>>
    %dma_start3A_128 = arith.constant 0 : i32
    %dma_start3A_129 = arith.constant 0 : i32
    %dma_start3A_130 = tpu.memref_slice %arg3[%dma_start3A_128, %dma_start3A_129] : memref<1000x16xf32, #tpu.memory_space<hbm>> -> memref<1000x16xf32, #tpu.memory_space<hbm>>
    tpu.enqueue_indirect_dma source(%dma_start3A_130 : memref<1000x16xf32, #tpu.memory_space<hbm>>) target(%dma_start3A_125 : memref<104x16xf32, #tpu.memory_space<vmem>>) offsets(%dma_start3A_127 : memref<104xi32, #tpu.memory_space<vmem>>) semaphore(%arg11 : memref<!tpu.dma_semaphore, #tpu.memory_space<semaphore_mem>>)
    %dma_start3A_131 = arith.constant 6 : i32
    %dma_start3A_132 = arith.constant 0 : i32
    %dma_start3A_133 = arith.constant 0 : i32
    %dma_start3A_134 = tpu.memref_slice %arg8[%dma_start3A_131, %dma_start3A_132, %dma_start3A_133] : memref<16x208x16xf32, #tpu.memory_space<vmem>> -> memref<1x104x16xf32, #tpu.memory_space<vmem>>
    %dma_start3A_135 = tpu.memref_squeeze %dma_start3A_134 : memref<1x104x16xf32, #tpu.memory_space<vmem>> -> memref<104x16xf32, #tpu.memory_space<vmem>>
    %dma_start3A_136 = arith.constant 1248 : i32
    %dma_start3A_137 = tpu.memref_slice %arg6[%dma_start3A_136] : memref<3328xi32, #tpu.memory_space<vmem>> -> memref<104xi32, #tpu.memory_space<vmem>>
    %dma_start3A_138 = arith.constant 0 : i32
    %dma_start3A_139 = arith.constant 0 : i32
    %dma_start3A_140 = tpu.memref_slice %arg3[%dma_start3A_138, %dma_start3A_139] : memref<1000x16xf32, #tpu.memory_space<hbm>> -> memref<1000x16xf32, #tpu.memory_space<hbm>>
    tpu.enqueue_indirect_dma source(%dma_start3A_140 : memref<1000x16xf32, #tpu.memory_space<hbm>>) target(%dma_start3A_135 : memref<104x16xf32, #tpu.memory_space<vmem>>) offsets(%dma_start3A_137 : memref<104xi32, #tpu.memory_space<vmem>>) semaphore(%arg11 : memref<!tpu.dma_semaphore, #tpu.memory_space<semaphore_mem>>)
    %dma_start3A_141 = arith.constant 6 : i32
    %dma_start3A_142 = arith.constant 104 : i32
    %dma_start3A_143 = arith.constant 0 : i32
    %dma_start3A_144 = tpu.memref_slice %arg8[%dma_start3A_141, %dma_start3A_142, %dma_start3A_143] : memref<16x208x16xf32, #tpu.memory_space<vmem>> -> memref<1x104x16xf32, #tpu.memory_space<vmem>>
    %dma_start3A_145 = tpu.memref_squeeze %dma_start3A_144 : memref<1x104x16xf32, #tpu.memory_space<vmem>> -> memref<104x16xf32, #tpu.memory_space<vmem>>
    %dma_start3A_146 = arith.constant 1352 : i32
    %dma_start3A_147 = tpu.memref_slice %arg6[%dma_start3A_146] : memref<3328xi32, #tpu.memory_space<vmem>> -> memref<104xi32, #tpu.memory_space<vmem>>
    %dma_start3A_148 = arith.constant 0 : i32
    %dma_start3A_149 = arith.constant 0 : i32
    %dma_start3A_150 = tpu.memref_slice %arg3[%dma_start3A_148, %dma_start3A_149] : memref<1000x16xf32, #tpu.memory_space<hbm>> -> memref<1000x16xf32, #tpu.memory_space<hbm>>
    tpu.enqueue_indirect_dma source(%dma_start3A_150 : memref<1000x16xf32, #tpu.memory_space<hbm>>) target(%dma_start3A_145 : memref<104x16xf32, #tpu.memory_space<vmem>>) offsets(%dma_start3A_147 : memref<104xi32, #tpu.memory_space<vmem>>) semaphore(%arg11 : memref<!tpu.dma_semaphore, #tpu.memory_space<semaphore_mem>>)
    %dma_start3A_151 = arith.constant 7 : i32
    %dma_start3A_152 = arith.constant 0 : i32
    %dma_start3A_153 = arith.constant 0 : i32
    %dma_start3A_154 = tpu.memref_slice %arg8[%dma_start3A_151, %dma_start3A_152, %dma_start3A_153] : memref<16x208x16xf32, #tpu.memory_space<vmem>> -> memref<1x104x16xf32, #tpu.memory_space<vmem>>
    %dma_start3A_155 = tpu.memref_squeeze %dma_start3A_154 : memref<1x104x16xf32, #tpu.memory_space<vmem>> -> memref<104x16xf32, #tpu.memory_space<vmem>>
    %dma_start3A_156 = arith.constant 1456 : i32
    %dma_start3A_157 = tpu.memref_slice %arg6[%dma_start3A_156] : memref<3328xi32, #tpu.memory_space<vmem>> -> memref<104xi32, #tpu.memory_space<vmem>>
    %dma_start3A_158 = arith.constant 0 : i32
    %dma_start3A_159 = arith.constant 0 : i32
    %dma_start3A_160 = tpu.memref_slice %arg3[%dma_start3A_158, %dma_start3A_159] : memref<1000x16xf32, #tpu.memory_space<hbm>> -> memref<1000x16xf32, #tpu.memory_space<hbm>>
    tpu.enqueue_indirect_dma source(%dma_start3A_160 : memref<1000x16xf32, #tpu.memory_space<hbm>>) target(%dma_start3A_155 : memref<104x16xf32, #tpu.memory_space<vmem>>) offsets(%dma_start3A_157 : memref<104xi32, #tpu.memory_space<vmem>>) semaphore(%arg11 : memref<!tpu.dma_semaphore, #tpu.memory_space<semaphore_mem>>)
    %dma_start3A_161 = arith.constant 7 : i32
    %dma_start3A_162 = arith.constant 104 : i32
    %dma_start3A_163 = arith.constant 0 : i32
    %dma_start3A_164 = tpu.memref_slice %arg8[%dma_start3A_161, %dma_start3A_162, %dma_start3A_163] : memref<16x208x16xf32, #tpu.memory_space<vmem>> -> memref<1x104x16xf32, #tpu.memory_space<vmem>>
    %dma_start3A_165 = tpu.memref_squeeze %dma_start3A_164 : memref<1x104x16xf32, #tpu.memory_space<vmem>> -> memref<104x16xf32, #tpu.memory_space<vmem>>
    %dma_start3A_166 = arith.constant 1560 : i32
    %dma_start3A_167 = tpu.memref_slice %arg6[%dma_start3A_166] : memref<3328xi32, #tpu.memory_space<vmem>> -> memref<104xi32, #tpu.memory_space<vmem>>
    %dma_start3A_168 = arith.constant 0 : i32
    %dma_start3A_169 = arith.constant 0 : i32
    %dma_start3A_170 = tpu.memref_slice %arg3[%dma_start3A_168, %dma_start3A_169] : memref<1000x16xf32, #tpu.memory_space<hbm>> -> memref<1000x16xf32, #tpu.memory_space<hbm>>
    tpu.enqueue_indirect_dma source(%dma_start3A_170 : memref<1000x16xf32, #tpu.memory_space<hbm>>) target(%dma_start3A_165 : memref<104x16xf32, #tpu.memory_space<vmem>>) offsets(%dma_start3A_167 : memref<104xi32, #tpu.memory_space<vmem>>) semaphore(%arg11 : memref<!tpu.dma_semaphore, #tpu.memory_space<semaphore_mem>>)
    %dma_start3A_171 = arith.constant 8 : i32
    %dma_start3A_172 = arith.constant 0 : i32
    %dma_start3A_173 = arith.constant 0 : i32
    %dma_start3A_174 = tpu.memref_slice %arg8[%dma_start3A_171, %dma_start3A_172, %dma_start3A_173] : memref<16x208x16xf32, #tpu.memory_space<vmem>> -> memref<1x104x16xf32, #tpu.memory_space<vmem>>
    %dma_start3A_175 = tpu.memref_squeeze %dma_start3A_174 : memref<1x104x16xf32, #tpu.memory_space<vmem>> -> memref<104x16xf32, #tpu.memory_space<vmem>>
    %dma_start3A_176 = arith.constant 1664 : i32
    %dma_start3A_177 = tpu.memref_slice %arg6[%dma_start3A_176] : memref<3328xi32, #tpu.memory_space<vmem>> -> memref<104xi32, #tpu.memory_space<vmem>>
    %dma_start3A_178 = arith.constant 0 : i32
    %dma_start3A_179 = arith.constant 0 : i32
    %dma_start3A_180 = tpu.memref_slice %arg3[%dma_start3A_178, %dma_start3A_179] : memref<1000x16xf32, #tpu.memory_space<hbm>> -> memref<1000x16xf32, #tpu.memory_space<hbm>>
    tpu.enqueue_indirect_dma source(%dma_start3A_180 : memref<1000x16xf32, #tpu.memory_space<hbm>>) target(%dma_start3A_175 : memref<104x16xf32, #tpu.memory_space<vmem>>) offsets(%dma_start3A_177 : memref<104xi32, #tpu.memory_space<vmem>>) semaphore(%arg11 : memref<!tpu.dma_semaphore, #tpu.memory_space<semaphore_mem>>)
    %dma_start3A_181 = arith.constant 8 : i32
    %dma_start3A_182 = arith.constant 104 : i32
    %dma_start3A_183 = arith.constant 0 : i32
    %dma_start3A_184 = tpu.memref_slice %arg8[%dma_start3A_181, %dma_start3A_182, %dma_start3A_183] : memref<16x208x16xf32, #tpu.memory_space<vmem>> -> memref<1x104x16xf32, #tpu.memory_space<vmem>>
    %dma_start3A_185 = tpu.memref_squeeze %dma_start3A_184 : memref<1x104x16xf32, #tpu.memory_space<vmem>> -> memref<104x16xf32, #tpu.memory_space<vmem>>
    %dma_start3A_186 = arith.constant 1768 : i32
    %dma_start3A_187 = tpu.memref_slice %arg6[%dma_start3A_186] : memref<3328xi32, #tpu.memory_space<vmem>> -> memref<104xi32, #tpu.memory_space<vmem>>
    %dma_start3A_188 = arith.constant 0 : i32
    %dma_start3A_189 = arith.constant 0 : i32
    %dma_start3A_190 = tpu.memref_slice %arg3[%dma_start3A_188, %dma_start3A_189] : memref<1000x16xf32, #tpu.memory_space<hbm>> -> memref<1000x16xf32, #tpu.memory_space<hbm>>
    tpu.enqueue_indirect_dma source(%dma_start3A_190 : memref<1000x16xf32, #tpu.memory_space<hbm>>) target(%dma_start3A_185 : memref<104x16xf32, #tpu.memory_space<vmem>>) offsets(%dma_start3A_187 : memref<104xi32, #tpu.memory_space<vmem>>) semaphore(%arg11 : memref<!tpu.dma_semaphore, #tpu.memory_space<semaphore_mem>>)
    %dma_start3A_191 = arith.constant 9 : i32
    %dma_start3A_192 = arith.constant 0 : i32
    %dma_start3A_193 = arith.constant 0 : i32
    %dma_start3A_194 = tpu.memref_slice %arg8[%dma_start3A_191, %dma_start3A_192, %dma_start3A_193] : memref<16x208x16xf32, #tpu.memory_space<vmem>> -> memref<1x104x16xf32, #tpu.memory_space<vmem>>
    %dma_start3A_195 = tpu.memref_squeeze %dma_start3A_194 : memref<1x104x16xf32, #tpu.memory_space<vmem>> -> memref<104x16xf32, #tpu.memory_space<vmem>>
    %dma_start3A_196 = arith.constant 1872 : i32
    %dma_start3A_197 = tpu.memref_slice %arg6[%dma_start3A_196] : memref<3328xi32, #tpu.memory_space<vmem>> -> memref<104xi32, #tpu.memory_space<vmem>>
    %dma_start3A_198 = arith.constant 0 : i32
    %dma_start3A_199 = arith.constant 0 : i32
    %dma_start3A_200 = tpu.memref_slice %arg3[%dma_start3A_198, %dma_start3A_199] : memref<1000x16xf32, #tpu.memory_space<hbm>> -> memref<1000x16xf32, #tpu.memory_space<hbm>>
    tpu.enqueue_indirect_dma source(%dma_start3A_200 : memref<1000x16xf32, #tpu.memory_space<hbm>>) target(%dma_start3A_195 : memref<104x16xf32, #tpu.memory_space<vmem>>) offsets(%dma_start3A_197 : memref<104xi32, #tpu.memory_space<vmem>>) semaphore(%arg11 : memref<!tpu.dma_semaphore, #tpu.memory_space<semaphore_mem>>)
    %dma_start3A_201 = arith.constant 9 : i32
    %dma_start3A_202 = arith.constant 104 : i32
    %dma_start3A_203 = arith.constant 0 : i32
    %dma_start3A_204 = tpu.memref_slice %arg8[%dma_start3A_201, %dma_start3A_202, %dma_start3A_203] : memref<16x208x16xf32, #tpu.memory_space<vmem>> -> memref<1x104x16xf32, #tpu.memory_space<vmem>>
    %dma_start3A_205 = tpu.memref_squeeze %dma_start3A_204 : memref<1x104x16xf32, #tpu.memory_space<vmem>> -> memref<104x16xf32, #tpu.memory_space<vmem>>
    %dma_start3A_206 = arith.constant 1976 : i32
    %dma_start3A_207 = tpu.memref_slice %arg6[%dma_start3A_206] : memref<3328xi32, #tpu.memory_space<vmem>> -> memref<104xi32, #tpu.memory_space<vmem>>
    %dma_start3A_208 = arith.constant 0 : i32
    %dma_start3A_209 = arith.constant 0 : i32
    %dma_start3A_210 = tpu.memref_slice %arg3[%dma_start3A_208, %dma_start3A_209] : memref<1000x16xf32, #tpu.memory_space<hbm>> -> memref<1000x16xf32, #tpu.memory_space<hbm>>
    tpu.enqueue_indirect_dma source(%dma_start3A_210 : memref<1000x16xf32, #tpu.memory_space<hbm>>) target(%dma_start3A_205 : memref<104x16xf32, #tpu.memory_space<vmem>>) offsets(%dma_start3A_207 : memref<104xi32, #tpu.memory_space<vmem>>) semaphore(%arg11 : memref<!tpu.dma_semaphore, #tpu.memory_space<semaphore_mem>>)
    %dma_start3A_211 = arith.constant 10 : i32
    %dma_start3A_212 = arith.constant 0 : i32
    %dma_start3A_213 = arith.constant 0 : i32
    %dma_start3A_214 = tpu.memref_slice %arg8[%dma_start3A_211, %dma_start3A_212, %dma_start3A_213] : memref<16x208x16xf32, #tpu.memory_space<vmem>> -> memref<1x104x16xf32, #tpu.memory_space<vmem>>
    %dma_start3A_215 = tpu.memref_squeeze %dma_start3A_214 : memref<1x104x16xf32, #tpu.memory_space<vmem>> -> memref<104x16xf32, #tpu.memory_space<vmem>>
    %dma_start3A_216 = arith.constant 2080 : i32
    %dma_start3A_217 = tpu.memref_slice %arg6[%dma_start3A_216] : memref<3328xi32, #tpu.memory_space<vmem>> -> memref<104xi32, #tpu.memory_space<vmem>>
    %dma_start3A_218 = arith.constant 0 : i32
    %dma_start3A_219 = arith.constant 0 : i32
    %dma_start3A_220 = tpu.memref_slice %arg3[%dma_start3A_218, %dma_start3A_219] : memref<1000x16xf32, #tpu.memory_space<hbm>> -> memref<1000x16xf32, #tpu.memory_space<hbm>>
    tpu.enqueue_indirect_dma source(%dma_start3A_220 : memref<1000x16xf32, #tpu.memory_space<hbm>>) target(%dma_start3A_215 : memref<104x16xf32, #tpu.memory_space<vmem>>) offsets(%dma_start3A_217 : memref<104xi32, #tpu.memory_space<vmem>>) semaphore(%arg11 : memref<!tpu.dma_semaphore, #tpu.memory_space<semaphore_mem>>)
    %dma_start3A_221 = arith.constant 10 : i32
    %dma_start3A_222 = arith.constant 104 : i32
    %dma_start3A_223 = arith.constant 0 : i32
    %dma_start3A_224 = tpu.memref_slice %arg8[%dma_start3A_221, %dma_start3A_222, %dma_start3A_223] : memref<16x208x16xf32, #tpu.memory_space<vmem>> -> memref<1x104x16xf32, #tpu.memory_space<vmem>>
    %dma_start3A_225 = tpu.memref_squeeze %dma_start3A_224 : memref<1x104x16xf32, #tpu.memory_space<vmem>> -> memref<104x16xf32, #tpu.memory_space<vmem>>
    %dma_start3A_226 = arith.constant 2184 : i32
    %dma_start3A_227 = tpu.memref_slice %arg6[%dma_start3A_226] : memref<3328xi32, #tpu.memory_space<vmem>> -> memref<104xi32, #tpu.memory_space<vmem>>
    %dma_start3A_228 = arith.constant 0 : i32
    %dma_start3A_229 = arith.constant 0 : i32
    %dma_start3A_230 = tpu.memref_slice %arg3[%dma_start3A_228, %dma_start3A_229] : memref<1000x16xf32, #tpu.memory_space<hbm>> -> memref<1000x16xf32, #tpu.memory_space<hbm>>
    tpu.enqueue_indirect_dma source(%dma_start3A_230 : memref<1000x16xf32, #tpu.memory_space<hbm>>) target(%dma_start3A_225 : memref<104x16xf32, #tpu.memory_space<vmem>>) offsets(%dma_start3A_227 : memref<104xi32, #tpu.memory_space<vmem>>) semaphore(%arg11 : memref<!tpu.dma_semaphore, #tpu.memory_space<semaphore_mem>>)
    %dma_start3A_231 = arith.constant 11 : i32
    %dma_start3A_232 = arith.constant 0 : i32
    %dma_start3A_233 = arith.constant 0 : i32
    %dma_start3A_234 = tpu.memref_slice %arg8[%dma_start3A_231, %dma_start3A_232, %dma_start3A_233] : memref<16x208x16xf32, #tpu.memory_space<vmem>> -> memref<1x104x16xf32, #tpu.memory_space<vmem>>
    %dma_start3A_235 = tpu.memref_squeeze %dma_start3A_234 : memref<1x104x16xf32, #tpu.memory_space<vmem>> -> memref<104x16xf32, #tpu.memory_space<vmem>>
    %dma_start3A_236 = arith.constant 2288 : i32
    %dma_start3A_237 = tpu.memref_slice %arg6[%dma_start3A_236] : memref<3328xi32, #tpu.memory_space<vmem>> -> memref<104xi32, #tpu.memory_space<vmem>>
    %dma_start3A_238 = arith.constant 0 : i32
    %dma_start3A_239 = arith.constant 0 : i32
    %dma_start3A_240 = tpu.memref_slice %arg3[%dma_start3A_238, %dma_start3A_239] : memref<1000x16xf32, #tpu.memory_space<hbm>> -> memref<1000x16xf32, #tpu.memory_space<hbm>>
    tpu.enqueue_indirect_dma source(%dma_start3A_240 : memref<1000x16xf32, #tpu.memory_space<hbm>>) target(%dma_start3A_235 : memref<104x16xf32, #tpu.memory_space<vmem>>) offsets(%dma_start3A_237 : memref<104xi32, #tpu.memory_space<vmem>>) semaphore(%arg11 : memref<!tpu.dma_semaphore, #tpu.memory_space<semaphore_mem>>)
    %dma_start3A_241 = arith.constant 11 : i32
    %dma_start3A_242 = arith.constant 104 : i32
    %dma_start3A_243 = arith.constant 0 : i32
    %dma_start3A_244 = tpu.memref_slice %arg8[%dma_start3A_241, %dma_start3A_242, %dma_start3A_243] : memref<16x208x16xf32, #tpu.memory_space<vmem>> -> memref<1x104x16xf32, #tpu.memory_space<vmem>>
    %dma_start3A_245 = tpu.memref_squeeze %dma_start3A_244 : memref<1x104x16xf32, #tpu.memory_space<vmem>> -> memref<104x16xf32, #tpu.memory_space<vmem>>
    %dma_start3A_246 = arith.constant 2392 : i32
    %dma_start3A_247 = tpu.memref_slice %arg6[%dma_start3A_246] : memref<3328xi32, #tpu.memory_space<vmem>> -> memref<104xi32, #tpu.memory_space<vmem>>
    %dma_start3A_248 = arith.constant 0 : i32
    %dma_start3A_249 = arith.constant 0 : i32
    %dma_start3A_250 = tpu.memref_slice %arg3[%dma_start3A_248, %dma_start3A_249] : memref<1000x16xf32, #tpu.memory_space<hbm>> -> memref<1000x16xf32, #tpu.memory_space<hbm>>
    tpu.enqueue_indirect_dma source(%dma_start3A_250 : memref<1000x16xf32, #tpu.memory_space<hbm>>) target(%dma_start3A_245 : memref<104x16xf32, #tpu.memory_space<vmem>>) offsets(%dma_start3A_247 : memref<104xi32, #tpu.memory_space<vmem>>) semaphore(%arg11 : memref<!tpu.dma_semaphore, #tpu.memory_space<semaphore_mem>>)
    %dma_start3A_251 = arith.constant 12 : i32
    %dma_start3A_252 = arith.constant 0 : i32
    %dma_start3A_253 = arith.constant 0 : i32
    %dma_start3A_254 = tpu.memref_slice %arg8[%dma_start3A_251, %dma_start3A_252, %dma_start3A_253] : memref<16x208x16xf32, #tpu.memory_space<vmem>> -> memref<1x104x16xf32, #tpu.memory_space<vmem>>
    %dma_start3A_255 = tpu.memref_squeeze %dma_start3A_254 : memref<1x104x16xf32, #tpu.memory_space<vmem>> -> memref<104x16xf32, #tpu.memory_space<vmem>>
    %dma_start3A_256 = arith.constant 2496 : i32
    %dma_start3A_257 = tpu.memref_slice %arg6[%dma_start3A_256] : memref<3328xi32, #tpu.memory_space<vmem>> -> memref<104xi32, #tpu.memory_space<vmem>>
    %dma_start3A_258 = arith.constant 0 : i32
    %dma_start3A_259 = arith.constant 0 : i32
    %dma_start3A_260 = tpu.memref_slice %arg3[%dma_start3A_258, %dma_start3A_259] : memref<1000x16xf32, #tpu.memory_space<hbm>> -> memref<1000x16xf32, #tpu.memory_space<hbm>>
    tpu.enqueue_indirect_dma source(%dma_start3A_260 : memref<1000x16xf32, #tpu.memory_space<hbm>>) target(%dma_start3A_255 : memref<104x16xf32, #tpu.memory_space<vmem>>) offsets(%dma_start3A_257 : memref<104xi32, #tpu.memory_space<vmem>>) semaphore(%arg11 : memref<!tpu.dma_semaphore, #tpu.memory_space<semaphore_mem>>)
    %dma_start3A_261 = arith.constant 12 : i32
    %dma_start3A_262 = arith.constant 104 : i32
    %dma_start3A_263 = arith.constant 0 : i32
    %dma_start3A_264 = tpu.memref_slice %arg8[%dma_start3A_261, %dma_start3A_262, %dma_start3A_263] : memref<16x208x16xf32, #tpu.memory_space<vmem>> -> memref<1x104x16xf32, #tpu.memory_space<vmem>>
    %dma_start3A_265 = tpu.memref_squeeze %dma_start3A_264 : memref<1x104x16xf32, #tpu.memory_space<vmem>> -> memref<104x16xf32, #tpu.memory_space<vmem>>
    %dma_start3A_266 = arith.constant 2600 : i32
    %dma_start3A_267 = tpu.memref_slice %arg6[%dma_start3A_266] : memref<3328xi32, #tpu.memory_space<vmem>> -> memref<104xi32, #tpu.memory_space<vmem>>
    %dma_start3A_268 = arith.constant 0 : i32
    %dma_start3A_269 = arith.constant 0 : i32
    %dma_start3A_270 = tpu.memref_slice %arg3[%dma_start3A_268, %dma_start3A_269] : memref<1000x16xf32, #tpu.memory_space<hbm>> -> memref<1000x16xf32, #tpu.memory_space<hbm>>
    tpu.enqueue_indirect_dma source(%dma_start3A_270 : memref<1000x16xf32, #tpu.memory_space<hbm>>) target(%dma_start3A_265 : memref<104x16xf32, #tpu.memory_space<vmem>>) offsets(%dma_start3A_267 : memref<104xi32, #tpu.memory_space<vmem>>) semaphore(%arg11 : memref<!tpu.dma_semaphore, #tpu.memory_space<semaphore_mem>>)
    %dma_start3A_271 = arith.constant 13 : i32
    %dma_start3A_272 = arith.constant 0 : i32
    %dma_start3A_273 = arith.constant 0 : i32
    %dma_start3A_274 = tpu.memref_slice %arg8[%dma_start3A_271, %dma_start3A_272, %dma_start3A_273] : memref<16x208x16xf32, #tpu.memory_space<vmem>> -> memref<1x104x16xf32, #tpu.memory_space<vmem>>
    %dma_start3A_275 = tpu.memref_squeeze %dma_start3A_274 : memref<1x104x16xf32, #tpu.memory_space<vmem>> -> memref<104x16xf32, #tpu.memory_space<vmem>>
    %dma_start3A_276 = arith.constant 2704 : i32
    %dma_start3A_277 = tpu.memref_slice %arg6[%dma_start3A_276] : memref<3328xi32, #tpu.memory_space<vmem>> -> memref<104xi32, #tpu.memory_space<vmem>>
    %dma_start3A_278 = arith.constant 0 : i32
    %dma_start3A_279 = arith.constant 0 : i32
    %dma_start3A_280 = tpu.memref_slice %arg3[%dma_start3A_278, %dma_start3A_279] : memref<1000x16xf32, #tpu.memory_space<hbm>> -> memref<1000x16xf32, #tpu.memory_space<hbm>>
    tpu.enqueue_indirect_dma source(%dma_start3A_280 : memref<1000x16xf32, #tpu.memory_space<hbm>>) target(%dma_start3A_275 : memref<104x16xf32, #tpu.memory_space<vmem>>) offsets(%dma_start3A_277 : memref<104xi32, #tpu.memory_space<vmem>>) semaphore(%arg11 : memref<!tpu.dma_semaphore, #tpu.memory_space<semaphore_mem>>)
    %dma_start3A_281 = arith.constant 13 : i32
    %dma_start3A_282 = arith.constant 104 : i32
    %dma_start3A_283 = arith.constant 0 : i32
    %dma_start3A_284 = tpu.memref_slice %arg8[%dma_start3A_281, %dma_start3A_282, %dma_start3A_283] : memref<16x208x16xf32, #tpu.memory_space<vmem>> -> memref<1x104x16xf32, #tpu.memory_space<vmem>>
    %dma_start3A_285 = tpu.memref_squeeze %dma_start3A_284 : memref<1x104x16xf32, #tpu.memory_space<vmem>> -> memref<104x16xf32, #tpu.memory_space<vmem>>
    %dma_start3A_286 = arith.constant 2808 : i32
    %dma_start3A_287 = tpu.memref_slice %arg6[%dma_start3A_286] : memref<3328xi32, #tpu.memory_space<vmem>> -> memref<104xi32, #tpu.memory_space<vmem>>
    %dma_start3A_288 = arith.constant 0 : i32
    %dma_start3A_289 = arith.constant 0 : i32
    %dma_start3A_290 = tpu.memref_slice %arg3[%dma_start3A_288, %dma_start3A_289] : memref<1000x16xf32, #tpu.memory_space<hbm>> -> memref<1000x16xf32, #tpu.memory_space<hbm>>
    tpu.enqueue_indirect_dma source(%dma_start3A_290 : memref<1000x16xf32, #tpu.memory_space<hbm>>) target(%dma_start3A_285 : memref<104x16xf32, #tpu.memory_space<vmem>>) offsets(%dma_start3A_287 : memref<104xi32, #tpu.memory_space<vmem>>) semaphore(%arg11 : memref<!tpu.dma_semaphore, #tpu.memory_space<semaphore_mem>>)
    %dma_start3A_291 = arith.constant 14 : i32
    %dma_start3A_292 = arith.constant 0 : i32
    %dma_start3A_293 = arith.constant 0 : i32
    %dma_start3A_294 = tpu.memref_slice %arg8[%dma_start3A_291, %dma_start3A_292, %dma_start3A_293] : memref<16x208x16xf32, #tpu.memory_space<vmem>> -> memref<1x104x16xf32, #tpu.memory_space<vmem>>
    %dma_start3A_295 = tpu.memref_squeeze %dma_start3A_294 : memref<1x104x16xf32, #tpu.memory_space<vmem>> -> memref<104x16xf32, #tpu.memory_space<vmem>>
    %dma_start3A_296 = arith.constant 2912 : i32
    %dma_start3A_297 = tpu.memref_slice %arg6[%dma_start3A_296] : memref<3328xi32, #tpu.memory_space<vmem>> -> memref<104xi32, #tpu.memory_space<vmem>>
    %dma_start3A_298 = arith.constant 0 : i32
    %dma_start3A_299 = arith.constant 0 : i32
    %dma_start3A_300 = tpu.memref_slice %arg3[%dma_start3A_298, %dma_start3A_299] : memref<1000x16xf32, #tpu.memory_space<hbm>> -> memref<1000x16xf32, #tpu.memory_space<hbm>>
    tpu.enqueue_indirect_dma source(%dma_start3A_300 : memref<1000x16xf32, #tpu.memory_space<hbm>>) target(%dma_start3A_295 : memref<104x16xf32, #tpu.memory_space<vmem>>) offsets(%dma_start3A_297 : memref<104xi32, #tpu.memory_space<vmem>>) semaphore(%arg11 : memref<!tpu.dma_semaphore, #tpu.memory_space<semaphore_mem>>)
    %dma_start3A_301 = arith.constant 14 : i32
    %dma_start3A_302 = arith.constant 104 : i32
    %dma_start3A_303 = arith.constant 0 : i32
    %dma_start3A_304 = tpu.memref_slice %arg8[%dma_start3A_301, %dma_start3A_302, %dma_start3A_303] : memref<16x208x16xf32, #tpu.memory_space<vmem>> -> memref<1x104x16xf32, #tpu.memory_space<vmem>>
    %dma_start3A_305 = tpu.memref_squeeze %dma_start3A_304 : memref<1x104x16xf32, #tpu.memory_space<vmem>> -> memref<104x16xf32, #tpu.memory_space<vmem>>
    %dma_start3A_306 = arith.constant 3016 : i32
    %dma_start3A_307 = tpu.memref_slice %arg6[%dma_start3A_306] : memref<3328xi32, #tpu.memory_space<vmem>> -> memref<104xi32, #tpu.memory_space<vmem>>
    %dma_start3A_308 = arith.constant 0 : i32
    %dma_start3A_309 = arith.constant 0 : i32
    %dma_start3A_310 = tpu.memref_slice %arg3[%dma_start3A_308, %dma_start3A_309] : memref<1000x16xf32, #tpu.memory_space<hbm>> -> memref<1000x16xf32, #tpu.memory_space<hbm>>
    tpu.enqueue_indirect_dma source(%dma_start3A_310 : memref<1000x16xf32, #tpu.memory_space<hbm>>) target(%dma_start3A_305 : memref<104x16xf32, #tpu.memory_space<vmem>>) offsets(%dma_start3A_307 : memref<104xi32, #tpu.memory_space<vmem>>) semaphore(%arg11 : memref<!tpu.dma_semaphore, #tpu.memory_space<semaphore_mem>>)
    %dma_start3A_311 = arith.constant 15 : i32
    %dma_start3A_312 = arith.constant 0 : i32
    %dma_start3A_313 = arith.constant 0 : i32
    %dma_start3A_314 = tpu.memref_slice %arg8[%dma_start3A_311, %dma_start3A_312, %dma_start3A_313] : memref<16x208x16xf32, #tpu.memory_space<vmem>> -> memref<1x104x16xf32, #tpu.memory_space<vmem>>
    %dma_start3A_315 = tpu.memref_squeeze %dma_start3A_314 : memref<1x104x16xf32, #tpu.memory_space<vmem>> -> memref<104x16xf32, #tpu.memory_space<vmem>>
    %dma_start3A_316 = arith.constant 3120 : i32
    %dma_start3A_317 = tpu.memref_slice %arg6[%dma_start3A_316] : memref<3328xi32, #tpu.memory_space<vmem>> -> memref<104xi32, #tpu.memory_space<vmem>>
    %dma_start3A_318 = arith.constant 0 : i32
    %dma_start3A_319 = arith.constant 0 : i32
    %dma_start3A_320 = tpu.memref_slice %arg3[%dma_start3A_318, %dma_start3A_319] : memref<1000x16xf32, #tpu.memory_space<hbm>> -> memref<1000x16xf32, #tpu.memory_space<hbm>>
    tpu.enqueue_indirect_dma source(%dma_start3A_320 : memref<1000x16xf32, #tpu.memory_space<hbm>>) target(%dma_start3A_315 : memref<104x16xf32, #tpu.memory_space<vmem>>) offsets(%dma_start3A_317 : memref<104xi32, #tpu.memory_space<vmem>>) semaphore(%arg11 : memref<!tpu.dma_semaphore, #tpu.memory_space<semaphore_mem>>)
    %dma_start3A_321 = arith.constant 15 : i32
    %dma_start3A_322 = arith.constant 104 : i32
    %dma_start3A_323 = arith.constant 0 : i32
    %dma_start3A_324 = tpu.memref_slice %arg8[%dma_start3A_321, %dma_start3A_322, %dma_start3A_323] : memref<16x208x16xf32, #tpu.memory_space<vmem>> -> memref<1x104x16xf32, #tpu.memory_space<vmem>>
    %dma_start3A_325 = tpu.memref_squeeze %dma_start3A_324 : memref<1x104x16xf32, #tpu.memory_space<vmem>> -> memref<104x16xf32, #tpu.memory_space<vmem>>
    %dma_start3A_326 = arith.constant 3224 : i32
    %dma_start3A_327 = tpu.memref_slice %arg6[%dma_start3A_326] : memref<3328xi32, #tpu.memory_space<vmem>> -> memref<104xi32, #tpu.memory_space<vmem>>
    %dma_start3A_328 = arith.constant 0 : i32
    %dma_start3A_329 = arith.constant 0 : i32
    %dma_start3A_330 = tpu.memref_slice %arg3[%dma_start3A_328, %dma_start3A_329] : memref<1000x16xf32, #tpu.memory_space<hbm>> -> memref<1000x16xf32, #tpu.memory_space<hbm>>
    tpu.enqueue_indirect_dma source(%dma_start3A_330 : memref<1000x16xf32, #tpu.memory_space<hbm>>) target(%dma_start3A_325 : memref<104x16xf32, #tpu.memory_space<vmem>>) offsets(%dma_start3A_327 : memref<104xi32, #tpu.memory_space<vmem>>) semaphore(%arg11 : memref<!tpu.dma_semaphore, #tpu.memory_space<semaphore_mem>>)
    %scan3A_331 = arith.constant 0 : i32
    %scan3A_332 = arith.constant 0 : i32
    %scan3A_333 = arith.constant 200 : i32
    %scan3A_334 = arith.addi %scan3A_332, %scan3A_333 : i32
    %scan3A_335 = arith.constant 4 : i32
    scf.for %scan3A_1332 = %scan3A_332 to %scan3A_334 step %scan3A_335  : i32 {
      %add3A_1333 = vector.broadcast %scan3A_1332 : i32 to vector<16xi32>
      %add3A_1334 = arith.addi %mul3A_9, %add3A_1333 : vector<16xi32>
      %gather3A = tpu.vector_load_idx %arg6[%add3A_1334] : memref<3328xi32, #tpu.memory_space<vmem>>[vector<16xi32>], vector<16xi32>,
      %mul3A_1335 = arith.constant 16 : i32
      %mul3A_1336 = vector.broadcast %mul3A_1335 : i32 to vector<16xi32>
      %mul3A_1337 = arith.muli %gather3A, %mul3A_1336 : vector<16xi32>
      %add3A_1338 = arith.addi %mul3A_1337, %iota3A : vector<16xi32>
      %gather3A_1339 = tpu.vector_load_idx %arg7[%add3A_1338] : memref<16000xi32, #tpu.memory_space<vmem>>[vector<16xi32>], vector<16xi32>,
      %add3A_1340 = arith.constant 256 : i32
      %add3A_1341 = arith.addi %add3A_1340, %scan3A_1332 : i32
      %broadcast_in_dim3A_1342 = vector.broadcast %add3A_1341 : i32 to vector<16xi32>
      tpu.vector_store_idx %arg7[%add3A_1338], %broadcast_in_dim3A_1342 : memref<16000xi32, #tpu.memory_space<vmem>>[vector<16xi32>], vector<16xi32>,
      %shift_right_logical3A = arith.constant 8 : i32
      %shift_right_logical3A_1343 = vector.broadcast %shift_right_logical3A : i32 to vector<16xi32>
      %shift_right_logical3A_1344 = arith.shrui %gather3A_1339, %shift_right_logical3A_1343 : vector<16xi32>
      %eq3A = arith.constant 1 : i32
      %eq3A_1345 = vector.broadcast %eq3A : i32 to vector<16xi32>
      %eq3A_1346 = arith.cmpi eq, %shift_right_logical3A_1344, %eq3A_1345 : vector<16xi32>
      %and3A = arith.constant 255 : i32
      %and3A_1347 = vector.broadcast %and3A : i32 to vector<16xi32>
      %and3A_1348 = arith.andi %gather3A_1339, %and3A_1347 : vector<16xi32>
      %broadcast_in_dim3A_1349 = arith.constant -1 : i32
      %broadcast_in_dim3A_1350 = vector.broadcast %broadcast_in_dim3A_1349 : i32 to vector<16xi32>
      %select_n3A = arith.select %eq3A_1346, %and3A_1348, %broadcast_in_dim3A_1350 : vector<16xi1>, vector<16xi32>
      %broadcast_in_dim3A_1351 = vector.broadcast %scan3A_1332 : i32 to vector<16xi32>
      tpu.vector_store_idx %arg9[%iota3A, %broadcast_in_dim3A_1351], %select_n3A : memref<16x208xi32, #tpu.memory_space<vmem>>[vector<16xi32>, vector<16xi32>], vector<16xi32>,
      %scan3A_1352 = arith.constant 1 : i32
      %scan3A_1353 = arith.addi %scan3A_1332, %scan3A_1352 : i32
      %add3A_1354 = vector.broadcast %scan3A_1353 : i32 to vector<16xi32>
      %add3A_1355 = arith.addi %mul3A_9, %add3A_1354 : vector<16xi32>
      %gather3A_1356 = tpu.vector_load_idx %arg6[%add3A_1355] : memref<3328xi32, #tpu.memory_space<vmem>>[vector<16xi32>], vector<16xi32>,
      %mul3A_1357 = arith.constant 16 : i32
      %mul3A_1358 = vector.broadcast %mul3A_1357 : i32 to vector<16xi32>
      %mul3A_1359 = arith.muli %gather3A_1356, %mul3A_1358 : vector<16xi32>
      %add3A_1360 = arith.addi %mul3A_1359, %iota3A : vector<16xi32>
      %gather3A_1361 = tpu.vector_load_idx %arg7[%add3A_1360] : memref<16000xi32, #tpu.memory_space<vmem>>[vector<16xi32>], vector<16xi32>,
      %add3A_1362 = arith.constant 256 : i32
      %add3A_1363 = arith.addi %add3A_1362, %scan3A_1353 : i32
      %broadcast_in_dim3A_1364 = vector.broadcast %add3A_1363 : i32 to vector<16xi32>
      tpu.vector_store_idx %arg7[%add3A_1360], %broadcast_in_dim3A_1364 : memref<16000xi32, #tpu.memory_space<vmem>>[vector<16xi32>], vector<16xi32>,
      %shift_right_logical3A_1365 = arith.constant 8 : i32
      %shift_right_logical3A_1366 = vector.broadcast %shift_right_logical3A_1365 : i32 to vector<16xi32>
      %shift_right_logical3A_1367 = arith.shrui %gather3A_1361, %shift_right_logical3A_1366 : vector<16xi32>
      %eq3A_1368 = arith.constant 1 : i32
      %eq3A_1369 = vector.broadcast %eq3A_1368 : i32 to vector<16xi32>
      %eq3A_1370 = arith.cmpi eq, %shift_right_logical3A_1367, %eq3A_1369 : vector<16xi32>
      %and3A_1371 = arith.constant 255 : i32
      %and3A_1372 = vector.broadcast %and3A_1371 : i32 to vector<16xi32>
      %and3A_1373 = arith.andi %gather3A_1361, %and3A_1372 : vector<16xi32>
      %broadcast_in_dim3A_1374 = arith.constant -1 : i32
      %broadcast_in_dim3A_1375 = vector.broadcast %broadcast_in_dim3A_1374 : i32 to vector<16xi32>
      %select_n3A_1376 = arith.select %eq3A_1370, %and3A_1373, %broadcast_in_dim3A_1375 : vector<16xi1>, vector<16xi32>
      %broadcast_in_dim3A_1377 = vector.broadcast %scan3A_1353 : i32 to vector<16xi32>
      tpu.vector_store_idx %arg9[%iota3A, %broadcast_in_dim3A_1377], %select_n3A_1376 : memref<16x208xi32, #tpu.memory_space<vmem>>[vector<16xi32>, vector<16xi32>], vector<16xi32>,
      %scan3A_1378 = arith.constant 2 : i32
      %scan3A_1379 = arith.addi %scan3A_1332, %scan3A_1378 : i32
      %add3A_1380 = vector.broadcast %scan3A_1379 : i32 to vector<16xi32>
      %add3A_1381 = arith.addi %mul3A_9, %add3A_1380 : vector<16xi32>
      %gather3A_1382 = tpu.vector_load_idx %arg6[%add3A_1381] : memref<3328xi32, #tpu.memory_space<vmem>>[vector<16xi32>], vector<16xi32>,
      %mul3A_1383 = arith.constant 16 : i32
      %mul3A_1384 = vector.broadcast %mul3A_1383 : i32 to vector<16xi32>
      %mul3A_1385 = arith.muli %gather3A_1382, %mul3A_1384 : vector<16xi32>
      %add3A_1386 = arith.addi %mul3A_1385, %iota3A : vector<16xi32>
      %gather3A_1387 = tpu.vector_load_idx %arg7[%add3A_1386] : memref<16000xi32, #tpu.memory_space<vmem>>[vector<16xi32>], vector<16xi32>,
      %add3A_1388 = arith.constant 256 : i32
      %add3A_1389 = arith.addi %add3A_1388, %scan3A_1379 : i32
      %broadcast_in_dim3A_1390 = vector.broadcast %add3A_1389 : i32 to vector<16xi32>
      tpu.vector_store_idx %arg7[%add3A_1386], %broadcast_in_dim3A_1390 : memref<16000xi32, #tpu.memory_space<vmem>>[vector<16xi32>], vector<16xi32>,
      %shift_right_logical3A_1391 = arith.constant 8 : i32
      %shift_right_logical3A_1392 = vector.broadcast %shift_right_logical3A_1391 : i32 to vector<16xi32>
      %shift_right_logical3A_1393 = arith.shrui %gather3A_1387, %shift_right_logical3A_1392 : vector<16xi32>
      %eq3A_1394 = arith.constant 1 : i32
      %eq3A_1395 = vector.broadcast %eq3A_1394 : i32 to vector<16xi32>
      %eq3A_1396 = arith.cmpi eq, %shift_right_logical3A_1393, %eq3A_1395 : vector<16xi32>
      %and3A_1397 = arith.constant 255 : i32
      %and3A_1398 = vector.broadcast %and3A_1397 : i32 to vector<16xi32>
      %and3A_1399 = arith.andi %gather3A_1387, %and3A_1398 : vector<16xi32>
      %broadcast_in_dim3A_1400 = arith.constant -1 : i32
      %broadcast_in_dim3A_1401 = vector.broadcast %broadcast_in_dim3A_1400 : i32 to vector<16xi32>
      %select_n3A_1402 = arith.select %eq3A_1396, %and3A_1399, %broadcast_in_dim3A_1401 : vector<16xi1>, vector<16xi32>
      %broadcast_in_dim3A_1403 = vector.broadcast %scan3A_1379 : i32 to vector<16xi32>
      tpu.vector_store_idx %arg9[%iota3A, %broadcast_in_dim3A_1403], %select_n3A_1402 : memref<16x208xi32, #tpu.memory_space<vmem>>[vector<16xi32>, vector<16xi32>], vector<16xi32>,
      %scan3A_1404 = arith.constant 3 : i32
      %scan3A_1405 = arith.addi %scan3A_1332, %scan3A_1404 : i32
      %add3A_1406 = vector.broadcast %scan3A_1405 : i32 to vector<16xi32>
      %add3A_1407 = arith.addi %mul3A_9, %add3A_1406 : vector<16xi32>
      %gather3A_1408 = tpu.vector_load_idx %arg6[%add3A_1407] : memref<3328xi32, #tpu.memory_space<vmem>>[vector<16xi32>], vector<16xi32>,
      %mul3A_1409 = arith.constant 16 : i32
      %mul3A_1410 = vector.broadcast %mul3A_1409 : i32 to vector<16xi32>
      %mul3A_1411 = arith.muli %gather3A_1408, %mul3A_1410 : vector<16xi32>
      %add3A_1412 = arith.addi %mul3A_1411, %iota3A : vector<16xi32>
      %gather3A_1413 = tpu.vector_load_idx %arg7[%add3A_1412] : memref<16000xi32, #tpu.memory_space<vmem>>[vector<16xi32>], vector<16xi32>,
      %add3A_1414 = arith.constant 256 : i32
      %add3A_1415 = arith.addi %add3A_1414, %scan3A_1405 : i32
      %broadcast_in_dim3A_1416 = vector.broadcast %add3A_1415 : i32 to vector<16xi32>
      tpu.vector_store_idx %arg7[%add3A_1412], %broadcast_in_dim3A_1416 : memref<16000xi32, #tpu.memory_space<vmem>>[vector<16xi32>], vector<16xi32>,
      %shift_right_logical3A_1417 = arith.constant 8 : i32
      %shift_right_logical3A_1418 = vector.broadcast %shift_right_logical3A_1417 : i32 to vector<16xi32>
      %shift_right_logical3A_1419 = arith.shrui %gather3A_1413, %shift_right_logical3A_1418 : vector<16xi32>
      %eq3A_1420 = arith.constant 1 : i32
      %eq3A_1421 = vector.broadcast %eq3A_1420 : i32 to vector<16xi32>
      %eq3A_1422 = arith.cmpi eq, %shift_right_logical3A_1419, %eq3A_1421 : vector<16xi32>
      %and3A_1423 = arith.constant 255 : i32
      %and3A_1424 = vector.broadcast %and3A_1423 : i32 to vector<16xi32>
      %and3A_1425 = arith.andi %gather3A_1413, %and3A_1424 : vector<16xi32>
      %broadcast_in_dim3A_1426 = arith.constant -1 : i32
      %broadcast_in_dim3A_1427 = vector.broadcast %broadcast_in_dim3A_1426 : i32 to vector<16xi32>
      %select_n3A_1428 = arith.select %eq3A_1422, %and3A_1425, %broadcast_in_dim3A_1427 : vector<16xi1>, vector<16xi32>
      %broadcast_in_dim3A_1429 = vector.broadcast %scan3A_1405 : i32 to vector<16xi32>
      tpu.vector_store_idx %arg9[%iota3A, %broadcast_in_dim3A_1429], %select_n3A_1428 : memref<16x208xi32, #tpu.memory_space<vmem>>[vector<16xi32>, vector<16xi32>], vector<16xi32>,
    }
    %scan3A_336 = arith.constant 200 : i32
    %dma_wait3A = arith.constant 0 : i32
    %dma_wait3A_337 = arith.constant 0 : i32
    %dma_wait3A_338 = arith.constant 0 : i32
    %dma_wait3A_339 = tpu.memref_slice %arg8[%dma_wait3A, %dma_wait3A_337, %dma_wait3A_338] : memref<16x208x16xf32, #tpu.memory_space<vmem>> -> memref<1x104x16xf32, #tpu.memory_space<vmem>>
    %dma_wait3A_340 = tpu.memref_squeeze %dma_wait3A_339 : memref<1x104x16xf32, #tpu.memory_space<vmem>> -> memref<104x16xf32, #tpu.memory_space<vmem>>
    %dma_wait3A_341 = arith.constant 0 : i32
    %dma_wait3A_342 = tpu.memref_slice %arg6[%dma_wait3A_341] : memref<3328xi32, #tpu.memory_space<vmem>> -> memref<104xi32, #tpu.memory_space<vmem>>
    %dma_wait3A_343 = arith.constant 0 : i32
    %dma_wait3A_344 = arith.constant 0 : i32
    %dma_wait3A_345 = tpu.memref_slice %arg3[%dma_wait3A_343, %dma_wait3A_344] : memref<1000x16xf32, #tpu.memory_space<hbm>> -> memref<1000x16xf32, #tpu.memory_space<hbm>>
    tpu.wait_indirect_dma semaphore(%arg11 : memref<!tpu.dma_semaphore, #tpu.memory_space<semaphore_mem>>) src(%dma_wait3A_345 : memref<1000x16xf32, #tpu.memory_space<hbm>>) dst(%dma_wait3A_340 : memref<104x16xf32, #tpu.memory_space<vmem>>)
    %dma_wait3A_346 = arith.constant 0 : i32
    %dma_wait3A_347 = arith.constant 104 : i32
    %dma_wait3A_348 = arith.constant 0 : i32
    %dma_wait3A_349 = tpu.memref_slice %arg8[%dma_wait3A_346, %dma_wait3A_347, %dma_wait3A_348] : memref<16x208x16xf32, #tpu.memory_space<vmem>> -> memref<1x104x16xf32, #tpu.memory_space<vmem>>
    %dma_wait3A_350 = tpu.memref_squeeze %dma_wait3A_349 : memref<1x104x16xf32, #tpu.memory_space<vmem>> -> memref<104x16xf32, #tpu.memory_space<vmem>>
    %dma_wait3A_351 = arith.constant 104 : i32
    %dma_wait3A_352 = tpu.memref_slice %arg6[%dma_wait3A_351] : memref<3328xi32, #tpu.memory_space<vmem>> -> memref<104xi32, #tpu.memory_space<vmem>>
    %dma_wait3A_353 = arith.constant 0 : i32
    %dma_wait3A_354 = arith.constant 0 : i32
    %dma_wait3A_355 = tpu.memref_slice %arg3[%dma_wait3A_353, %dma_wait3A_354] : memref<1000x16xf32, #tpu.memory_space<hbm>> -> memref<1000x16xf32, #tpu.memory_space<hbm>>
    tpu.wait_indirect_dma semaphore(%arg11 : memref<!tpu.dma_semaphore, #tpu.memory_space<semaphore_mem>>) src(%dma_wait3A_355 : memref<1000x16xf32, #tpu.memory_space<hbm>>) dst(%dma_wait3A_350 : memref<104x16xf32, #tpu.memory_space<vmem>>)
    %dma_wait3A_356 = arith.constant 1 : i32
    %dma_wait3A_357 = arith.constant 0 : i32
    %dma_wait3A_358 = arith.constant 0 : i32
    %dma_wait3A_359 = tpu.memref_slice %arg8[%dma_wait3A_356, %dma_wait3A_357, %dma_wait3A_358] : memref<16x208x16xf32, #tpu.memory_space<vmem>> -> memref<1x104x16xf32, #tpu.memory_space<vmem>>
    %dma_wait3A_360 = tpu.memref_squeeze %dma_wait3A_359 : memref<1x104x16xf32, #tpu.memory_space<vmem>> -> memref<104x16xf32, #tpu.memory_space<vmem>>
    %dma_wait3A_361 = arith.constant 208 : i32
    %dma_wait3A_362 = tpu.memref_slice %arg6[%dma_wait3A_361] : memref<3328xi32, #tpu.memory_space<vmem>> -> memref<104xi32, #tpu.memory_space<vmem>>
    %dma_wait3A_363 = arith.constant 0 : i32
    %dma_wait3A_364 = arith.constant 0 : i32
    %dma_wait3A_365 = tpu.memref_slice %arg3[%dma_wait3A_363, %dma_wait3A_364] : memref<1000x16xf32, #tpu.memory_space<hbm>> -> memref<1000x16xf32, #tpu.memory_space<hbm>>
    tpu.wait_indirect_dma semaphore(%arg11 : memref<!tpu.dma_semaphore, #tpu.memory_space<semaphore_mem>>) src(%dma_wait3A_365 : memref<1000x16xf32, #tpu.memory_space<hbm>>) dst(%dma_wait3A_360 : memref<104x16xf32, #tpu.memory_space<vmem>>)
    %dma_wait3A_366 = arith.constant 1 : i32
    %dma_wait3A_367 = arith.constant 104 : i32
    %dma_wait3A_368 = arith.constant 0 : i32
    %dma_wait3A_369 = tpu.memref_slice %arg8[%dma_wait3A_366, %dma_wait3A_367, %dma_wait3A_368] : memref<16x208x16xf32, #tpu.memory_space<vmem>> -> memref<1x104x16xf32, #tpu.memory_space<vmem>>
    %dma_wait3A_370 = tpu.memref_squeeze %dma_wait3A_369 : memref<1x104x16xf32, #tpu.memory_space<vmem>> -> memref<104x16xf32, #tpu.memory_space<vmem>>
    %dma_wait3A_371 = arith.constant 312 : i32
    %dma_wait3A_372 = tpu.memref_slice %arg6[%dma_wait3A_371] : memref<3328xi32, #tpu.memory_space<vmem>> -> memref<104xi32, #tpu.memory_space<vmem>>
    %dma_wait3A_373 = arith.constant 0 : i32
    %dma_wait3A_374 = arith.constant 0 : i32
    %dma_wait3A_375 = tpu.memref_slice %arg3[%dma_wait3A_373, %dma_wait3A_374] : memref<1000x16xf32, #tpu.memory_space<hbm>> -> memref<1000x16xf32, #tpu.memory_space<hbm>>
    tpu.wait_indirect_dma semaphore(%arg11 : memref<!tpu.dma_semaphore, #tpu.memory_space<semaphore_mem>>) src(%dma_wait3A_375 : memref<1000x16xf32, #tpu.memory_space<hbm>>) dst(%dma_wait3A_370 : memref<104x16xf32, #tpu.memory_space<vmem>>)
    %dma_wait3A_376 = arith.constant 2 : i32
    %dma_wait3A_377 = arith.constant 0 : i32
    %dma_wait3A_378 = arith.constant 0 : i32
    %dma_wait3A_379 = tpu.memref_slice %arg8[%dma_wait3A_376, %dma_wait3A_377, %dma_wait3A_378] : memref<16x208x16xf32, #tpu.memory_space<vmem>> -> memref<1x104x16xf32, #tpu.memory_space<vmem>>
    %dma_wait3A_380 = tpu.memref_squeeze %dma_wait3A_379 : memref<1x104x16xf32, #tpu.memory_space<vmem>> -> memref<104x16xf32, #tpu.memory_space<vmem>>
    %dma_wait3A_381 = arith.constant 416 : i32
    %dma_wait3A_382 = tpu.memref_slice %arg6[%dma_wait3A_381] : memref<3328xi32, #tpu.memory_space<vmem>> -> memref<104xi32, #tpu.memory_space<vmem>>
    %dma_wait3A_383 = arith.constant 0 : i32
    %dma_wait3A_384 = arith.constant 0 : i32
    %dma_wait3A_385 = tpu.memref_slice %arg3[%dma_wait3A_383, %dma_wait3A_384] : memref<1000x16xf32, #tpu.memory_space<hbm>> -> memref<1000x16xf32, #tpu.memory_space<hbm>>
    tpu.wait_indirect_dma semaphore(%arg11 : memref<!tpu.dma_semaphore, #tpu.memory_space<semaphore_mem>>) src(%dma_wait3A_385 : memref<1000x16xf32, #tpu.memory_space<hbm>>) dst(%dma_wait3A_380 : memref<104x16xf32, #tpu.memory_space<vmem>>)
    %dma_wait3A_386 = arith.constant 2 : i32
    %dma_wait3A_387 = arith.constant 104 : i32
    %dma_wait3A_388 = arith.constant 0 : i32
    %dma_wait3A_389 = tpu.memref_slice %arg8[%dma_wait3A_386, %dma_wait3A_387, %dma_wait3A_388] : memref<16x208x16xf32, #tpu.memory_space<vmem>> -> memref<1x104x16xf32, #tpu.memory_space<vmem>>
    %dma_wait3A_390 = tpu.memref_squeeze %dma_wait3A_389 : memref<1x104x16xf32, #tpu.memory_space<vmem>> -> memref<104x16xf32, #tpu.memory_space<vmem>>
    %dma_wait3A_391 = arith.constant 520 : i32
    %dma_wait3A_392 = tpu.memref_slice %arg6[%dma_wait3A_391] : memref<3328xi32, #tpu.memory_space<vmem>> -> memref<104xi32, #tpu.memory_space<vmem>>
    %dma_wait3A_393 = arith.constant 0 : i32
    %dma_wait3A_394 = arith.constant 0 : i32
    %dma_wait3A_395 = tpu.memref_slice %arg3[%dma_wait3A_393, %dma_wait3A_394] : memref<1000x16xf32, #tpu.memory_space<hbm>> -> memref<1000x16xf32, #tpu.memory_space<hbm>>
    tpu.wait_indirect_dma semaphore(%arg11 : memref<!tpu.dma_semaphore, #tpu.memory_space<semaphore_mem>>) src(%dma_wait3A_395 : memref<1000x16xf32, #tpu.memory_space<hbm>>) dst(%dma_wait3A_390 : memref<104x16xf32, #tpu.memory_space<vmem>>)
    %dma_wait3A_396 = arith.constant 3 : i32
    %dma_wait3A_397 = arith.constant 0 : i32
    %dma_wait3A_398 = arith.constant 0 : i32
    %dma_wait3A_399 = tpu.memref_slice %arg8[%dma_wait3A_396, %dma_wait3A_397, %dma_wait3A_398] : memref<16x208x16xf32, #tpu.memory_space<vmem>> -> memref<1x104x16xf32, #tpu.memory_space<vmem>>
    %dma_wait3A_400 = tpu.memref_squeeze %dma_wait3A_399 : memref<1x104x16xf32, #tpu.memory_space<vmem>> -> memref<104x16xf32, #tpu.memory_space<vmem>>
    %dma_wait3A_401 = arith.constant 624 : i32
    %dma_wait3A_402 = tpu.memref_slice %arg6[%dma_wait3A_401] : memref<3328xi32, #tpu.memory_space<vmem>> -> memref<104xi32, #tpu.memory_space<vmem>>
    %dma_wait3A_403 = arith.constant 0 : i32
    %dma_wait3A_404 = arith.constant 0 : i32
    %dma_wait3A_405 = tpu.memref_slice %arg3[%dma_wait3A_403, %dma_wait3A_404] : memref<1000x16xf32, #tpu.memory_space<hbm>> -> memref<1000x16xf32, #tpu.memory_space<hbm>>
    tpu.wait_indirect_dma semaphore(%arg11 : memref<!tpu.dma_semaphore, #tpu.memory_space<semaphore_mem>>) src(%dma_wait3A_405 : memref<1000x16xf32, #tpu.memory_space<hbm>>) dst(%dma_wait3A_400 : memref<104x16xf32, #tpu.memory_space<vmem>>)
    %dma_wait3A_406 = arith.constant 3 : i32
    %dma_wait3A_407 = arith.constant 104 : i32
    %dma_wait3A_408 = arith.constant 0 : i32
    %dma_wait3A_409 = tpu.memref_slice %arg8[%dma_wait3A_406, %dma_wait3A_407, %dma_wait3A_408] : memref<16x208x16xf32, #tpu.memory_space<vmem>> -> memref<1x104x16xf32, #tpu.memory_space<vmem>>
    %dma_wait3A_410 = tpu.memref_squeeze %dma_wait3A_409 : memref<1x104x16xf32, #tpu.memory_space<vmem>> -> memref<104x16xf32, #tpu.memory_space<vmem>>
    %dma_wait3A_411 = arith.constant 728 : i32
    %dma_wait3A_412 = tpu.memref_slice %arg6[%dma_wait3A_411] : memref<3328xi32, #tpu.memory_space<vmem>> -> memref<104xi32, #tpu.memory_space<vmem>>
    %dma_wait3A_413 = arith.constant 0 : i32
    %dma_wait3A_414 = arith.constant 0 : i32
    %dma_wait3A_415 = tpu.memref_slice %arg3[%dma_wait3A_413, %dma_wait3A_414] : memref<1000x16xf32, #tpu.memory_space<hbm>> -> memref<1000x16xf32, #tpu.memory_space<hbm>>
    tpu.wait_indirect_dma semaphore(%arg11 : memref<!tpu.dma_semaphore, #tpu.memory_space<semaphore_mem>>) src(%dma_wait3A_415 : memref<1000x16xf32, #tpu.memory_space<hbm>>) dst(%dma_wait3A_410 : memref<104x16xf32, #tpu.memory_space<vmem>>)
    %dma_wait3A_416 = arith.constant 4 : i32
    %dma_wait3A_417 = arith.constant 0 : i32
    %dma_wait3A_418 = arith.constant 0 : i32
    %dma_wait3A_419 = tpu.memref_slice %arg8[%dma_wait3A_416, %dma_wait3A_417, %dma_wait3A_418] : memref<16x208x16xf32, #tpu.memory_space<vmem>> -> memref<1x104x16xf32, #tpu.memory_space<vmem>>
    %dma_wait3A_420 = tpu.memref_squeeze %dma_wait3A_419 : memref<1x104x16xf32, #tpu.memory_space<vmem>> -> memref<104x16xf32, #tpu.memory_space<vmem>>
    %dma_wait3A_421 = arith.constant 832 : i32
    %dma_wait3A_422 = tpu.memref_slice %arg6[%dma_wait3A_421] : memref<3328xi32, #tpu.memory_space<vmem>> -> memref<104xi32, #tpu.memory_space<vmem>>
    %dma_wait3A_423 = arith.constant 0 : i32
    %dma_wait3A_424 = arith.constant 0 : i32
    %dma_wait3A_425 = tpu.memref_slice %arg3[%dma_wait3A_423, %dma_wait3A_424] : memref<1000x16xf32, #tpu.memory_space<hbm>> -> memref<1000x16xf32, #tpu.memory_space<hbm>>
    tpu.wait_indirect_dma semaphore(%arg11 : memref<!tpu.dma_semaphore, #tpu.memory_space<semaphore_mem>>) src(%dma_wait3A_425 : memref<1000x16xf32, #tpu.memory_space<hbm>>) dst(%dma_wait3A_420 : memref<104x16xf32, #tpu.memory_space<vmem>>)
    %dma_wait3A_426 = arith.constant 4 : i32
    %dma_wait3A_427 = arith.constant 104 : i32
    %dma_wait3A_428 = arith.constant 0 : i32
    %dma_wait3A_429 = tpu.memref_slice %arg8[%dma_wait3A_426, %dma_wait3A_427, %dma_wait3A_428] : memref<16x208x16xf32, #tpu.memory_space<vmem>> -> memref<1x104x16xf32, #tpu.memory_space<vmem>>
    %dma_wait3A_430 = tpu.memref_squeeze %dma_wait3A_429 : memref<1x104x16xf32, #tpu.memory_space<vmem>> -> memref<104x16xf32, #tpu.memory_space<vmem>>
    %dma_wait3A_431 = arith.constant 936 : i32
    %dma_wait3A_432 = tpu.memref_slice %arg6[%dma_wait3A_431] : memref<3328xi32, #tpu.memory_space<vmem>> -> memref<104xi32, #tpu.memory_space<vmem>>
    %dma_wait3A_433 = arith.constant 0 : i32
    %dma_wait3A_434 = arith.constant 0 : i32
    %dma_wait3A_435 = tpu.memref_slice %arg3[%dma_wait3A_433, %dma_wait3A_434] : memref<1000x16xf32, #tpu.memory_space<hbm>> -> memref<1000x16xf32, #tpu.memory_space<hbm>>
    tpu.wait_indirect_dma semaphore(%arg11 : memref<!tpu.dma_semaphore, #tpu.memory_space<semaphore_mem>>) src(%dma_wait3A_435 : memref<1000x16xf32, #tpu.memory_space<hbm>>) dst(%dma_wait3A_430 : memref<104x16xf32, #tpu.memory_space<vmem>>)
    %dma_wait3A_436 = arith.constant 5 : i32
    %dma_wait3A_437 = arith.constant 0 : i32
    %dma_wait3A_438 = arith.constant 0 : i32
    %dma_wait3A_439 = tpu.memref_slice %arg8[%dma_wait3A_436, %dma_wait3A_437, %dma_wait3A_438] : memref<16x208x16xf32, #tpu.memory_space<vmem>> -> memref<1x104x16xf32, #tpu.memory_space<vmem>>
    %dma_wait3A_440 = tpu.memref_squeeze %dma_wait3A_439 : memref<1x104x16xf32, #tpu.memory_space<vmem>> -> memref<104x16xf32, #tpu.memory_space<vmem>>
    %dma_wait3A_441 = arith.constant 1040 : i32
    %dma_wait3A_442 = tpu.memref_slice %arg6[%dma_wait3A_441] : memref<3328xi32, #tpu.memory_space<vmem>> -> memref<104xi32, #tpu.memory_space<vmem>>
    %dma_wait3A_443 = arith.constant 0 : i32
    %dma_wait3A_444 = arith.constant 0 : i32
    %dma_wait3A_445 = tpu.memref_slice %arg3[%dma_wait3A_443, %dma_wait3A_444] : memref<1000x16xf32, #tpu.memory_space<hbm>> -> memref<1000x16xf32, #tpu.memory_space<hbm>>
    tpu.wait_indirect_dma semaphore(%arg11 : memref<!tpu.dma_semaphore, #tpu.memory_space<semaphore_mem>>) src(%dma_wait3A_445 : memref<1000x16xf32, #tpu.memory_space<hbm>>) dst(%dma_wait3A_440 : memref<104x16xf32, #tpu.memory_space<vmem>>)
    %dma_wait3A_446 = arith.constant 5 : i32
    %dma_wait3A_447 = arith.constant 104 : i32
    %dma_wait3A_448 = arith.constant 0 : i32
    %dma_wait3A_449 = tpu.memref_slice %arg8[%dma_wait3A_446, %dma_wait3A_447, %dma_wait3A_448] : memref<16x208x16xf32, #tpu.memory_space<vmem>> -> memref<1x104x16xf32, #tpu.memory_space<vmem>>
    %dma_wait3A_450 = tpu.memref_squeeze %dma_wait3A_449 : memref<1x104x16xf32, #tpu.memory_space<vmem>> -> memref<104x16xf32, #tpu.memory_space<vmem>>
    %dma_wait3A_451 = arith.constant 1144 : i32
    %dma_wait3A_452 = tpu.memref_slice %arg6[%dma_wait3A_451] : memref<3328xi32, #tpu.memory_space<vmem>> -> memref<104xi32, #tpu.memory_space<vmem>>
    %dma_wait3A_453 = arith.constant 0 : i32
    %dma_wait3A_454 = arith.constant 0 : i32
    %dma_wait3A_455 = tpu.memref_slice %arg3[%dma_wait3A_453, %dma_wait3A_454] : memref<1000x16xf32, #tpu.memory_space<hbm>> -> memref<1000x16xf32, #tpu.memory_space<hbm>>
    tpu.wait_indirect_dma semaphore(%arg11 : memref<!tpu.dma_semaphore, #tpu.memory_space<semaphore_mem>>) src(%dma_wait3A_455 : memref<1000x16xf32, #tpu.memory_space<hbm>>) dst(%dma_wait3A_450 : memref<104x16xf32, #tpu.memory_space<vmem>>)
    %dma_wait3A_456 = arith.constant 6 : i32
    %dma_wait3A_457 = arith.constant 0 : i32
    %dma_wait3A_458 = arith.constant 0 : i32
    %dma_wait3A_459 = tpu.memref_slice %arg8[%dma_wait3A_456, %dma_wait3A_457, %dma_wait3A_458] : memref<16x208x16xf32, #tpu.memory_space<vmem>> -> memref<1x104x16xf32, #tpu.memory_space<vmem>>
    %dma_wait3A_460 = tpu.memref_squeeze %dma_wait3A_459 : memref<1x104x16xf32, #tpu.memory_space<vmem>> -> memref<104x16xf32, #tpu.memory_space<vmem>>
    %dma_wait3A_461 = arith.constant 1248 : i32
    %dma_wait3A_462 = tpu.memref_slice %arg6[%dma_wait3A_461] : memref<3328xi32, #tpu.memory_space<vmem>> -> memref<104xi32, #tpu.memory_space<vmem>>
    %dma_wait3A_463 = arith.constant 0 : i32
    %dma_wait3A_464 = arith.constant 0 : i32
    %dma_wait3A_465 = tpu.memref_slice %arg3[%dma_wait3A_463, %dma_wait3A_464] : memref<1000x16xf32, #tpu.memory_space<hbm>> -> memref<1000x16xf32, #tpu.memory_space<hbm>>
    tpu.wait_indirect_dma semaphore(%arg11 : memref<!tpu.dma_semaphore, #tpu.memory_space<semaphore_mem>>) src(%dma_wait3A_465 : memref<1000x16xf32, #tpu.memory_space<hbm>>) dst(%dma_wait3A_460 : memref<104x16xf32, #tpu.memory_space<vmem>>)
    %dma_wait3A_466 = arith.constant 6 : i32
    %dma_wait3A_467 = arith.constant 104 : i32
    %dma_wait3A_468 = arith.constant 0 : i32
    %dma_wait3A_469 = tpu.memref_slice %arg8[%dma_wait3A_466, %dma_wait3A_467, %dma_wait3A_468] : memref<16x208x16xf32, #tpu.memory_space<vmem>> -> memref<1x104x16xf32, #tpu.memory_space<vmem>>
    %dma_wait3A_470 = tpu.memref_squeeze %dma_wait3A_469 : memref<1x104x16xf32, #tpu.memory_space<vmem>> -> memref<104x16xf32, #tpu.memory_space<vmem>>
    %dma_wait3A_471 = arith.constant 1352 : i32
    %dma_wait3A_472 = tpu.memref_slice %arg6[%dma_wait3A_471] : memref<3328xi32, #tpu.memory_space<vmem>> -> memref<104xi32, #tpu.memory_space<vmem>>
    %dma_wait3A_473 = arith.constant 0 : i32
    %dma_wait3A_474 = arith.constant 0 : i32
    %dma_wait3A_475 = tpu.memref_slice %arg3[%dma_wait3A_473, %dma_wait3A_474] : memref<1000x16xf32, #tpu.memory_space<hbm>> -> memref<1000x16xf32, #tpu.memory_space<hbm>>
    tpu.wait_indirect_dma semaphore(%arg11 : memref<!tpu.dma_semaphore, #tpu.memory_space<semaphore_mem>>) src(%dma_wait3A_475 : memref<1000x16xf32, #tpu.memory_space<hbm>>) dst(%dma_wait3A_470 : memref<104x16xf32, #tpu.memory_space<vmem>>)
    %dma_wait3A_476 = arith.constant 7 : i32
    %dma_wait3A_477 = arith.constant 0 : i32
    %dma_wait3A_478 = arith.constant 0 : i32
    %dma_wait3A_479 = tpu.memref_slice %arg8[%dma_wait3A_476, %dma_wait3A_477, %dma_wait3A_478] : memref<16x208x16xf32, #tpu.memory_space<vmem>> -> memref<1x104x16xf32, #tpu.memory_space<vmem>>
    %dma_wait3A_480 = tpu.memref_squeeze %dma_wait3A_479 : memref<1x104x16xf32, #tpu.memory_space<vmem>> -> memref<104x16xf32, #tpu.memory_space<vmem>>
    %dma_wait3A_481 = arith.constant 1456 : i32
    %dma_wait3A_482 = tpu.memref_slice %arg6[%dma_wait3A_481] : memref<3328xi32, #tpu.memory_space<vmem>> -> memref<104xi32, #tpu.memory_space<vmem>>
    %dma_wait3A_483 = arith.constant 0 : i32
    %dma_wait3A_484 = arith.constant 0 : i32
    %dma_wait3A_485 = tpu.memref_slice %arg3[%dma_wait3A_483, %dma_wait3A_484] : memref<1000x16xf32, #tpu.memory_space<hbm>> -> memref<1000x16xf32, #tpu.memory_space<hbm>>
    tpu.wait_indirect_dma semaphore(%arg11 : memref<!tpu.dma_semaphore, #tpu.memory_space<semaphore_mem>>) src(%dma_wait3A_485 : memref<1000x16xf32, #tpu.memory_space<hbm>>) dst(%dma_wait3A_480 : memref<104x16xf32, #tpu.memory_space<vmem>>)
    %dma_wait3A_486 = arith.constant 7 : i32
    %dma_wait3A_487 = arith.constant 104 : i32
    %dma_wait3A_488 = arith.constant 0 : i32
    %dma_wait3A_489 = tpu.memref_slice %arg8[%dma_wait3A_486, %dma_wait3A_487, %dma_wait3A_488] : memref<16x208x16xf32, #tpu.memory_space<vmem>> -> memref<1x104x16xf32, #tpu.memory_space<vmem>>
    %dma_wait3A_490 = tpu.memref_squeeze %dma_wait3A_489 : memref<1x104x16xf32, #tpu.memory_space<vmem>> -> memref<104x16xf32, #tpu.memory_space<vmem>>
    %dma_wait3A_491 = arith.constant 1560 : i32
    %dma_wait3A_492 = tpu.memref_slice %arg6[%dma_wait3A_491] : memref<3328xi32, #tpu.memory_space<vmem>> -> memref<104xi32, #tpu.memory_space<vmem>>
    %dma_wait3A_493 = arith.constant 0 : i32
    %dma_wait3A_494 = arith.constant 0 : i32
    %dma_wait3A_495 = tpu.memref_slice %arg3[%dma_wait3A_493, %dma_wait3A_494] : memref<1000x16xf32, #tpu.memory_space<hbm>> -> memref<1000x16xf32, #tpu.memory_space<hbm>>
    tpu.wait_indirect_dma semaphore(%arg11 : memref<!tpu.dma_semaphore, #tpu.memory_space<semaphore_mem>>) src(%dma_wait3A_495 : memref<1000x16xf32, #tpu.memory_space<hbm>>) dst(%dma_wait3A_490 : memref<104x16xf32, #tpu.memory_space<vmem>>)
    %dma_wait3A_496 = arith.constant 8 : i32
    %dma_wait3A_497 = arith.constant 0 : i32
    %dma_wait3A_498 = arith.constant 0 : i32
    %dma_wait3A_499 = tpu.memref_slice %arg8[%dma_wait3A_496, %dma_wait3A_497, %dma_wait3A_498] : memref<16x208x16xf32, #tpu.memory_space<vmem>> -> memref<1x104x16xf32, #tpu.memory_space<vmem>>
    %dma_wait3A_500 = tpu.memref_squeeze %dma_wait3A_499 : memref<1x104x16xf32, #tpu.memory_space<vmem>> -> memref<104x16xf32, #tpu.memory_space<vmem>>
    %dma_wait3A_501 = arith.constant 1664 : i32
    %dma_wait3A_502 = tpu.memref_slice %arg6[%dma_wait3A_501] : memref<3328xi32, #tpu.memory_space<vmem>> -> memref<104xi32, #tpu.memory_space<vmem>>
    %dma_wait3A_503 = arith.constant 0 : i32
    %dma_wait3A_504 = arith.constant 0 : i32
    %dma_wait3A_505 = tpu.memref_slice %arg3[%dma_wait3A_503, %dma_wait3A_504] : memref<1000x16xf32, #tpu.memory_space<hbm>> -> memref<1000x16xf32, #tpu.memory_space<hbm>>
    tpu.wait_indirect_dma semaphore(%arg11 : memref<!tpu.dma_semaphore, #tpu.memory_space<semaphore_mem>>) src(%dma_wait3A_505 : memref<1000x16xf32, #tpu.memory_space<hbm>>) dst(%dma_wait3A_500 : memref<104x16xf32, #tpu.memory_space<vmem>>)
    %dma_wait3A_506 = arith.constant 8 : i32
    %dma_wait3A_507 = arith.constant 104 : i32
    %dma_wait3A_508 = arith.constant 0 : i32
    %dma_wait3A_509 = tpu.memref_slice %arg8[%dma_wait3A_506, %dma_wait3A_507, %dma_wait3A_508] : memref<16x208x16xf32, #tpu.memory_space<vmem>> -> memref<1x104x16xf32, #tpu.memory_space<vmem>>
    %dma_wait3A_510 = tpu.memref_squeeze %dma_wait3A_509 : memref<1x104x16xf32, #tpu.memory_space<vmem>> -> memref<104x16xf32, #tpu.memory_space<vmem>>
    %dma_wait3A_511 = arith.constant 1768 : i32
    %dma_wait3A_512 = tpu.memref_slice %arg6[%dma_wait3A_511] : memref<3328xi32, #tpu.memory_space<vmem>> -> memref<104xi32, #tpu.memory_space<vmem>>
    %dma_wait3A_513 = arith.constant 0 : i32
    %dma_wait3A_514 = arith.constant 0 : i32
    %dma_wait3A_515 = tpu.memref_slice %arg3[%dma_wait3A_513, %dma_wait3A_514] : memref<1000x16xf32, #tpu.memory_space<hbm>> -> memref<1000x16xf32, #tpu.memory_space<hbm>>
    tpu.wait_indirect_dma semaphore(%arg11 : memref<!tpu.dma_semaphore, #tpu.memory_space<semaphore_mem>>) src(%dma_wait3A_515 : memref<1000x16xf32, #tpu.memory_space<hbm>>) dst(%dma_wait3A_510 : memref<104x16xf32, #tpu.memory_space<vmem>>)
    %dma_wait3A_516 = arith.constant 9 : i32
    %dma_wait3A_517 = arith.constant 0 : i32
    %dma_wait3A_518 = arith.constant 0 : i32
    %dma_wait3A_519 = tpu.memref_slice %arg8[%dma_wait3A_516, %dma_wait3A_517, %dma_wait3A_518] : memref<16x208x16xf32, #tpu.memory_space<vmem>> -> memref<1x104x16xf32, #tpu.memory_space<vmem>>
    %dma_wait3A_520 = tpu.memref_squeeze %dma_wait3A_519 : memref<1x104x16xf32, #tpu.memory_space<vmem>> -> memref<104x16xf32, #tpu.memory_space<vmem>>
    %dma_wait3A_521 = arith.constant 1872 : i32
    %dma_wait3A_522 = tpu.memref_slice %arg6[%dma_wait3A_521] : memref<3328xi32, #tpu.memory_space<vmem>> -> memref<104xi32, #tpu.memory_space<vmem>>
    %dma_wait3A_523 = arith.constant 0 : i32
    %dma_wait3A_524 = arith.constant 0 : i32
    %dma_wait3A_525 = tpu.memref_slice %arg3[%dma_wait3A_523, %dma_wait3A_524] : memref<1000x16xf32, #tpu.memory_space<hbm>> -> memref<1000x16xf32, #tpu.memory_space<hbm>>
    tpu.wait_indirect_dma semaphore(%arg11 : memref<!tpu.dma_semaphore, #tpu.memory_space<semaphore_mem>>) src(%dma_wait3A_525 : memref<1000x16xf32, #tpu.memory_space<hbm>>) dst(%dma_wait3A_520 : memref<104x16xf32, #tpu.memory_space<vmem>>)
    %dma_wait3A_526 = arith.constant 9 : i32
    %dma_wait3A_527 = arith.constant 104 : i32
    %dma_wait3A_528 = arith.constant 0 : i32
    %dma_wait3A_529 = tpu.memref_slice %arg8[%dma_wait3A_526, %dma_wait3A_527, %dma_wait3A_528] : memref<16x208x16xf32, #tpu.memory_space<vmem>> -> memref<1x104x16xf32, #tpu.memory_space<vmem>>
    %dma_wait3A_530 = tpu.memref_squeeze %dma_wait3A_529 : memref<1x104x16xf32, #tpu.memory_space<vmem>> -> memref<104x16xf32, #tpu.memory_space<vmem>>
    %dma_wait3A_531 = arith.constant 1976 : i32
    %dma_wait3A_532 = tpu.memref_slice %arg6[%dma_wait3A_531] : memref<3328xi32, #tpu.memory_space<vmem>> -> memref<104xi32, #tpu.memory_space<vmem>>
    %dma_wait3A_533 = arith.constant 0 : i32
    %dma_wait3A_534 = arith.constant 0 : i32
    %dma_wait3A_535 = tpu.memref_slice %arg3[%dma_wait3A_533, %dma_wait3A_534] : memref<1000x16xf32, #tpu.memory_space<hbm>> -> memref<1000x16xf32, #tpu.memory_space<hbm>>
    tpu.wait_indirect_dma semaphore(%arg11 : memref<!tpu.dma_semaphore, #tpu.memory_space<semaphore_mem>>) src(%dma_wait3A_535 : memref<1000x16xf32, #tpu.memory_space<hbm>>) dst(%dma_wait3A_530 : memref<104x16xf32, #tpu.memory_space<vmem>>)
    %dma_wait3A_536 = arith.constant 10 : i32
    %dma_wait3A_537 = arith.constant 0 : i32
    %dma_wait3A_538 = arith.constant 0 : i32
    %dma_wait3A_539 = tpu.memref_slice %arg8[%dma_wait3A_536, %dma_wait3A_537, %dma_wait3A_538] : memref<16x208x16xf32, #tpu.memory_space<vmem>> -> memref<1x104x16xf32, #tpu.memory_space<vmem>>
    %dma_wait3A_540 = tpu.memref_squeeze %dma_wait3A_539 : memref<1x104x16xf32, #tpu.memory_space<vmem>> -> memref<104x16xf32, #tpu.memory_space<vmem>>
    %dma_wait3A_541 = arith.constant 2080 : i32
    %dma_wait3A_542 = tpu.memref_slice %arg6[%dma_wait3A_541] : memref<3328xi32, #tpu.memory_space<vmem>> -> memref<104xi32, #tpu.memory_space<vmem>>
    %dma_wait3A_543 = arith.constant 0 : i32
    %dma_wait3A_544 = arith.constant 0 : i32
    %dma_wait3A_545 = tpu.memref_slice %arg3[%dma_wait3A_543, %dma_wait3A_544] : memref<1000x16xf32, #tpu.memory_space<hbm>> -> memref<1000x16xf32, #tpu.memory_space<hbm>>
    tpu.wait_indirect_dma semaphore(%arg11 : memref<!tpu.dma_semaphore, #tpu.memory_space<semaphore_mem>>) src(%dma_wait3A_545 : memref<1000x16xf32, #tpu.memory_space<hbm>>) dst(%dma_wait3A_540 : memref<104x16xf32, #tpu.memory_space<vmem>>)
    %dma_wait3A_546 = arith.constant 10 : i32
    %dma_wait3A_547 = arith.constant 104 : i32
    %dma_wait3A_548 = arith.constant 0 : i32
    %dma_wait3A_549 = tpu.memref_slice %arg8[%dma_wait3A_546, %dma_wait3A_547, %dma_wait3A_548] : memref<16x208x16xf32, #tpu.memory_space<vmem>> -> memref<1x104x16xf32, #tpu.memory_space<vmem>>
    %dma_wait3A_550 = tpu.memref_squeeze %dma_wait3A_549 : memref<1x104x16xf32, #tpu.memory_space<vmem>> -> memref<104x16xf32, #tpu.memory_space<vmem>>
    %dma_wait3A_551 = arith.constant 2184 : i32
    %dma_wait3A_552 = tpu.memref_slice %arg6[%dma_wait3A_551] : memref<3328xi32, #tpu.memory_space<vmem>> -> memref<104xi32, #tpu.memory_space<vmem>>
    %dma_wait3A_553 = arith.constant 0 : i32
    %dma_wait3A_554 = arith.constant 0 : i32
    %dma_wait3A_555 = tpu.memref_slice %arg3[%dma_wait3A_553, %dma_wait3A_554] : memref<1000x16xf32, #tpu.memory_space<hbm>> -> memref<1000x16xf32, #tpu.memory_space<hbm>>
    tpu.wait_indirect_dma semaphore(%arg11 : memref<!tpu.dma_semaphore, #tpu.memory_space<semaphore_mem>>) src(%dma_wait3A_555 : memref<1000x16xf32, #tpu.memory_space<hbm>>) dst(%dma_wait3A_550 : memref<104x16xf32, #tpu.memory_space<vmem>>)
    %dma_wait3A_556 = arith.constant 11 : i32
    %dma_wait3A_557 = arith.constant 0 : i32
    %dma_wait3A_558 = arith.constant 0 : i32
    %dma_wait3A_559 = tpu.memref_slice %arg8[%dma_wait3A_556, %dma_wait3A_557, %dma_wait3A_558] : memref<16x208x16xf32, #tpu.memory_space<vmem>> -> memref<1x104x16xf32, #tpu.memory_space<vmem>>
    %dma_wait3A_560 = tpu.memref_squeeze %dma_wait3A_559 : memref<1x104x16xf32, #tpu.memory_space<vmem>> -> memref<104x16xf32, #tpu.memory_space<vmem>>
    %dma_wait3A_561 = arith.constant 2288 : i32
    %dma_wait3A_562 = tpu.memref_slice %arg6[%dma_wait3A_561] : memref<3328xi32, #tpu.memory_space<vmem>> -> memref<104xi32, #tpu.memory_space<vmem>>
    %dma_wait3A_563 = arith.constant 0 : i32
    %dma_wait3A_564 = arith.constant 0 : i32
    %dma_wait3A_565 = tpu.memref_slice %arg3[%dma_wait3A_563, %dma_wait3A_564] : memref<1000x16xf32, #tpu.memory_space<hbm>> -> memref<1000x16xf32, #tpu.memory_space<hbm>>
    tpu.wait_indirect_dma semaphore(%arg11 : memref<!tpu.dma_semaphore, #tpu.memory_space<semaphore_mem>>) src(%dma_wait3A_565 : memref<1000x16xf32, #tpu.memory_space<hbm>>) dst(%dma_wait3A_560 : memref<104x16xf32, #tpu.memory_space<vmem>>)
    %dma_wait3A_566 = arith.constant 11 : i32
    %dma_wait3A_567 = arith.constant 104 : i32
    %dma_wait3A_568 = arith.constant 0 : i32
    %dma_wait3A_569 = tpu.memref_slice %arg8[%dma_wait3A_566, %dma_wait3A_567, %dma_wait3A_568] : memref<16x208x16xf32, #tpu.memory_space<vmem>> -> memref<1x104x16xf32, #tpu.memory_space<vmem>>
    %dma_wait3A_570 = tpu.memref_squeeze %dma_wait3A_569 : memref<1x104x16xf32, #tpu.memory_space<vmem>> -> memref<104x16xf32, #tpu.memory_space<vmem>>
    %dma_wait3A_571 = arith.constant 2392 : i32
    %dma_wait3A_572 = tpu.memref_slice %arg6[%dma_wait3A_571] : memref<3328xi32, #tpu.memory_space<vmem>> -> memref<104xi32, #tpu.memory_space<vmem>>
    %dma_wait3A_573 = arith.constant 0 : i32
    %dma_wait3A_574 = arith.constant 0 : i32
    %dma_wait3A_575 = tpu.memref_slice %arg3[%dma_wait3A_573, %dma_wait3A_574] : memref<1000x16xf32, #tpu.memory_space<hbm>> -> memref<1000x16xf32, #tpu.memory_space<hbm>>
    tpu.wait_indirect_dma semaphore(%arg11 : memref<!tpu.dma_semaphore, #tpu.memory_space<semaphore_mem>>) src(%dma_wait3A_575 : memref<1000x16xf32, #tpu.memory_space<hbm>>) dst(%dma_wait3A_570 : memref<104x16xf32, #tpu.memory_space<vmem>>)
    %dma_wait3A_576 = arith.constant 12 : i32
    %dma_wait3A_577 = arith.constant 0 : i32
    %dma_wait3A_578 = arith.constant 0 : i32
    %dma_wait3A_579 = tpu.memref_slice %arg8[%dma_wait3A_576, %dma_wait3A_577, %dma_wait3A_578] : memref<16x208x16xf32, #tpu.memory_space<vmem>> -> memref<1x104x16xf32, #tpu.memory_space<vmem>>
    %dma_wait3A_580 = tpu.memref_squeeze %dma_wait3A_579 : memref<1x104x16xf32, #tpu.memory_space<vmem>> -> memref<104x16xf32, #tpu.memory_space<vmem>>
    %dma_wait3A_581 = arith.constant 2496 : i32
    %dma_wait3A_582 = tpu.memref_slice %arg6[%dma_wait3A_581] : memref<3328xi32, #tpu.memory_space<vmem>> -> memref<104xi32, #tpu.memory_space<vmem>>
    %dma_wait3A_583 = arith.constant 0 : i32
    %dma_wait3A_584 = arith.constant 0 : i32
    %dma_wait3A_585 = tpu.memref_slice %arg3[%dma_wait3A_583, %dma_wait3A_584] : memref<1000x16xf32, #tpu.memory_space<hbm>> -> memref<1000x16xf32, #tpu.memory_space<hbm>>
    tpu.wait_indirect_dma semaphore(%arg11 : memref<!tpu.dma_semaphore, #tpu.memory_space<semaphore_mem>>) src(%dma_wait3A_585 : memref<1000x16xf32, #tpu.memory_space<hbm>>) dst(%dma_wait3A_580 : memref<104x16xf32, #tpu.memory_space<vmem>>)
    %dma_wait3A_586 = arith.constant 12 : i32
    %dma_wait3A_587 = arith.constant 104 : i32
    %dma_wait3A_588 = arith.constant 0 : i32
    %dma_wait3A_589 = tpu.memref_slice %arg8[%dma_wait3A_586, %dma_wait3A_587, %dma_wait3A_588] : memref<16x208x16xf32, #tpu.memory_space<vmem>> -> memref<1x104x16xf32, #tpu.memory_space<vmem>>
    %dma_wait3A_590 = tpu.memref_squeeze %dma_wait3A_589 : memref<1x104x16xf32, #tpu.memory_space<vmem>> -> memref<104x16xf32, #tpu.memory_space<vmem>>
    %dma_wait3A_591 = arith.constant 2600 : i32
    %dma_wait3A_592 = tpu.memref_slice %arg6[%dma_wait3A_591] : memref<3328xi32, #tpu.memory_space<vmem>> -> memref<104xi32, #tpu.memory_space<vmem>>
    %dma_wait3A_593 = arith.constant 0 : i32
    %dma_wait3A_594 = arith.constant 0 : i32
    %dma_wait3A_595 = tpu.memref_slice %arg3[%dma_wait3A_593, %dma_wait3A_594] : memref<1000x16xf32, #tpu.memory_space<hbm>> -> memref<1000x16xf32, #tpu.memory_space<hbm>>
    tpu.wait_indirect_dma semaphore(%arg11 : memref<!tpu.dma_semaphore, #tpu.memory_space<semaphore_mem>>) src(%dma_wait3A_595 : memref<1000x16xf32, #tpu.memory_space<hbm>>) dst(%dma_wait3A_590 : memref<104x16xf32, #tpu.memory_space<vmem>>)
    %dma_wait3A_596 = arith.constant 13 : i32
    %dma_wait3A_597 = arith.constant 0 : i32
    %dma_wait3A_598 = arith.constant 0 : i32
    %dma_wait3A_599 = tpu.memref_slice %arg8[%dma_wait3A_596, %dma_wait3A_597, %dma_wait3A_598] : memref<16x208x16xf32, #tpu.memory_space<vmem>> -> memref<1x104x16xf32, #tpu.memory_space<vmem>>
    %dma_wait3A_600 = tpu.memref_squeeze %dma_wait3A_599 : memref<1x104x16xf32, #tpu.memory_space<vmem>> -> memref<104x16xf32, #tpu.memory_space<vmem>>
    %dma_wait3A_601 = arith.constant 2704 : i32
    %dma_wait3A_602 = tpu.memref_slice %arg6[%dma_wait3A_601] : memref<3328xi32, #tpu.memory_space<vmem>> -> memref<104xi32, #tpu.memory_space<vmem>>
    %dma_wait3A_603 = arith.constant 0 : i32
    %dma_wait3A_604 = arith.constant 0 : i32
    %dma_wait3A_605 = tpu.memref_slice %arg3[%dma_wait3A_603, %dma_wait3A_604] : memref<1000x16xf32, #tpu.memory_space<hbm>> -> memref<1000x16xf32, #tpu.memory_space<hbm>>
    tpu.wait_indirect_dma semaphore(%arg11 : memref<!tpu.dma_semaphore, #tpu.memory_space<semaphore_mem>>) src(%dma_wait3A_605 : memref<1000x16xf32, #tpu.memory_space<hbm>>) dst(%dma_wait3A_600 : memref<104x16xf32, #tpu.memory_space<vmem>>)
    %dma_wait3A_606 = arith.constant 13 : i32
    %dma_wait3A_607 = arith.constant 104 : i32
    %dma_wait3A_608 = arith.constant 0 : i32
    %dma_wait3A_609 = tpu.memref_slice %arg8[%dma_wait3A_606, %dma_wait3A_607, %dma_wait3A_608] : memref<16x208x16xf32, #tpu.memory_space<vmem>> -> memref<1x104x16xf32, #tpu.memory_space<vmem>>
    %dma_wait3A_610 = tpu.memref_squeeze %dma_wait3A_609 : memref<1x104x16xf32, #tpu.memory_space<vmem>> -> memref<104x16xf32, #tpu.memory_space<vmem>>
    %dma_wait3A_611 = arith.constant 2808 : i32
    %dma_wait3A_612 = tpu.memref_slice %arg6[%dma_wait3A_611] : memref<3328xi32, #tpu.memory_space<vmem>> -> memref<104xi32, #tpu.memory_space<vmem>>
    %dma_wait3A_613 = arith.constant 0 : i32
    %dma_wait3A_614 = arith.constant 0 : i32
    %dma_wait3A_615 = tpu.memref_slice %arg3[%dma_wait3A_613, %dma_wait3A_614] : memref<1000x16xf32, #tpu.memory_space<hbm>> -> memref<1000x16xf32, #tpu.memory_space<hbm>>
    tpu.wait_indirect_dma semaphore(%arg11 : memref<!tpu.dma_semaphore, #tpu.memory_space<semaphore_mem>>) src(%dma_wait3A_615 : memref<1000x16xf32, #tpu.memory_space<hbm>>) dst(%dma_wait3A_610 : memref<104x16xf32, #tpu.memory_space<vmem>>)
    %dma_wait3A_616 = arith.constant 14 : i32
    %dma_wait3A_617 = arith.constant 0 : i32
    %dma_wait3A_618 = arith.constant 0 : i32
    %dma_wait3A_619 = tpu.memref_slice %arg8[%dma_wait3A_616, %dma_wait3A_617, %dma_wait3A_618] : memref<16x208x16xf32, #tpu.memory_space<vmem>> -> memref<1x104x16xf32, #tpu.memory_space<vmem>>
    %dma_wait3A_620 = tpu.memref_squeeze %dma_wait3A_619 : memref<1x104x16xf32, #tpu.memory_space<vmem>> -> memref<104x16xf32, #tpu.memory_space<vmem>>
    %dma_wait3A_621 = arith.constant 2912 : i32
    %dma_wait3A_622 = tpu.memref_slice %arg6[%dma_wait3A_621] : memref<3328xi32, #tpu.memory_space<vmem>> -> memref<104xi32, #tpu.memory_space<vmem>>
    %dma_wait3A_623 = arith.constant 0 : i32
    %dma_wait3A_624 = arith.constant 0 : i32
    %dma_wait3A_625 = tpu.memref_slice %arg3[%dma_wait3A_623, %dma_wait3A_624] : memref<1000x16xf32, #tpu.memory_space<hbm>> -> memref<1000x16xf32, #tpu.memory_space<hbm>>
    tpu.wait_indirect_dma semaphore(%arg11 : memref<!tpu.dma_semaphore, #tpu.memory_space<semaphore_mem>>) src(%dma_wait3A_625 : memref<1000x16xf32, #tpu.memory_space<hbm>>) dst(%dma_wait3A_620 : memref<104x16xf32, #tpu.memory_space<vmem>>)
    %dma_wait3A_626 = arith.constant 14 : i32
    %dma_wait3A_627 = arith.constant 104 : i32
    %dma_wait3A_628 = arith.constant 0 : i32
    %dma_wait3A_629 = tpu.memref_slice %arg8[%dma_wait3A_626, %dma_wait3A_627, %dma_wait3A_628] : memref<16x208x16xf32, #tpu.memory_space<vmem>> -> memref<1x104x16xf32, #tpu.memory_space<vmem>>
    %dma_wait3A_630 = tpu.memref_squeeze %dma_wait3A_629 : memref<1x104x16xf32, #tpu.memory_space<vmem>> -> memref<104x16xf32, #tpu.memory_space<vmem>>
    %dma_wait3A_631 = arith.constant 3016 : i32
    %dma_wait3A_632 = tpu.memref_slice %arg6[%dma_wait3A_631] : memref<3328xi32, #tpu.memory_space<vmem>> -> memref<104xi32, #tpu.memory_space<vmem>>
    %dma_wait3A_633 = arith.constant 0 : i32
    %dma_wait3A_634 = arith.constant 0 : i32
    %dma_wait3A_635 = tpu.memref_slice %arg3[%dma_wait3A_633, %dma_wait3A_634] : memref<1000x16xf32, #tpu.memory_space<hbm>> -> memref<1000x16xf32, #tpu.memory_space<hbm>>
    tpu.wait_indirect_dma semaphore(%arg11 : memref<!tpu.dma_semaphore, #tpu.memory_space<semaphore_mem>>) src(%dma_wait3A_635 : memref<1000x16xf32, #tpu.memory_space<hbm>>) dst(%dma_wait3A_630 : memref<104x16xf32, #tpu.memory_space<vmem>>)
    %dma_wait3A_636 = arith.constant 15 : i32
    %dma_wait3A_637 = arith.constant 0 : i32
    %dma_wait3A_638 = arith.constant 0 : i32
    %dma_wait3A_639 = tpu.memref_slice %arg8[%dma_wait3A_636, %dma_wait3A_637, %dma_wait3A_638] : memref<16x208x16xf32, #tpu.memory_space<vmem>> -> memref<1x104x16xf32, #tpu.memory_space<vmem>>
    %dma_wait3A_640 = tpu.memref_squeeze %dma_wait3A_639 : memref<1x104x16xf32, #tpu.memory_space<vmem>> -> memref<104x16xf32, #tpu.memory_space<vmem>>
    %dma_wait3A_641 = arith.constant 3120 : i32
    %dma_wait3A_642 = tpu.memref_slice %arg6[%dma_wait3A_641] : memref<3328xi32, #tpu.memory_space<vmem>> -> memref<104xi32, #tpu.memory_space<vmem>>
    %dma_wait3A_643 = arith.constant 0 : i32
    %dma_wait3A_644 = arith.constant 0 : i32
    %dma_wait3A_645 = tpu.memref_slice %arg3[%dma_wait3A_643, %dma_wait3A_644] : memref<1000x16xf32, #tpu.memory_space<hbm>> -> memref<1000x16xf32, #tpu.memory_space<hbm>>
    tpu.wait_indirect_dma semaphore(%arg11 : memref<!tpu.dma_semaphore, #tpu.memory_space<semaphore_mem>>) src(%dma_wait3A_645 : memref<1000x16xf32, #tpu.memory_space<hbm>>) dst(%dma_wait3A_640 : memref<104x16xf32, #tpu.memory_space<vmem>>)
    %dma_wait3A_646 = arith.constant 15 : i32
    %dma_wait3A_647 = arith.constant 104 : i32
    %dma_wait3A_648 = arith.constant 0 : i32
    %dma_wait3A_649 = tpu.memref_slice %arg8[%dma_wait3A_646, %dma_wait3A_647, %dma_wait3A_648] : memref<16x208x16xf32, #tpu.memory_space<vmem>> -> memref<1x104x16xf32, #tpu.memory_space<vmem>>
    %dma_wait3A_650 = tpu.memref_squeeze %dma_wait3A_649 : memref<1x104x16xf32, #tpu.memory_space<vmem>> -> memref<104x16xf32, #tpu.memory_space<vmem>>
    %dma_wait3A_651 = arith.constant 3224 : i32
    %dma_wait3A_652 = tpu.memref_slice %arg6[%dma_wait3A_651] : memref<3328xi32, #tpu.memory_space<vmem>> -> memref<104xi32, #tpu.memory_space<vmem>>
    %dma_wait3A_653 = arith.constant 0 : i32
    %dma_wait3A_654 = arith.constant 0 : i32
    %dma_wait3A_655 = tpu.memref_slice %arg3[%dma_wait3A_653, %dma_wait3A_654] : memref<1000x16xf32, #tpu.memory_space<hbm>> -> memref<1000x16xf32, #tpu.memory_space<hbm>>
    tpu.wait_indirect_dma semaphore(%arg11 : memref<!tpu.dma_semaphore, #tpu.memory_space<semaphore_mem>>) src(%dma_wait3A_655 : memref<1000x16xf32, #tpu.memory_space<hbm>>) dst(%dma_wait3A_650 : memref<104x16xf32, #tpu.memory_space<vmem>>)
    %mul3A_656 = arith.constant 16 : i32
    %mul3A_657 = arith.muli %mul3A_11, %mul3A_656 : i32
    %dma_start3A_658 = arith.constant 0 : i32
    %dma_start3A_659 = arith.constant 0 : i32
    %dma_start3A_660 = tpu.memref_slice %arg4[%mul3A_657, %dma_start3A_658, %dma_start3A_659] : memref<1024x208x16xf32, #tpu.memory_space<hbm>> -> memref<16x208x16xf32, #tpu.memory_space<hbm>>
    %dma_start3A_661 = arith.constant 0 : i32
    %dma_start3A_662 = arith.constant 0 : i32
    %dma_start3A_663 = tpu.memref_slice %arg4[%mul3A_657, %dma_start3A_661, %dma_start3A_662] : memref<1024x208x16xf32, #tpu.memory_space<hbm>> -> memref<16x208x16xf32, #tpu.memory_space<hbm>>
    tpu.enqueue_dma source(%arg8 : memref<16x208x16xf32, #tpu.memory_space<vmem>>) target(%dma_start3A_663 : memref<16x208x16xf32, #tpu.memory_space<hbm>>) target_semaphore(%arg12 : memref<!tpu.dma_semaphore, #tpu.memory_space<semaphore_mem>>)
    %mul3A_664 = arith.constant 16 : i32
    %mul3A_665 = arith.muli %mul3A_11, %mul3A_664 : i32
    %dma_start3A_666 = arith.constant 0 : i32
    %dma_start3A_667 = tpu.memref_slice %arg5[%mul3A_665, %dma_start3A_666] : memref<1024x208xi32, #tpu.memory_space<hbm>> -> memref<16x208xi32, #tpu.memory_space<hbm>>
    %dma_start3A_668 = arith.constant 0 : i32
    %dma_start3A_669 = tpu.memref_slice %arg5[%mul3A_665, %dma_start3A_668] : memref<1024x208xi32, #tpu.memory_space<hbm>> -> memref<16x208xi32, #tpu.memory_space<hbm>>
    tpu.enqueue_dma source(%arg9 : memref<16x208xi32, #tpu.memory_space<vmem>>) target(%dma_start3A_669 : memref<16x208xi32, #tpu.memory_space<hbm>>) target_semaphore(%arg12 : memref<!tpu.dma_semaphore, #tpu.memory_space<semaphore_mem>>)
    %add3A_670 = arith.constant 1 : i32
    %add3A_671 = arith.addi %mul3A_11, %add3A_670 : i32
    "tpu.region"() ({
      %run_scoped3A = tpu.sem_alloc : memref<!tpu.dma_semaphore, #tpu.memory_space<semaphore_mem>>
      %dma_start3A_1332 = arith.constant 0 : i32
      %dma_start3A_1333 = tpu.memref_slice %arg2[%add3A_671, %dma_start3A_1332] : memref<64x3328xi32, #tpu.memory_space<hbm>> -> memref<1x3328xi32, #tpu.memory_space<hbm>>
      %dma_start3A_1334 = tpu.memref_squeeze %dma_start3A_1333 : memref<1x3328xi32, #tpu.memory_space<hbm>> -> memref<3328xi32, #tpu.memory_space<hbm>>
      %dma_start3A_1335 = arith.constant 0 : i32
      %dma_start3A_1336 = tpu.memref_slice %arg2[%add3A_671, %dma_start3A_1335] : memref<64x3328xi32, #tpu.memory_space<hbm>> -> memref<1x3328xi32, #tpu.memory_space<hbm>>
      %dma_start3A_1337 = tpu.memref_squeeze %dma_start3A_1336 : memref<1x3328xi32, #tpu.memory_space<hbm>> -> memref<3328xi32, #tpu.memory_space<hbm>>
      tpu.enqueue_dma source(%dma_start3A_1337 : memref<3328xi32, #tpu.memory_space<hbm>>) target(%arg6 : memref<3328xi32, #tpu.memory_space<vmem>>) target_semaphore(%run_scoped3A : memref<!tpu.dma_semaphore, #tpu.memory_space<semaphore_mem>>)
      %dma_wait3A_1338 = arith.constant 0 : i32
      %dma_wait3A_1339 = tpu.memref_slice %arg2[%add3A_671, %dma_wait3A_1338] : memref<64x3328xi32, #tpu.memory_space<hbm>> -> memref<1x3328xi32, #tpu.memory_space<hbm>>
      %dma_wait3A_1340 = tpu.memref_squeeze %dma_wait3A_1339 : memref<1x3328xi32, #tpu.memory_space<hbm>> -> memref<3328xi32, #tpu.memory_space<hbm>>
      %dma_wait3A_1341 = arith.constant 0 : i32
      %dma_wait3A_1342 = tpu.memref_slice %arg2[%add3A_671, %dma_wait3A_1341] : memref<64x3328xi32, #tpu.memory_space<hbm>> -> memref<1x3328xi32, #tpu.memory_space<hbm>>
      %dma_wait3A_1343 = tpu.memref_squeeze %dma_wait3A_1342 : memref<1x3328xi32, #tpu.memory_space<hbm>> -> memref<3328xi32, #tpu.memory_space<hbm>>
      tpu.wait_dma2 semaphore(%run_scoped3A : memref<!tpu.dma_semaphore, #tpu.memory_space<semaphore_mem>>) src(%dma_wait3A_1343 : memref<3328xi32, #tpu.memory_space<hbm>>) dst(%arg6 : memref<3328xi32, #tpu.memory_space<vmem>>)
      tpu.yield
    }) : () -> ()
    %scan3A_672 = arith.constant 0 : i32
    %scan3A_673 = arith.constant 0 : i32
    %scan3A_674 = arith.constant 200 : i32
    %scan3A_675 = arith.addi %scan3A_673, %scan3A_674 : i32
    %scan3A_676 = arith.constant 4 : i32
    scf.for %scan3A_1332 = %scan3A_673 to %scan3A_675 step %scan3A_676  : i32 {
      %add3A_1333 = vector.broadcast %scan3A_1332 : i32 to vector<16xi32>
      %add3A_1334 = arith.addi %mul3A_9, %add3A_1333 : vector<16xi32>
      %gather3A = tpu.vector_load_idx %arg6[%add3A_1334] : memref<3328xi32, #tpu.memory_space<vmem>>[vector<16xi32>], vector<16xi32>,
      %mul3A_1335 = arith.constant 16 : i32
      %mul3A_1336 = vector.broadcast %mul3A_1335 : i32 to vector<16xi32>
      %mul3A_1337 = arith.muli %gather3A, %mul3A_1336 : vector<16xi32>
      %add3A_1338 = arith.addi %mul3A_1337, %iota3A : vector<16xi32>
      %gather3A_1339 = tpu.vector_load_idx %arg7[%add3A_1338] : memref<16000xi32, #tpu.memory_space<vmem>>[vector<16xi32>], vector<16xi32>,
      %add3A_1340 = arith.constant 512 : i32
      %add3A_1341 = arith.addi %add3A_1340, %scan3A_1332 : i32
      %broadcast_in_dim3A_1342 = vector.broadcast %add3A_1341 : i32 to vector<16xi32>
      tpu.vector_store_idx %arg7[%add3A_1338], %broadcast_in_dim3A_1342 : memref<16000xi32, #tpu.memory_space<vmem>>[vector<16xi32>], vector<16xi32>,
      %shift_right_logical3A = arith.constant 8 : i32
      %shift_right_logical3A_1343 = vector.broadcast %shift_right_logical3A : i32 to vector<16xi32>
      %shift_right_logical3A_1344 = arith.shrui %gather3A_1339, %shift_right_logical3A_1343 : vector<16xi32>
      %eq3A = arith.constant 2 : i32
      %eq3A_1345 = vector.broadcast %eq3A : i32 to vector<16xi32>
      %eq3A_1346 = arith.cmpi eq, %shift_right_logical3A_1344, %eq3A_1345 : vector<16xi32>
      %and3A = arith.constant 255 : i32
      %and3A_1347 = vector.broadcast %and3A : i32 to vector<16xi32>
      %and3A_1348 = arith.andi %gather3A_1339, %and3A_1347 : vector<16xi32>
      %broadcast_in_dim3A_1349 = arith.constant -1 : i32
      %broadcast_in_dim3A_1350 = vector.broadcast %broadcast_in_dim3A_1349 : i32 to vector<16xi32>
      %select_n3A = arith.select %eq3A_1346, %and3A_1348, %broadcast_in_dim3A_1350 : vector<16xi1>, vector<16xi32>
      %broadcast_in_dim3A_1351 = vector.broadcast %scan3A_1332 : i32 to vector<16xi32>
      tpu.vector_store_idx %arg10[%iota3A, %broadcast_in_dim3A_1351], %select_n3A : memref<16x208xi32, #tpu.memory_space<vmem>>[vector<16xi32>, vector<16xi32>], vector<16xi32>,
      %scan3A_1352 = arith.constant 1 : i32
      %scan3A_1353 = arith.addi %scan3A_1332, %scan3A_1352 : i32
      %add3A_1354 = vector.broadcast %scan3A_1353 : i32 to vector<16xi32>
      %add3A_1355 = arith.addi %mul3A_9, %add3A_1354 : vector<16xi32>
      %gather3A_1356 = tpu.vector_load_idx %arg6[%add3A_1355] : memref<3328xi32, #tpu.memory_space<vmem>>[vector<16xi32>], vector<16xi32>,
      %mul3A_1357 = arith.constant 16 : i32
      %mul3A_1358 = vector.broadcast %mul3A_1357 : i32 to vector<16xi32>
      %mul3A_1359 = arith.muli %gather3A_1356, %mul3A_1358 : vector<16xi32>
      %add3A_1360 = arith.addi %mul3A_1359, %iota3A : vector<16xi32>
      %gather3A_1361 = tpu.vector_load_idx %arg7[%add3A_1360] : memref<16000xi32, #tpu.memory_space<vmem>>[vector<16xi32>], vector<16xi32>,
      %add3A_1362 = arith.constant 512 : i32
      %add3A_1363 = arith.addi %add3A_1362, %scan3A_1353 : i32
      %broadcast_in_dim3A_1364 = vector.broadcast %add3A_1363 : i32 to vector<16xi32>
      tpu.vector_store_idx %arg7[%add3A_1360], %broadcast_in_dim3A_1364 : memref<16000xi32, #tpu.memory_space<vmem>>[vector<16xi32>], vector<16xi32>,
      %shift_right_logical3A_1365 = arith.constant 8 : i32
      %shift_right_logical3A_1366 = vector.broadcast %shift_right_logical3A_1365 : i32 to vector<16xi32>
      %shift_right_logical3A_1367 = arith.shrui %gather3A_1361, %shift_right_logical3A_1366 : vector<16xi32>
      %eq3A_1368 = arith.constant 2 : i32
      %eq3A_1369 = vector.broadcast %eq3A_1368 : i32 to vector<16xi32>
      %eq3A_1370 = arith.cmpi eq, %shift_right_logical3A_1367, %eq3A_1369 : vector<16xi32>
      %and3A_1371 = arith.constant 255 : i32
      %and3A_1372 = vector.broadcast %and3A_1371 : i32 to vector<16xi32>
      %and3A_1373 = arith.andi %gather3A_1361, %and3A_1372 : vector<16xi32>
      %broadcast_in_dim3A_1374 = arith.constant -1 : i32
      %broadcast_in_dim3A_1375 = vector.broadcast %broadcast_in_dim3A_1374 : i32 to vector<16xi32>
      %select_n3A_1376 = arith.select %eq3A_1370, %and3A_1373, %broadcast_in_dim3A_1375 : vector<16xi1>, vector<16xi32>
      %broadcast_in_dim3A_1377 = vector.broadcast %scan3A_1353 : i32 to vector<16xi32>
      tpu.vector_store_idx %arg10[%iota3A, %broadcast_in_dim3A_1377], %select_n3A_1376 : memref<16x208xi32, #tpu.memory_space<vmem>>[vector<16xi32>, vector<16xi32>], vector<16xi32>,
      %scan3A_1378 = arith.constant 2 : i32
      %scan3A_1379 = arith.addi %scan3A_1332, %scan3A_1378 : i32
      %add3A_1380 = vector.broadcast %scan3A_1379 : i32 to vector<16xi32>
      %add3A_1381 = arith.addi %mul3A_9, %add3A_1380 : vector<16xi32>
      %gather3A_1382 = tpu.vector_load_idx %arg6[%add3A_1381] : memref<3328xi32, #tpu.memory_space<vmem>>[vector<16xi32>], vector<16xi32>,
      %mul3A_1383 = arith.constant 16 : i32
      %mul3A_1384 = vector.broadcast %mul3A_1383 : i32 to vector<16xi32>
      %mul3A_1385 = arith.muli %gather3A_1382, %mul3A_1384 : vector<16xi32>
      %add3A_1386 = arith.addi %mul3A_1385, %iota3A : vector<16xi32>
      %gather3A_1387 = tpu.vector_load_idx %arg7[%add3A_1386] : memref<16000xi32, #tpu.memory_space<vmem>>[vector<16xi32>], vector<16xi32>,
      %add3A_1388 = arith.constant 512 : i32
      %add3A_1389 = arith.addi %add3A_1388, %scan3A_1379 : i32
      %broadcast_in_dim3A_1390 = vector.broadcast %add3A_1389 : i32 to vector<16xi32>
      tpu.vector_store_idx %arg7[%add3A_1386], %broadcast_in_dim3A_1390 : memref<16000xi32, #tpu.memory_space<vmem>>[vector<16xi32>], vector<16xi32>,
      %shift_right_logical3A_1391 = arith.constant 8 : i32
      %shift_right_logical3A_1392 = vector.broadcast %shift_right_logical3A_1391 : i32 to vector<16xi32>
      %shift_right_logical3A_1393 = arith.shrui %gather3A_1387, %shift_right_logical3A_1392 : vector<16xi32>
      %eq3A_1394 = arith.constant 2 : i32
      %eq3A_1395 = vector.broadcast %eq3A_1394 : i32 to vector<16xi32>
      %eq3A_1396 = arith.cmpi eq, %shift_right_logical3A_1393, %eq3A_1395 : vector<16xi32>
      %and3A_1397 = arith.constant 255 : i32
      %and3A_1398 = vector.broadcast %and3A_1397 : i32 to vector<16xi32>
      %and3A_1399 = arith.andi %gather3A_1387, %and3A_1398 : vector<16xi32>
      %broadcast_in_dim3A_1400 = arith.constant -1 : i32
      %broadcast_in_dim3A_1401 = vector.broadcast %broadcast_in_dim3A_1400 : i32 to vector<16xi32>
      %select_n3A_1402 = arith.select %eq3A_1396, %and3A_1399, %broadcast_in_dim3A_1401 : vector<16xi1>, vector<16xi32>
      %broadcast_in_dim3A_1403 = vector.broadcast %scan3A_1379 : i32 to vector<16xi32>
      tpu.vector_store_idx %arg10[%iota3A, %broadcast_in_dim3A_1403], %select_n3A_1402 : memref<16x208xi32, #tpu.memory_space<vmem>>[vector<16xi32>, vector<16xi32>], vector<16xi32>,
      %scan3A_1404 = arith.constant 3 : i32
      %scan3A_1405 = arith.addi %scan3A_1332, %scan3A_1404 : i32
      %add3A_1406 = vector.broadcast %scan3A_1405 : i32 to vector<16xi32>
      %add3A_1407 = arith.addi %mul3A_9, %add3A_1406 : vector<16xi32>
      %gather3A_1408 = tpu.vector_load_idx %arg6[%add3A_1407] : memref<3328xi32, #tpu.memory_space<vmem>>[vector<16xi32>], vector<16xi32>,
      %mul3A_1409 = arith.constant 16 : i32
      %mul3A_1410 = vector.broadcast %mul3A_1409 : i32 to vector<16xi32>
      %mul3A_1411 = arith.muli %gather3A_1408, %mul3A_1410 : vector<16xi32>
      %add3A_1412 = arith.addi %mul3A_1411, %iota3A : vector<16xi32>
      %gather3A_1413 = tpu.vector_load_idx %arg7[%add3A_1412] : memref<16000xi32, #tpu.memory_space<vmem>>[vector<16xi32>], vector<16xi32>,
      %add3A_1414 = arith.constant 512 : i32
      %add3A_1415 = arith.addi %add3A_1414, %scan3A_1405 : i32
      %broadcast_in_dim3A_1416 = vector.broadcast %add3A_1415 : i32 to vector<16xi32>
      tpu.vector_store_idx %arg7[%add3A_1412], %broadcast_in_dim3A_1416 : memref<16000xi32, #tpu.memory_space<vmem>>[vector<16xi32>], vector<16xi32>,
      %shift_right_logical3A_1417 = arith.constant 8 : i32
      %shift_right_logical3A_1418 = vector.broadcast %shift_right_logical3A_1417 : i32 to vector<16xi32>
      %shift_right_logical3A_1419 = arith.shrui %gather3A_1413, %shift_right_logical3A_1418 : vector<16xi32>
      %eq3A_1420 = arith.constant 2 : i32
      %eq3A_1421 = vector.broadcast %eq3A_1420 : i32 to vector<16xi32>
      %eq3A_1422 = arith.cmpi eq, %shift_right_logical3A_1419, %eq3A_1421 : vector<16xi32>
      %and3A_1423 = arith.constant 255 : i32
      %and3A_1424 = vector.broadcast %and3A_1423 : i32 to vector<16xi32>
      %and3A_1425 = arith.andi %gather3A_1413, %and3A_1424 : vector<16xi32>
      %broadcast_in_dim3A_1426 = arith.constant -1 : i32
      %broadcast_in_dim3A_1427 = vector.broadcast %broadcast_in_dim3A_1426 : i32 to vector<16xi32>
      %select_n3A_1428 = arith.select %eq3A_1422, %and3A_1425, %broadcast_in_dim3A_1427 : vector<16xi1>, vector<16xi32>
      %broadcast_in_dim3A_1429 = vector.broadcast %scan3A_1405 : i32 to vector<16xi32>
      tpu.vector_store_idx %arg10[%iota3A, %broadcast_in_dim3A_1429], %select_n3A_1428 : memref<16x208xi32, #tpu.memory_space<vmem>>[vector<16xi32>, vector<16xi32>], vector<16xi32>,
    }
    %scan3A_677 = arith.constant 200 : i32
    %dma_wait3A_678 = arith.constant 0 : i32
    %dma_wait3A_679 = arith.constant 0 : i32
    %dma_wait3A_680 = tpu.memref_slice %arg4[%mul3A_657, %dma_wait3A_678, %dma_wait3A_679] : memref<1024x208x16xf32, #tpu.memory_space<hbm>> -> memref<16x208x16xf32, #tpu.memory_space<hbm>>
    %dma_wait3A_681 = arith.constant 0 : i32
    %dma_wait3A_682 = arith.constant 0 : i32
    %dma_wait3A_683 = tpu.memref_slice %arg4[%mul3A_657, %dma_wait3A_681, %dma_wait3A_682] : memref<1024x208x16xf32, #tpu.memory_space<hbm>> -> memref<16x208x16xf32, #tpu.memory_space<hbm>>
    tpu.wait_dma2 semaphore(%arg12 : memref<!tpu.dma_semaphore, #tpu.memory_space<semaphore_mem>>) src(%arg8 : memref<16x208x16xf32, #tpu.memory_space<vmem>>) dst(%dma_wait3A_683 : memref<16x208x16xf32, #tpu.memory_space<hbm>>)
    %dma_start3A_684 = arith.constant 0 : i32
    %dma_start3A_685 = arith.constant 0 : i32
    %dma_start3A_686 = arith.constant 0 : i32
    %dma_start3A_687 = tpu.memref_slice %arg8[%dma_start3A_684, %dma_start3A_685, %dma_start3A_686] : memref<16x208x16xf32, #tpu.memory_space<vmem>> -> memref<1x104x16xf32, #tpu.memory_space<vmem>>
    %dma_start3A_688 = tpu.memref_squeeze %dma_start3A_687 : memref<1x104x16xf32, #tpu.memory_space<vmem>> -> memref<104x16xf32, #tpu.memory_space<vmem>>
    %dma_start3A_689 = arith.constant 0 : i32
    %dma_start3A_690 = tpu.memref_slice %arg6[%dma_start3A_689] : memref<3328xi32, #tpu.memory_space<vmem>> -> memref<104xi32, #tpu.memory_space<vmem>>
    %dma_start3A_691 = arith.constant 0 : i32
    %dma_start3A_692 = arith.constant 0 : i32
    %dma_start3A_693 = tpu.memref_slice %arg3[%dma_start3A_691, %dma_start3A_692] : memref<1000x16xf32, #tpu.memory_space<hbm>> -> memref<1000x16xf32, #tpu.memory_space<hbm>>
    tpu.enqueue_indirect_dma source(%dma_start3A_693 : memref<1000x16xf32, #tpu.memory_space<hbm>>) target(%dma_start3A_688 : memref<104x16xf32, #tpu.memory_space<vmem>>) offsets(%dma_start3A_690 : memref<104xi32, #tpu.memory_space<vmem>>) semaphore(%arg11 : memref<!tpu.dma_semaphore, #tpu.memory_space<semaphore_mem>>)
    %dma_start3A_694 = arith.constant 0 : i32
    %dma_start3A_695 = arith.constant 104 : i32
    %dma_start3A_696 = arith.constant 0 : i32
    %dma_start3A_697 = tpu.memref_slice %arg8[%dma_start3A_694, %dma_start3A_695, %dma_start3A_696] : memref<16x208x16xf32, #tpu.memory_space<vmem>> -> memref<1x104x16xf32, #tpu.memory_space<vmem>>
    %dma_start3A_698 = tpu.memref_squeeze %dma_start3A_697 : memref<1x104x16xf32, #tpu.memory_space<vmem>> -> memref<104x16xf32, #tpu.memory_space<vmem>>
    %dma_start3A_699 = arith.constant 104 : i32
    %dma_start3A_700 = tpu.memref_slice %arg6[%dma_start3A_699] : memref<3328xi32, #tpu.memory_space<vmem>> -> memref<104xi32, #tpu.memory_space<vmem>>
    %dma_start3A_701 = arith.constant 0 : i32
    %dma_start3A_702 = arith.constant 0 : i32
    %dma_start3A_703 = tpu.memref_slice %arg3[%dma_start3A_701, %dma_start3A_702] : memref<1000x16xf32, #tpu.memory_space<hbm>> -> memref<1000x16xf32, #tpu.memory_space<hbm>>
    tpu.enqueue_indirect_dma source(%dma_start3A_703 : memref<1000x16xf32, #tpu.memory_space<hbm>>) target(%dma_start3A_698 : memref<104x16xf32, #tpu.memory_space<vmem>>) offsets(%dma_start3A_700 : memref<104xi32, #tpu.memory_space<vmem>>) semaphore(%arg11 : memref<!tpu.dma_semaphore, #tpu.memory_space<semaphore_mem>>)
    %dma_start3A_704 = arith.constant 1 : i32
    %dma_start3A_705 = arith.constant 0 : i32
    %dma_start3A_706 = arith.constant 0 : i32
    %dma_start3A_707 = tpu.memref_slice %arg8[%dma_start3A_704, %dma_start3A_705, %dma_start3A_706] : memref<16x208x16xf32, #tpu.memory_space<vmem>> -> memref<1x104x16xf32, #tpu.memory_space<vmem>>
    %dma_start3A_708 = tpu.memref_squeeze %dma_start3A_707 : memref<1x104x16xf32, #tpu.memory_space<vmem>> -> memref<104x16xf32, #tpu.memory_space<vmem>>
    %dma_start3A_709 = arith.constant 208 : i32
    %dma_start3A_710 = tpu.memref_slice %arg6[%dma_start3A_709] : memref<3328xi32, #tpu.memory_space<vmem>> -> memref<104xi32, #tpu.memory_space<vmem>>
    %dma_start3A_711 = arith.constant 0 : i32
    %dma_start3A_712 = arith.constant 0 : i32
    %dma_start3A_713 = tpu.memref_slice %arg3[%dma_start3A_711, %dma_start3A_712] : memref<1000x16xf32, #tpu.memory_space<hbm>> -> memref<1000x16xf32, #tpu.memory_space<hbm>>
    tpu.enqueue_indirect_dma source(%dma_start3A_713 : memref<1000x16xf32, #tpu.memory_space<hbm>>) target(%dma_start3A_708 : memref<104x16xf32, #tpu.memory_space<vmem>>) offsets(%dma_start3A_710 : memref<104xi32, #tpu.memory_space<vmem>>) semaphore(%arg11 : memref<!tpu.dma_semaphore, #tpu.memory_space<semaphore_mem>>)
    %dma_start3A_714 = arith.constant 1 : i32
    %dma_start3A_715 = arith.constant 104 : i32
    %dma_start3A_716 = arith.constant 0 : i32
    %dma_start3A_717 = tpu.memref_slice %arg8[%dma_start3A_714, %dma_start3A_715, %dma_start3A_716] : memref<16x208x16xf32, #tpu.memory_space<vmem>> -> memref<1x104x16xf32, #tpu.memory_space<vmem>>
    %dma_start3A_718 = tpu.memref_squeeze %dma_start3A_717 : memref<1x104x16xf32, #tpu.memory_space<vmem>> -> memref<104x16xf32, #tpu.memory_space<vmem>>
    %dma_start3A_719 = arith.constant 312 : i32
    %dma_start3A_720 = tpu.memref_slice %arg6[%dma_start3A_719] : memref<3328xi32, #tpu.memory_space<vmem>> -> memref<104xi32, #tpu.memory_space<vmem>>
    %dma_start3A_721 = arith.constant 0 : i32
    %dma_start3A_722 = arith.constant 0 : i32
    %dma_start3A_723 = tpu.memref_slice %arg3[%dma_start3A_721, %dma_start3A_722] : memref<1000x16xf32, #tpu.memory_space<hbm>> -> memref<1000x16xf32, #tpu.memory_space<hbm>>
    tpu.enqueue_indirect_dma source(%dma_start3A_723 : memref<1000x16xf32, #tpu.memory_space<hbm>>) target(%dma_start3A_718 : memref<104x16xf32, #tpu.memory_space<vmem>>) offsets(%dma_start3A_720 : memref<104xi32, #tpu.memory_space<vmem>>) semaphore(%arg11 : memref<!tpu.dma_semaphore, #tpu.memory_space<semaphore_mem>>)
    %dma_start3A_724 = arith.constant 2 : i32
    %dma_start3A_725 = arith.constant 0 : i32
    %dma_start3A_726 = arith.constant 0 : i32
    %dma_start3A_727 = tpu.memref_slice %arg8[%dma_start3A_724, %dma_start3A_725, %dma_start3A_726] : memref<16x208x16xf32, #tpu.memory_space<vmem>> -> memref<1x104x16xf32, #tpu.memory_space<vmem>>
    %dma_start3A_728 = tpu.memref_squeeze %dma_start3A_727 : memref<1x104x16xf32, #tpu.memory_space<vmem>> -> memref<104x16xf32, #tpu.memory_space<vmem>>
    %dma_start3A_729 = arith.constant 416 : i32
    %dma_start3A_730 = tpu.memref_slice %arg6[%dma_start3A_729] : memref<3328xi32, #tpu.memory_space<vmem>> -> memref<104xi32, #tpu.memory_space<vmem>>
    %dma_start3A_731 = arith.constant 0 : i32
    %dma_start3A_732 = arith.constant 0 : i32
    %dma_start3A_733 = tpu.memref_slice %arg3[%dma_start3A_731, %dma_start3A_732] : memref<1000x16xf32, #tpu.memory_space<hbm>> -> memref<1000x16xf32, #tpu.memory_space<hbm>>
    tpu.enqueue_indirect_dma source(%dma_start3A_733 : memref<1000x16xf32, #tpu.memory_space<hbm>>) target(%dma_start3A_728 : memref<104x16xf32, #tpu.memory_space<vmem>>) offsets(%dma_start3A_730 : memref<104xi32, #tpu.memory_space<vmem>>) semaphore(%arg11 : memref<!tpu.dma_semaphore, #tpu.memory_space<semaphore_mem>>)
    %dma_start3A_734 = arith.constant 2 : i32
    %dma_start3A_735 = arith.constant 104 : i32
    %dma_start3A_736 = arith.constant 0 : i32
    %dma_start3A_737 = tpu.memref_slice %arg8[%dma_start3A_734, %dma_start3A_735, %dma_start3A_736] : memref<16x208x16xf32, #tpu.memory_space<vmem>> -> memref<1x104x16xf32, #tpu.memory_space<vmem>>
    %dma_start3A_738 = tpu.memref_squeeze %dma_start3A_737 : memref<1x104x16xf32, #tpu.memory_space<vmem>> -> memref<104x16xf32, #tpu.memory_space<vmem>>
    %dma_start3A_739 = arith.constant 520 : i32
    %dma_start3A_740 = tpu.memref_slice %arg6[%dma_start3A_739] : memref<3328xi32, #tpu.memory_space<vmem>> -> memref<104xi32, #tpu.memory_space<vmem>>
    %dma_start3A_741 = arith.constant 0 : i32
    %dma_start3A_742 = arith.constant 0 : i32
    %dma_start3A_743 = tpu.memref_slice %arg3[%dma_start3A_741, %dma_start3A_742] : memref<1000x16xf32, #tpu.memory_space<hbm>> -> memref<1000x16xf32, #tpu.memory_space<hbm>>
    tpu.enqueue_indirect_dma source(%dma_start3A_743 : memref<1000x16xf32, #tpu.memory_space<hbm>>) target(%dma_start3A_738 : memref<104x16xf32, #tpu.memory_space<vmem>>) offsets(%dma_start3A_740 : memref<104xi32, #tpu.memory_space<vmem>>) semaphore(%arg11 : memref<!tpu.dma_semaphore, #tpu.memory_space<semaphore_mem>>)
    %dma_start3A_744 = arith.constant 3 : i32
    %dma_start3A_745 = arith.constant 0 : i32
    %dma_start3A_746 = arith.constant 0 : i32
    %dma_start3A_747 = tpu.memref_slice %arg8[%dma_start3A_744, %dma_start3A_745, %dma_start3A_746] : memref<16x208x16xf32, #tpu.memory_space<vmem>> -> memref<1x104x16xf32, #tpu.memory_space<vmem>>
    %dma_start3A_748 = tpu.memref_squeeze %dma_start3A_747 : memref<1x104x16xf32, #tpu.memory_space<vmem>> -> memref<104x16xf32, #tpu.memory_space<vmem>>
    %dma_start3A_749 = arith.constant 624 : i32
    %dma_start3A_750 = tpu.memref_slice %arg6[%dma_start3A_749] : memref<3328xi32, #tpu.memory_space<vmem>> -> memref<104xi32, #tpu.memory_space<vmem>>
    %dma_start3A_751 = arith.constant 0 : i32
    %dma_start3A_752 = arith.constant 0 : i32
    %dma_start3A_753 = tpu.memref_slice %arg3[%dma_start3A_751, %dma_start3A_752] : memref<1000x16xf32, #tpu.memory_space<hbm>> -> memref<1000x16xf32, #tpu.memory_space<hbm>>
    tpu.enqueue_indirect_dma source(%dma_start3A_753 : memref<1000x16xf32, #tpu.memory_space<hbm>>) target(%dma_start3A_748 : memref<104x16xf32, #tpu.memory_space<vmem>>) offsets(%dma_start3A_750 : memref<104xi32, #tpu.memory_space<vmem>>) semaphore(%arg11 : memref<!tpu.dma_semaphore, #tpu.memory_space<semaphore_mem>>)
    %dma_start3A_754 = arith.constant 3 : i32
    %dma_start3A_755 = arith.constant 104 : i32
    %dma_start3A_756 = arith.constant 0 : i32
    %dma_start3A_757 = tpu.memref_slice %arg8[%dma_start3A_754, %dma_start3A_755, %dma_start3A_756] : memref<16x208x16xf32, #tpu.memory_space<vmem>> -> memref<1x104x16xf32, #tpu.memory_space<vmem>>
    %dma_start3A_758 = tpu.memref_squeeze %dma_start3A_757 : memref<1x104x16xf32, #tpu.memory_space<vmem>> -> memref<104x16xf32, #tpu.memory_space<vmem>>
    %dma_start3A_759 = arith.constant 728 : i32
    %dma_start3A_760 = tpu.memref_slice %arg6[%dma_start3A_759] : memref<3328xi32, #tpu.memory_space<vmem>> -> memref<104xi32, #tpu.memory_space<vmem>>
    %dma_start3A_761 = arith.constant 0 : i32
    %dma_start3A_762 = arith.constant 0 : i32
    %dma_start3A_763 = tpu.memref_slice %arg3[%dma_start3A_761, %dma_start3A_762] : memref<1000x16xf32, #tpu.memory_space<hbm>> -> memref<1000x16xf32, #tpu.memory_space<hbm>>
    tpu.enqueue_indirect_dma source(%dma_start3A_763 : memref<1000x16xf32, #tpu.memory_space<hbm>>) target(%dma_start3A_758 : memref<104x16xf32, #tpu.memory_space<vmem>>) offsets(%dma_start3A_760 : memref<104xi32, #tpu.memory_space<vmem>>) semaphore(%arg11 : memref<!tpu.dma_semaphore, #tpu.memory_space<semaphore_mem>>)
    %dma_start3A_764 = arith.constant 4 : i32
    %dma_start3A_765 = arith.constant 0 : i32
    %dma_start3A_766 = arith.constant 0 : i32
    %dma_start3A_767 = tpu.memref_slice %arg8[%dma_start3A_764, %dma_start3A_765, %dma_start3A_766] : memref<16x208x16xf32, #tpu.memory_space<vmem>> -> memref<1x104x16xf32, #tpu.memory_space<vmem>>
    %dma_start3A_768 = tpu.memref_squeeze %dma_start3A_767 : memref<1x104x16xf32, #tpu.memory_space<vmem>> -> memref<104x16xf32, #tpu.memory_space<vmem>>
    %dma_start3A_769 = arith.constant 832 : i32
    %dma_start3A_770 = tpu.memref_slice %arg6[%dma_start3A_769] : memref<3328xi32, #tpu.memory_space<vmem>> -> memref<104xi32, #tpu.memory_space<vmem>>
    %dma_start3A_771 = arith.constant 0 : i32
    %dma_start3A_772 = arith.constant 0 : i32
    %dma_start3A_773 = tpu.memref_slice %arg3[%dma_start3A_771, %dma_start3A_772] : memref<1000x16xf32, #tpu.memory_space<hbm>> -> memref<1000x16xf32, #tpu.memory_space<hbm>>
    tpu.enqueue_indirect_dma source(%dma_start3A_773 : memref<1000x16xf32, #tpu.memory_space<hbm>>) target(%dma_start3A_768 : memref<104x16xf32, #tpu.memory_space<vmem>>) offsets(%dma_start3A_770 : memref<104xi32, #tpu.memory_space<vmem>>) semaphore(%arg11 : memref<!tpu.dma_semaphore, #tpu.memory_space<semaphore_mem>>)
    %dma_start3A_774 = arith.constant 4 : i32
    %dma_start3A_775 = arith.constant 104 : i32
    %dma_start3A_776 = arith.constant 0 : i32
    %dma_start3A_777 = tpu.memref_slice %arg8[%dma_start3A_774, %dma_start3A_775, %dma_start3A_776] : memref<16x208x16xf32, #tpu.memory_space<vmem>> -> memref<1x104x16xf32, #tpu.memory_space<vmem>>
    %dma_start3A_778 = tpu.memref_squeeze %dma_start3A_777 : memref<1x104x16xf32, #tpu.memory_space<vmem>> -> memref<104x16xf32, #tpu.memory_space<vmem>>
    %dma_start3A_779 = arith.constant 936 : i32
    %dma_start3A_780 = tpu.memref_slice %arg6[%dma_start3A_779] : memref<3328xi32, #tpu.memory_space<vmem>> -> memref<104xi32, #tpu.memory_space<vmem>>
    %dma_start3A_781 = arith.constant 0 : i32
    %dma_start3A_782 = arith.constant 0 : i32
    %dma_start3A_783 = tpu.memref_slice %arg3[%dma_start3A_781, %dma_start3A_782] : memref<1000x16xf32, #tpu.memory_space<hbm>> -> memref<1000x16xf32, #tpu.memory_space<hbm>>
    tpu.enqueue_indirect_dma source(%dma_start3A_783 : memref<1000x16xf32, #tpu.memory_space<hbm>>) target(%dma_start3A_778 : memref<104x16xf32, #tpu.memory_space<vmem>>) offsets(%dma_start3A_780 : memref<104xi32, #tpu.memory_space<vmem>>) semaphore(%arg11 : memref<!tpu.dma_semaphore, #tpu.memory_space<semaphore_mem>>)
    %dma_start3A_784 = arith.constant 5 : i32
    %dma_start3A_785 = arith.constant 0 : i32
    %dma_start3A_786 = arith.constant 0 : i32
    %dma_start3A_787 = tpu.memref_slice %arg8[%dma_start3A_784, %dma_start3A_785, %dma_start3A_786] : memref<16x208x16xf32, #tpu.memory_space<vmem>> -> memref<1x104x16xf32, #tpu.memory_space<vmem>>
    %dma_start3A_788 = tpu.memref_squeeze %dma_start3A_787 : memref<1x104x16xf32, #tpu.memory_space<vmem>> -> memref<104x16xf32, #tpu.memory_space<vmem>>
    %dma_start3A_789 = arith.constant 1040 : i32
    %dma_start3A_790 = tpu.memref_slice %arg6[%dma_start3A_789] : memref<3328xi32, #tpu.memory_space<vmem>> -> memref<104xi32, #tpu.memory_space<vmem>>
    %dma_start3A_791 = arith.constant 0 : i32
    %dma_start3A_792 = arith.constant 0 : i32
    %dma_start3A_793 = tpu.memref_slice %arg3[%dma_start3A_791, %dma_start3A_792] : memref<1000x16xf32, #tpu.memory_space<hbm>> -> memref<1000x16xf32, #tpu.memory_space<hbm>>
    tpu.enqueue_indirect_dma source(%dma_start3A_793 : memref<1000x16xf32, #tpu.memory_space<hbm>>) target(%dma_start3A_788 : memref<104x16xf32, #tpu.memory_space<vmem>>) offsets(%dma_start3A_790 : memref<104xi32, #tpu.memory_space<vmem>>) semaphore(%arg11 : memref<!tpu.dma_semaphore, #tpu.memory_space<semaphore_mem>>)
    %dma_start3A_794 = arith.constant 5 : i32
    %dma_start3A_795 = arith.constant 104 : i32
    %dma_start3A_796 = arith.constant 0 : i32
    %dma_start3A_797 = tpu.memref_slice %arg8[%dma_start3A_794, %dma_start3A_795, %dma_start3A_796] : memref<16x208x16xf32, #tpu.memory_space<vmem>> -> memref<1x104x16xf32, #tpu.memory_space<vmem>>
    %dma_start3A_798 = tpu.memref_squeeze %dma_start3A_797 : memref<1x104x16xf32, #tpu.memory_space<vmem>> -> memref<104x16xf32, #tpu.memory_space<vmem>>
    %dma_start3A_799 = arith.constant 1144 : i32
    %dma_start3A_800 = tpu.memref_slice %arg6[%dma_start3A_799] : memref<3328xi32, #tpu.memory_space<vmem>> -> memref<104xi32, #tpu.memory_space<vmem>>
    %dma_start3A_801 = arith.constant 0 : i32
    %dma_start3A_802 = arith.constant 0 : i32
    %dma_start3A_803 = tpu.memref_slice %arg3[%dma_start3A_801, %dma_start3A_802] : memref<1000x16xf32, #tpu.memory_space<hbm>> -> memref<1000x16xf32, #tpu.memory_space<hbm>>
    tpu.enqueue_indirect_dma source(%dma_start3A_803 : memref<1000x16xf32, #tpu.memory_space<hbm>>) target(%dma_start3A_798 : memref<104x16xf32, #tpu.memory_space<vmem>>) offsets(%dma_start3A_800 : memref<104xi32, #tpu.memory_space<vmem>>) semaphore(%arg11 : memref<!tpu.dma_semaphore, #tpu.memory_space<semaphore_mem>>)
    %dma_start3A_804 = arith.constant 6 : i32
    %dma_start3A_805 = arith.constant 0 : i32
    %dma_start3A_806 = arith.constant 0 : i32
    %dma_start3A_807 = tpu.memref_slice %arg8[%dma_start3A_804, %dma_start3A_805, %dma_start3A_806] : memref<16x208x16xf32, #tpu.memory_space<vmem>> -> memref<1x104x16xf32, #tpu.memory_space<vmem>>
    %dma_start3A_808 = tpu.memref_squeeze %dma_start3A_807 : memref<1x104x16xf32, #tpu.memory_space<vmem>> -> memref<104x16xf32, #tpu.memory_space<vmem>>
    %dma_start3A_809 = arith.constant 1248 : i32
    %dma_start3A_810 = tpu.memref_slice %arg6[%dma_start3A_809] : memref<3328xi32, #tpu.memory_space<vmem>> -> memref<104xi32, #tpu.memory_space<vmem>>
    %dma_start3A_811 = arith.constant 0 : i32
    %dma_start3A_812 = arith.constant 0 : i32
    %dma_start3A_813 = tpu.memref_slice %arg3[%dma_start3A_811, %dma_start3A_812] : memref<1000x16xf32, #tpu.memory_space<hbm>> -> memref<1000x16xf32, #tpu.memory_space<hbm>>
    tpu.enqueue_indirect_dma source(%dma_start3A_813 : memref<1000x16xf32, #tpu.memory_space<hbm>>) target(%dma_start3A_808 : memref<104x16xf32, #tpu.memory_space<vmem>>) offsets(%dma_start3A_810 : memref<104xi32, #tpu.memory_space<vmem>>) semaphore(%arg11 : memref<!tpu.dma_semaphore, #tpu.memory_space<semaphore_mem>>)
    %dma_start3A_814 = arith.constant 6 : i32
    %dma_start3A_815 = arith.constant 104 : i32
    %dma_start3A_816 = arith.constant 0 : i32
    %dma_start3A_817 = tpu.memref_slice %arg8[%dma_start3A_814, %dma_start3A_815, %dma_start3A_816] : memref<16x208x16xf32, #tpu.memory_space<vmem>> -> memref<1x104x16xf32, #tpu.memory_space<vmem>>
    %dma_start3A_818 = tpu.memref_squeeze %dma_start3A_817 : memref<1x104x16xf32, #tpu.memory_space<vmem>> -> memref<104x16xf32, #tpu.memory_space<vmem>>
    %dma_start3A_819 = arith.constant 1352 : i32
    %dma_start3A_820 = tpu.memref_slice %arg6[%dma_start3A_819] : memref<3328xi32, #tpu.memory_space<vmem>> -> memref<104xi32, #tpu.memory_space<vmem>>
    %dma_start3A_821 = arith.constant 0 : i32
    %dma_start3A_822 = arith.constant 0 : i32
    %dma_start3A_823 = tpu.memref_slice %arg3[%dma_start3A_821, %dma_start3A_822] : memref<1000x16xf32, #tpu.memory_space<hbm>> -> memref<1000x16xf32, #tpu.memory_space<hbm>>
    tpu.enqueue_indirect_dma source(%dma_start3A_823 : memref<1000x16xf32, #tpu.memory_space<hbm>>) target(%dma_start3A_818 : memref<104x16xf32, #tpu.memory_space<vmem>>) offsets(%dma_start3A_820 : memref<104xi32, #tpu.memory_space<vmem>>) semaphore(%arg11 : memref<!tpu.dma_semaphore, #tpu.memory_space<semaphore_mem>>)
    %dma_start3A_824 = arith.constant 7 : i32
    %dma_start3A_825 = arith.constant 0 : i32
    %dma_start3A_826 = arith.constant 0 : i32
    %dma_start3A_827 = tpu.memref_slice %arg8[%dma_start3A_824, %dma_start3A_825, %dma_start3A_826] : memref<16x208x16xf32, #tpu.memory_space<vmem>> -> memref<1x104x16xf32, #tpu.memory_space<vmem>>
    %dma_start3A_828 = tpu.memref_squeeze %dma_start3A_827 : memref<1x104x16xf32, #tpu.memory_space<vmem>> -> memref<104x16xf32, #tpu.memory_space<vmem>>
    %dma_start3A_829 = arith.constant 1456 : i32
    %dma_start3A_830 = tpu.memref_slice %arg6[%dma_start3A_829] : memref<3328xi32, #tpu.memory_space<vmem>> -> memref<104xi32, #tpu.memory_space<vmem>>
    %dma_start3A_831 = arith.constant 0 : i32
    %dma_start3A_832 = arith.constant 0 : i32
    %dma_start3A_833 = tpu.memref_slice %arg3[%dma_start3A_831, %dma_start3A_832] : memref<1000x16xf32, #tpu.memory_space<hbm>> -> memref<1000x16xf32, #tpu.memory_space<hbm>>
    tpu.enqueue_indirect_dma source(%dma_start3A_833 : memref<1000x16xf32, #tpu.memory_space<hbm>>) target(%dma_start3A_828 : memref<104x16xf32, #tpu.memory_space<vmem>>) offsets(%dma_start3A_830 : memref<104xi32, #tpu.memory_space<vmem>>) semaphore(%arg11 : memref<!tpu.dma_semaphore, #tpu.memory_space<semaphore_mem>>)
    %dma_start3A_834 = arith.constant 7 : i32
    %dma_start3A_835 = arith.constant 104 : i32
    %dma_start3A_836 = arith.constant 0 : i32
    %dma_start3A_837 = tpu.memref_slice %arg8[%dma_start3A_834, %dma_start3A_835, %dma_start3A_836] : memref<16x208x16xf32, #tpu.memory_space<vmem>> -> memref<1x104x16xf32, #tpu.memory_space<vmem>>
    %dma_start3A_838 = tpu.memref_squeeze %dma_start3A_837 : memref<1x104x16xf32, #tpu.memory_space<vmem>> -> memref<104x16xf32, #tpu.memory_space<vmem>>
    %dma_start3A_839 = arith.constant 1560 : i32
    %dma_start3A_840 = tpu.memref_slice %arg6[%dma_start3A_839] : memref<3328xi32, #tpu.memory_space<vmem>> -> memref<104xi32, #tpu.memory_space<vmem>>
    %dma_start3A_841 = arith.constant 0 : i32
    %dma_start3A_842 = arith.constant 0 : i32
    %dma_start3A_843 = tpu.memref_slice %arg3[%dma_start3A_841, %dma_start3A_842] : memref<1000x16xf32, #tpu.memory_space<hbm>> -> memref<1000x16xf32, #tpu.memory_space<hbm>>
    tpu.enqueue_indirect_dma source(%dma_start3A_843 : memref<1000x16xf32, #tpu.memory_space<hbm>>) target(%dma_start3A_838 : memref<104x16xf32, #tpu.memory_space<vmem>>) offsets(%dma_start3A_840 : memref<104xi32, #tpu.memory_space<vmem>>) semaphore(%arg11 : memref<!tpu.dma_semaphore, #tpu.memory_space<semaphore_mem>>)
    %dma_start3A_844 = arith.constant 8 : i32
    %dma_start3A_845 = arith.constant 0 : i32
    %dma_start3A_846 = arith.constant 0 : i32
    %dma_start3A_847 = tpu.memref_slice %arg8[%dma_start3A_844, %dma_start3A_845, %dma_start3A_846] : memref<16x208x16xf32, #tpu.memory_space<vmem>> -> memref<1x104x16xf32, #tpu.memory_space<vmem>>
    %dma_start3A_848 = tpu.memref_squeeze %dma_start3A_847 : memref<1x104x16xf32, #tpu.memory_space<vmem>> -> memref<104x16xf32, #tpu.memory_space<vmem>>
    %dma_start3A_849 = arith.constant 1664 : i32
    %dma_start3A_850 = tpu.memref_slice %arg6[%dma_start3A_849] : memref<3328xi32, #tpu.memory_space<vmem>> -> memref<104xi32, #tpu.memory_space<vmem>>
    %dma_start3A_851 = arith.constant 0 : i32
    %dma_start3A_852 = arith.constant 0 : i32
    %dma_start3A_853 = tpu.memref_slice %arg3[%dma_start3A_851, %dma_start3A_852] : memref<1000x16xf32, #tpu.memory_space<hbm>> -> memref<1000x16xf32, #tpu.memory_space<hbm>>
    tpu.enqueue_indirect_dma source(%dma_start3A_853 : memref<1000x16xf32, #tpu.memory_space<hbm>>) target(%dma_start3A_848 : memref<104x16xf32, #tpu.memory_space<vmem>>) offsets(%dma_start3A_850 : memref<104xi32, #tpu.memory_space<vmem>>) semaphore(%arg11 : memref<!tpu.dma_semaphore, #tpu.memory_space<semaphore_mem>>)
    %dma_start3A_854 = arith.constant 8 : i32
    %dma_start3A_855 = arith.constant 104 : i32
    %dma_start3A_856 = arith.constant 0 : i32
    %dma_start3A_857 = tpu.memref_slice %arg8[%dma_start3A_854, %dma_start3A_855, %dma_start3A_856] : memref<16x208x16xf32, #tpu.memory_space<vmem>> -> memref<1x104x16xf32, #tpu.memory_space<vmem>>
    %dma_start3A_858 = tpu.memref_squeeze %dma_start3A_857 : memref<1x104x16xf32, #tpu.memory_space<vmem>> -> memref<104x16xf32, #tpu.memory_space<vmem>>
    %dma_start3A_859 = arith.constant 1768 : i32
    %dma_start3A_860 = tpu.memref_slice %arg6[%dma_start3A_859] : memref<3328xi32, #tpu.memory_space<vmem>> -> memref<104xi32, #tpu.memory_space<vmem>>
    %dma_start3A_861 = arith.constant 0 : i32
    %dma_start3A_862 = arith.constant 0 : i32
    %dma_start3A_863 = tpu.memref_slice %arg3[%dma_start3A_861, %dma_start3A_862] : memref<1000x16xf32, #tpu.memory_space<hbm>> -> memref<1000x16xf32, #tpu.memory_space<hbm>>
    tpu.enqueue_indirect_dma source(%dma_start3A_863 : memref<1000x16xf32, #tpu.memory_space<hbm>>) target(%dma_start3A_858 : memref<104x16xf32, #tpu.memory_space<vmem>>) offsets(%dma_start3A_860 : memref<104xi32, #tpu.memory_space<vmem>>) semaphore(%arg11 : memref<!tpu.dma_semaphore, #tpu.memory_space<semaphore_mem>>)
    %dma_start3A_864 = arith.constant 9 : i32
    %dma_start3A_865 = arith.constant 0 : i32
    %dma_start3A_866 = arith.constant 0 : i32
    %dma_start3A_867 = tpu.memref_slice %arg8[%dma_start3A_864, %dma_start3A_865, %dma_start3A_866] : memref<16x208x16xf32, #tpu.memory_space<vmem>> -> memref<1x104x16xf32, #tpu.memory_space<vmem>>
    %dma_start3A_868 = tpu.memref_squeeze %dma_start3A_867 : memref<1x104x16xf32, #tpu.memory_space<vmem>> -> memref<104x16xf32, #tpu.memory_space<vmem>>
    %dma_start3A_869 = arith.constant 1872 : i32
    %dma_start3A_870 = tpu.memref_slice %arg6[%dma_start3A_869] : memref<3328xi32, #tpu.memory_space<vmem>> -> memref<104xi32, #tpu.memory_space<vmem>>
    %dma_start3A_871 = arith.constant 0 : i32
    %dma_start3A_872 = arith.constant 0 : i32
    %dma_start3A_873 = tpu.memref_slice %arg3[%dma_start3A_871, %dma_start3A_872] : memref<1000x16xf32, #tpu.memory_space<hbm>> -> memref<1000x16xf32, #tpu.memory_space<hbm>>
    tpu.enqueue_indirect_dma source(%dma_start3A_873 : memref<1000x16xf32, #tpu.memory_space<hbm>>) target(%dma_start3A_868 : memref<104x16xf32, #tpu.memory_space<vmem>>) offsets(%dma_start3A_870 : memref<104xi32, #tpu.memory_space<vmem>>) semaphore(%arg11 : memref<!tpu.dma_semaphore, #tpu.memory_space<semaphore_mem>>)
    %dma_start3A_874 = arith.constant 9 : i32
    %dma_start3A_875 = arith.constant 104 : i32
    %dma_start3A_876 = arith.constant 0 : i32
    %dma_start3A_877 = tpu.memref_slice %arg8[%dma_start3A_874, %dma_start3A_875, %dma_start3A_876] : memref<16x208x16xf32, #tpu.memory_space<vmem>> -> memref<1x104x16xf32, #tpu.memory_space<vmem>>
    %dma_start3A_878 = tpu.memref_squeeze %dma_start3A_877 : memref<1x104x16xf32, #tpu.memory_space<vmem>> -> memref<104x16xf32, #tpu.memory_space<vmem>>
    %dma_start3A_879 = arith.constant 1976 : i32
    %dma_start3A_880 = tpu.memref_slice %arg6[%dma_start3A_879] : memref<3328xi32, #tpu.memory_space<vmem>> -> memref<104xi32, #tpu.memory_space<vmem>>
    %dma_start3A_881 = arith.constant 0 : i32
    %dma_start3A_882 = arith.constant 0 : i32
    %dma_start3A_883 = tpu.memref_slice %arg3[%dma_start3A_881, %dma_start3A_882] : memref<1000x16xf32, #tpu.memory_space<hbm>> -> memref<1000x16xf32, #tpu.memory_space<hbm>>
    tpu.enqueue_indirect_dma source(%dma_start3A_883 : memref<1000x16xf32, #tpu.memory_space<hbm>>) target(%dma_start3A_878 : memref<104x16xf32, #tpu.memory_space<vmem>>) offsets(%dma_start3A_880 : memref<104xi32, #tpu.memory_space<vmem>>) semaphore(%arg11 : memref<!tpu.dma_semaphore, #tpu.memory_space<semaphore_mem>>)
    %dma_start3A_884 = arith.constant 10 : i32
    %dma_start3A_885 = arith.constant 0 : i32
    %dma_start3A_886 = arith.constant 0 : i32
    %dma_start3A_887 = tpu.memref_slice %arg8[%dma_start3A_884, %dma_start3A_885, %dma_start3A_886] : memref<16x208x16xf32, #tpu.memory_space<vmem>> -> memref<1x104x16xf32, #tpu.memory_space<vmem>>
    %dma_start3A_888 = tpu.memref_squeeze %dma_start3A_887 : memref<1x104x16xf32, #tpu.memory_space<vmem>> -> memref<104x16xf32, #tpu.memory_space<vmem>>
    %dma_start3A_889 = arith.constant 2080 : i32
    %dma_start3A_890 = tpu.memref_slice %arg6[%dma_start3A_889] : memref<3328xi32, #tpu.memory_space<vmem>> -> memref<104xi32, #tpu.memory_space<vmem>>
    %dma_start3A_891 = arith.constant 0 : i32
    %dma_start3A_892 = arith.constant 0 : i32
    %dma_start3A_893 = tpu.memref_slice %arg3[%dma_start3A_891, %dma_start3A_892] : memref<1000x16xf32, #tpu.memory_space<hbm>> -> memref<1000x16xf32, #tpu.memory_space<hbm>>
    tpu.enqueue_indirect_dma source(%dma_start3A_893 : memref<1000x16xf32, #tpu.memory_space<hbm>>) target(%dma_start3A_888 : memref<104x16xf32, #tpu.memory_space<vmem>>) offsets(%dma_start3A_890 : memref<104xi32, #tpu.memory_space<vmem>>) semaphore(%arg11 : memref<!tpu.dma_semaphore, #tpu.memory_space<semaphore_mem>>)
    %dma_start3A_894 = arith.constant 10 : i32
    %dma_start3A_895 = arith.constant 104 : i32
    %dma_start3A_896 = arith.constant 0 : i32
    %dma_start3A_897 = tpu.memref_slice %arg8[%dma_start3A_894, %dma_start3A_895, %dma_start3A_896] : memref<16x208x16xf32, #tpu.memory_space<vmem>> -> memref<1x104x16xf32, #tpu.memory_space<vmem>>
    %dma_start3A_898 = tpu.memref_squeeze %dma_start3A_897 : memref<1x104x16xf32, #tpu.memory_space<vmem>> -> memref<104x16xf32, #tpu.memory_space<vmem>>
    %dma_start3A_899 = arith.constant 2184 : i32
    %dma_start3A_900 = tpu.memref_slice %arg6[%dma_start3A_899] : memref<3328xi32, #tpu.memory_space<vmem>> -> memref<104xi32, #tpu.memory_space<vmem>>
    %dma_start3A_901 = arith.constant 0 : i32
    %dma_start3A_902 = arith.constant 0 : i32
    %dma_start3A_903 = tpu.memref_slice %arg3[%dma_start3A_901, %dma_start3A_902] : memref<1000x16xf32, #tpu.memory_space<hbm>> -> memref<1000x16xf32, #tpu.memory_space<hbm>>
    tpu.enqueue_indirect_dma source(%dma_start3A_903 : memref<1000x16xf32, #tpu.memory_space<hbm>>) target(%dma_start3A_898 : memref<104x16xf32, #tpu.memory_space<vmem>>) offsets(%dma_start3A_900 : memref<104xi32, #tpu.memory_space<vmem>>) semaphore(%arg11 : memref<!tpu.dma_semaphore, #tpu.memory_space<semaphore_mem>>)
    %dma_start3A_904 = arith.constant 11 : i32
    %dma_start3A_905 = arith.constant 0 : i32
    %dma_start3A_906 = arith.constant 0 : i32
    %dma_start3A_907 = tpu.memref_slice %arg8[%dma_start3A_904, %dma_start3A_905, %dma_start3A_906] : memref<16x208x16xf32, #tpu.memory_space<vmem>> -> memref<1x104x16xf32, #tpu.memory_space<vmem>>
    %dma_start3A_908 = tpu.memref_squeeze %dma_start3A_907 : memref<1x104x16xf32, #tpu.memory_space<vmem>> -> memref<104x16xf32, #tpu.memory_space<vmem>>
    %dma_start3A_909 = arith.constant 2288 : i32
    %dma_start3A_910 = tpu.memref_slice %arg6[%dma_start3A_909] : memref<3328xi32, #tpu.memory_space<vmem>> -> memref<104xi32, #tpu.memory_space<vmem>>
    %dma_start3A_911 = arith.constant 0 : i32
    %dma_start3A_912 = arith.constant 0 : i32
    %dma_start3A_913 = tpu.memref_slice %arg3[%dma_start3A_911, %dma_start3A_912] : memref<1000x16xf32, #tpu.memory_space<hbm>> -> memref<1000x16xf32, #tpu.memory_space<hbm>>
    tpu.enqueue_indirect_dma source(%dma_start3A_913 : memref<1000x16xf32, #tpu.memory_space<hbm>>) target(%dma_start3A_908 : memref<104x16xf32, #tpu.memory_space<vmem>>) offsets(%dma_start3A_910 : memref<104xi32, #tpu.memory_space<vmem>>) semaphore(%arg11 : memref<!tpu.dma_semaphore, #tpu.memory_space<semaphore_mem>>)
    %dma_start3A_914 = arith.constant 11 : i32
    %dma_start3A_915 = arith.constant 104 : i32
    %dma_start3A_916 = arith.constant 0 : i32
    %dma_start3A_917 = tpu.memref_slice %arg8[%dma_start3A_914, %dma_start3A_915, %dma_start3A_916] : memref<16x208x16xf32, #tpu.memory_space<vmem>> -> memref<1x104x16xf32, #tpu.memory_space<vmem>>
    %dma_start3A_918 = tpu.memref_squeeze %dma_start3A_917 : memref<1x104x16xf32, #tpu.memory_space<vmem>> -> memref<104x16xf32, #tpu.memory_space<vmem>>
    %dma_start3A_919 = arith.constant 2392 : i32
    %dma_start3A_920 = tpu.memref_slice %arg6[%dma_start3A_919] : memref<3328xi32, #tpu.memory_space<vmem>> -> memref<104xi32, #tpu.memory_space<vmem>>
    %dma_start3A_921 = arith.constant 0 : i32
    %dma_start3A_922 = arith.constant 0 : i32
    %dma_start3A_923 = tpu.memref_slice %arg3[%dma_start3A_921, %dma_start3A_922] : memref<1000x16xf32, #tpu.memory_space<hbm>> -> memref<1000x16xf32, #tpu.memory_space<hbm>>
    tpu.enqueue_indirect_dma source(%dma_start3A_923 : memref<1000x16xf32, #tpu.memory_space<hbm>>) target(%dma_start3A_918 : memref<104x16xf32, #tpu.memory_space<vmem>>) offsets(%dma_start3A_920 : memref<104xi32, #tpu.memory_space<vmem>>) semaphore(%arg11 : memref<!tpu.dma_semaphore, #tpu.memory_space<semaphore_mem>>)
    %dma_start3A_924 = arith.constant 12 : i32
    %dma_start3A_925 = arith.constant 0 : i32
    %dma_start3A_926 = arith.constant 0 : i32
    %dma_start3A_927 = tpu.memref_slice %arg8[%dma_start3A_924, %dma_start3A_925, %dma_start3A_926] : memref<16x208x16xf32, #tpu.memory_space<vmem>> -> memref<1x104x16xf32, #tpu.memory_space<vmem>>
    %dma_start3A_928 = tpu.memref_squeeze %dma_start3A_927 : memref<1x104x16xf32, #tpu.memory_space<vmem>> -> memref<104x16xf32, #tpu.memory_space<vmem>>
    %dma_start3A_929 = arith.constant 2496 : i32
    %dma_start3A_930 = tpu.memref_slice %arg6[%dma_start3A_929] : memref<3328xi32, #tpu.memory_space<vmem>> -> memref<104xi32, #tpu.memory_space<vmem>>
    %dma_start3A_931 = arith.constant 0 : i32
    %dma_start3A_932 = arith.constant 0 : i32
    %dma_start3A_933 = tpu.memref_slice %arg3[%dma_start3A_931, %dma_start3A_932] : memref<1000x16xf32, #tpu.memory_space<hbm>> -> memref<1000x16xf32, #tpu.memory_space<hbm>>
    tpu.enqueue_indirect_dma source(%dma_start3A_933 : memref<1000x16xf32, #tpu.memory_space<hbm>>) target(%dma_start3A_928 : memref<104x16xf32, #tpu.memory_space<vmem>>) offsets(%dma_start3A_930 : memref<104xi32, #tpu.memory_space<vmem>>) semaphore(%arg11 : memref<!tpu.dma_semaphore, #tpu.memory_space<semaphore_mem>>)
    %dma_start3A_934 = arith.constant 12 : i32
    %dma_start3A_935 = arith.constant 104 : i32
    %dma_start3A_936 = arith.constant 0 : i32
    %dma_start3A_937 = tpu.memref_slice %arg8[%dma_start3A_934, %dma_start3A_935, %dma_start3A_936] : memref<16x208x16xf32, #tpu.memory_space<vmem>> -> memref<1x104x16xf32, #tpu.memory_space<vmem>>
    %dma_start3A_938 = tpu.memref_squeeze %dma_start3A_937 : memref<1x104x16xf32, #tpu.memory_space<vmem>> -> memref<104x16xf32, #tpu.memory_space<vmem>>
    %dma_start3A_939 = arith.constant 2600 : i32
    %dma_start3A_940 = tpu.memref_slice %arg6[%dma_start3A_939] : memref<3328xi32, #tpu.memory_space<vmem>> -> memref<104xi32, #tpu.memory_space<vmem>>
    %dma_start3A_941 = arith.constant 0 : i32
    %dma_start3A_942 = arith.constant 0 : i32
    %dma_start3A_943 = tpu.memref_slice %arg3[%dma_start3A_941, %dma_start3A_942] : memref<1000x16xf32, #tpu.memory_space<hbm>> -> memref<1000x16xf32, #tpu.memory_space<hbm>>
    tpu.enqueue_indirect_dma source(%dma_start3A_943 : memref<1000x16xf32, #tpu.memory_space<hbm>>) target(%dma_start3A_938 : memref<104x16xf32, #tpu.memory_space<vmem>>) offsets(%dma_start3A_940 : memref<104xi32, #tpu.memory_space<vmem>>) semaphore(%arg11 : memref<!tpu.dma_semaphore, #tpu.memory_space<semaphore_mem>>)
    %dma_start3A_944 = arith.constant 13 : i32
    %dma_start3A_945 = arith.constant 0 : i32
    %dma_start3A_946 = arith.constant 0 : i32
    %dma_start3A_947 = tpu.memref_slice %arg8[%dma_start3A_944, %dma_start3A_945, %dma_start3A_946] : memref<16x208x16xf32, #tpu.memory_space<vmem>> -> memref<1x104x16xf32, #tpu.memory_space<vmem>>
    %dma_start3A_948 = tpu.memref_squeeze %dma_start3A_947 : memref<1x104x16xf32, #tpu.memory_space<vmem>> -> memref<104x16xf32, #tpu.memory_space<vmem>>
    %dma_start3A_949 = arith.constant 2704 : i32
    %dma_start3A_950 = tpu.memref_slice %arg6[%dma_start3A_949] : memref<3328xi32, #tpu.memory_space<vmem>> -> memref<104xi32, #tpu.memory_space<vmem>>
    %dma_start3A_951 = arith.constant 0 : i32
    %dma_start3A_952 = arith.constant 0 : i32
    %dma_start3A_953 = tpu.memref_slice %arg3[%dma_start3A_951, %dma_start3A_952] : memref<1000x16xf32, #tpu.memory_space<hbm>> -> memref<1000x16xf32, #tpu.memory_space<hbm>>
    tpu.enqueue_indirect_dma source(%dma_start3A_953 : memref<1000x16xf32, #tpu.memory_space<hbm>>) target(%dma_start3A_948 : memref<104x16xf32, #tpu.memory_space<vmem>>) offsets(%dma_start3A_950 : memref<104xi32, #tpu.memory_space<vmem>>) semaphore(%arg11 : memref<!tpu.dma_semaphore, #tpu.memory_space<semaphore_mem>>)
    %dma_start3A_954 = arith.constant 13 : i32
    %dma_start3A_955 = arith.constant 104 : i32
    %dma_start3A_956 = arith.constant 0 : i32
    %dma_start3A_957 = tpu.memref_slice %arg8[%dma_start3A_954, %dma_start3A_955, %dma_start3A_956] : memref<16x208x16xf32, #tpu.memory_space<vmem>> -> memref<1x104x16xf32, #tpu.memory_space<vmem>>
    %dma_start3A_958 = tpu.memref_squeeze %dma_start3A_957 : memref<1x104x16xf32, #tpu.memory_space<vmem>> -> memref<104x16xf32, #tpu.memory_space<vmem>>
    %dma_start3A_959 = arith.constant 2808 : i32
    %dma_start3A_960 = tpu.memref_slice %arg6[%dma_start3A_959] : memref<3328xi32, #tpu.memory_space<vmem>> -> memref<104xi32, #tpu.memory_space<vmem>>
    %dma_start3A_961 = arith.constant 0 : i32
    %dma_start3A_962 = arith.constant 0 : i32
    %dma_start3A_963 = tpu.memref_slice %arg3[%dma_start3A_961, %dma_start3A_962] : memref<1000x16xf32, #tpu.memory_space<hbm>> -> memref<1000x16xf32, #tpu.memory_space<hbm>>
    tpu.enqueue_indirect_dma source(%dma_start3A_963 : memref<1000x16xf32, #tpu.memory_space<hbm>>) target(%dma_start3A_958 : memref<104x16xf32, #tpu.memory_space<vmem>>) offsets(%dma_start3A_960 : memref<104xi32, #tpu.memory_space<vmem>>) semaphore(%arg11 : memref<!tpu.dma_semaphore, #tpu.memory_space<semaphore_mem>>)
    %dma_start3A_964 = arith.constant 14 : i32
    %dma_start3A_965 = arith.constant 0 : i32
    %dma_start3A_966 = arith.constant 0 : i32
    %dma_start3A_967 = tpu.memref_slice %arg8[%dma_start3A_964, %dma_start3A_965, %dma_start3A_966] : memref<16x208x16xf32, #tpu.memory_space<vmem>> -> memref<1x104x16xf32, #tpu.memory_space<vmem>>
    %dma_start3A_968 = tpu.memref_squeeze %dma_start3A_967 : memref<1x104x16xf32, #tpu.memory_space<vmem>> -> memref<104x16xf32, #tpu.memory_space<vmem>>
    %dma_start3A_969 = arith.constant 2912 : i32
    %dma_start3A_970 = tpu.memref_slice %arg6[%dma_start3A_969] : memref<3328xi32, #tpu.memory_space<vmem>> -> memref<104xi32, #tpu.memory_space<vmem>>
    %dma_start3A_971 = arith.constant 0 : i32
    %dma_start3A_972 = arith.constant 0 : i32
    %dma_start3A_973 = tpu.memref_slice %arg3[%dma_start3A_971, %dma_start3A_972] : memref<1000x16xf32, #tpu.memory_space<hbm>> -> memref<1000x16xf32, #tpu.memory_space<hbm>>
    tpu.enqueue_indirect_dma source(%dma_start3A_973 : memref<1000x16xf32, #tpu.memory_space<hbm>>) target(%dma_start3A_968 : memref<104x16xf32, #tpu.memory_space<vmem>>) offsets(%dma_start3A_970 : memref<104xi32, #tpu.memory_space<vmem>>) semaphore(%arg11 : memref<!tpu.dma_semaphore, #tpu.memory_space<semaphore_mem>>)
    %dma_start3A_974 = arith.constant 14 : i32
    %dma_start3A_975 = arith.constant 104 : i32
    %dma_start3A_976 = arith.constant 0 : i32
    %dma_start3A_977 = tpu.memref_slice %arg8[%dma_start3A_974, %dma_start3A_975, %dma_start3A_976] : memref<16x208x16xf32, #tpu.memory_space<vmem>> -> memref<1x104x16xf32, #tpu.memory_space<vmem>>
    %dma_start3A_978 = tpu.memref_squeeze %dma_start3A_977 : memref<1x104x16xf32, #tpu.memory_space<vmem>> -> memref<104x16xf32, #tpu.memory_space<vmem>>
    %dma_start3A_979 = arith.constant 3016 : i32
    %dma_start3A_980 = tpu.memref_slice %arg6[%dma_start3A_979] : memref<3328xi32, #tpu.memory_space<vmem>> -> memref<104xi32, #tpu.memory_space<vmem>>
    %dma_start3A_981 = arith.constant 0 : i32
    %dma_start3A_982 = arith.constant 0 : i32
    %dma_start3A_983 = tpu.memref_slice %arg3[%dma_start3A_981, %dma_start3A_982] : memref<1000x16xf32, #tpu.memory_space<hbm>> -> memref<1000x16xf32, #tpu.memory_space<hbm>>
    tpu.enqueue_indirect_dma source(%dma_start3A_983 : memref<1000x16xf32, #tpu.memory_space<hbm>>) target(%dma_start3A_978 : memref<104x16xf32, #tpu.memory_space<vmem>>) offsets(%dma_start3A_980 : memref<104xi32, #tpu.memory_space<vmem>>) semaphore(%arg11 : memref<!tpu.dma_semaphore, #tpu.memory_space<semaphore_mem>>)
    %dma_start3A_984 = arith.constant 15 : i32
    %dma_start3A_985 = arith.constant 0 : i32
    %dma_start3A_986 = arith.constant 0 : i32
    %dma_start3A_987 = tpu.memref_slice %arg8[%dma_start3A_984, %dma_start3A_985, %dma_start3A_986] : memref<16x208x16xf32, #tpu.memory_space<vmem>> -> memref<1x104x16xf32, #tpu.memory_space<vmem>>
    %dma_start3A_988 = tpu.memref_squeeze %dma_start3A_987 : memref<1x104x16xf32, #tpu.memory_space<vmem>> -> memref<104x16xf32, #tpu.memory_space<vmem>>
    %dma_start3A_989 = arith.constant 3120 : i32
    %dma_start3A_990 = tpu.memref_slice %arg6[%dma_start3A_989] : memref<3328xi32, #tpu.memory_space<vmem>> -> memref<104xi32, #tpu.memory_space<vmem>>
    %dma_start3A_991 = arith.constant 0 : i32
    %dma_start3A_992 = arith.constant 0 : i32
    %dma_start3A_993 = tpu.memref_slice %arg3[%dma_start3A_991, %dma_start3A_992] : memref<1000x16xf32, #tpu.memory_space<hbm>> -> memref<1000x16xf32, #tpu.memory_space<hbm>>
    tpu.enqueue_indirect_dma source(%dma_start3A_993 : memref<1000x16xf32, #tpu.memory_space<hbm>>) target(%dma_start3A_988 : memref<104x16xf32, #tpu.memory_space<vmem>>) offsets(%dma_start3A_990 : memref<104xi32, #tpu.memory_space<vmem>>) semaphore(%arg11 : memref<!tpu.dma_semaphore, #tpu.memory_space<semaphore_mem>>)
    %dma_start3A_994 = arith.constant 15 : i32
    %dma_start3A_995 = arith.constant 104 : i32
    %dma_start3A_996 = arith.constant 0 : i32
    %dma_start3A_997 = tpu.memref_slice %arg8[%dma_start3A_994, %dma_start3A_995, %dma_start3A_996] : memref<16x208x16xf32, #tpu.memory_space<vmem>> -> memref<1x104x16xf32, #tpu.memory_space<vmem>>
    %dma_start3A_998 = tpu.memref_squeeze %dma_start3A_997 : memref<1x104x16xf32, #tpu.memory_space<vmem>> -> memref<104x16xf32, #tpu.memory_space<vmem>>
    %dma_start3A_999 = arith.constant 3224 : i32
    %dma_start3A_1000 = tpu.memref_slice %arg6[%dma_start3A_999] : memref<3328xi32, #tpu.memory_space<vmem>> -> memref<104xi32, #tpu.memory_space<vmem>>
    %dma_start3A_1001 = arith.constant 0 : i32
    %dma_start3A_1002 = arith.constant 0 : i32
    %dma_start3A_1003 = tpu.memref_slice %arg3[%dma_start3A_1001, %dma_start3A_1002] : memref<1000x16xf32, #tpu.memory_space<hbm>> -> memref<1000x16xf32, #tpu.memory_space<hbm>>
    tpu.enqueue_indirect_dma source(%dma_start3A_1003 : memref<1000x16xf32, #tpu.memory_space<hbm>>) target(%dma_start3A_998 : memref<104x16xf32, #tpu.memory_space<vmem>>) offsets(%dma_start3A_1000 : memref<104xi32, #tpu.memory_space<vmem>>) semaphore(%arg11 : memref<!tpu.dma_semaphore, #tpu.memory_space<semaphore_mem>>)
    %dma_wait3A_1004 = arith.constant 0 : i32
    %dma_wait3A_1005 = arith.constant 0 : i32
    %dma_wait3A_1006 = arith.constant 0 : i32
    %dma_wait3A_1007 = tpu.memref_slice %arg8[%dma_wait3A_1004, %dma_wait3A_1005, %dma_wait3A_1006] : memref<16x208x16xf32, #tpu.memory_space<vmem>> -> memref<1x104x16xf32, #tpu.memory_space<vmem>>
    %dma_wait3A_1008 = tpu.memref_squeeze %dma_wait3A_1007 : memref<1x104x16xf32, #tpu.memory_space<vmem>> -> memref<104x16xf32, #tpu.memory_space<vmem>>
    %dma_wait3A_1009 = arith.constant 0 : i32
    %dma_wait3A_1010 = tpu.memref_slice %arg6[%dma_wait3A_1009] : memref<3328xi32, #tpu.memory_space<vmem>> -> memref<104xi32, #tpu.memory_space<vmem>>
    %dma_wait3A_1011 = arith.constant 0 : i32
    %dma_wait3A_1012 = arith.constant 0 : i32
    %dma_wait3A_1013 = tpu.memref_slice %arg3[%dma_wait3A_1011, %dma_wait3A_1012] : memref<1000x16xf32, #tpu.memory_space<hbm>> -> memref<1000x16xf32, #tpu.memory_space<hbm>>
    tpu.wait_indirect_dma semaphore(%arg11 : memref<!tpu.dma_semaphore, #tpu.memory_space<semaphore_mem>>) src(%dma_wait3A_1013 : memref<1000x16xf32, #tpu.memory_space<hbm>>) dst(%dma_wait3A_1008 : memref<104x16xf32, #tpu.memory_space<vmem>>)
    %dma_wait3A_1014 = arith.constant 0 : i32
    %dma_wait3A_1015 = arith.constant 104 : i32
    %dma_wait3A_1016 = arith.constant 0 : i32
    %dma_wait3A_1017 = tpu.memref_slice %arg8[%dma_wait3A_1014, %dma_wait3A_1015, %dma_wait3A_1016] : memref<16x208x16xf32, #tpu.memory_space<vmem>> -> memref<1x104x16xf32, #tpu.memory_space<vmem>>
    %dma_wait3A_1018 = tpu.memref_squeeze %dma_wait3A_1017 : memref<1x104x16xf32, #tpu.memory_space<vmem>> -> memref<104x16xf32, #tpu.memory_space<vmem>>
    %dma_wait3A_1019 = arith.constant 104 : i32
    %dma_wait3A_1020 = tpu.memref_slice %arg6[%dma_wait3A_1019] : memref<3328xi32, #tpu.memory_space<vmem>> -> memref<104xi32, #tpu.memory_space<vmem>>
    %dma_wait3A_1021 = arith.constant 0 : i32
    %dma_wait3A_1022 = arith.constant 0 : i32
    %dma_wait3A_1023 = tpu.memref_slice %arg3[%dma_wait3A_1021, %dma_wait3A_1022] : memref<1000x16xf32, #tpu.memory_space<hbm>> -> memref<1000x16xf32, #tpu.memory_space<hbm>>
    tpu.wait_indirect_dma semaphore(%arg11 : memref<!tpu.dma_semaphore, #tpu.memory_space<semaphore_mem>>) src(%dma_wait3A_1023 : memref<1000x16xf32, #tpu.memory_space<hbm>>) dst(%dma_wait3A_1018 : memref<104x16xf32, #tpu.memory_space<vmem>>)
    %dma_wait3A_1024 = arith.constant 1 : i32
    %dma_wait3A_1025 = arith.constant 0 : i32
    %dma_wait3A_1026 = arith.constant 0 : i32
    %dma_wait3A_1027 = tpu.memref_slice %arg8[%dma_wait3A_1024, %dma_wait3A_1025, %dma_wait3A_1026] : memref<16x208x16xf32, #tpu.memory_space<vmem>> -> memref<1x104x16xf32, #tpu.memory_space<vmem>>
    %dma_wait3A_1028 = tpu.memref_squeeze %dma_wait3A_1027 : memref<1x104x16xf32, #tpu.memory_space<vmem>> -> memref<104x16xf32, #tpu.memory_space<vmem>>
    %dma_wait3A_1029 = arith.constant 208 : i32
    %dma_wait3A_1030 = tpu.memref_slice %arg6[%dma_wait3A_1029] : memref<3328xi32, #tpu.memory_space<vmem>> -> memref<104xi32, #tpu.memory_space<vmem>>
    %dma_wait3A_1031 = arith.constant 0 : i32
    %dma_wait3A_1032 = arith.constant 0 : i32
    %dma_wait3A_1033 = tpu.memref_slice %arg3[%dma_wait3A_1031, %dma_wait3A_1032] : memref<1000x16xf32, #tpu.memory_space<hbm>> -> memref<1000x16xf32, #tpu.memory_space<hbm>>
    tpu.wait_indirect_dma semaphore(%arg11 : memref<!tpu.dma_semaphore, #tpu.memory_space<semaphore_mem>>) src(%dma_wait3A_1033 : memref<1000x16xf32, #tpu.memory_space<hbm>>) dst(%dma_wait3A_1028 : memref<104x16xf32, #tpu.memory_space<vmem>>)
    %dma_wait3A_1034 = arith.constant 1 : i32
    %dma_wait3A_1035 = arith.constant 104 : i32
    %dma_wait3A_1036 = arith.constant 0 : i32
    %dma_wait3A_1037 = tpu.memref_slice %arg8[%dma_wait3A_1034, %dma_wait3A_1035, %dma_wait3A_1036] : memref<16x208x16xf32, #tpu.memory_space<vmem>> -> memref<1x104x16xf32, #tpu.memory_space<vmem>>
    %dma_wait3A_1038 = tpu.memref_squeeze %dma_wait3A_1037 : memref<1x104x16xf32, #tpu.memory_space<vmem>> -> memref<104x16xf32, #tpu.memory_space<vmem>>
    %dma_wait3A_1039 = arith.constant 312 : i32
    %dma_wait3A_1040 = tpu.memref_slice %arg6[%dma_wait3A_1039] : memref<3328xi32, #tpu.memory_space<vmem>> -> memref<104xi32, #tpu.memory_space<vmem>>
    %dma_wait3A_1041 = arith.constant 0 : i32
    %dma_wait3A_1042 = arith.constant 0 : i32
    %dma_wait3A_1043 = tpu.memref_slice %arg3[%dma_wait3A_1041, %dma_wait3A_1042] : memref<1000x16xf32, #tpu.memory_space<hbm>> -> memref<1000x16xf32, #tpu.memory_space<hbm>>
    tpu.wait_indirect_dma semaphore(%arg11 : memref<!tpu.dma_semaphore, #tpu.memory_space<semaphore_mem>>) src(%dma_wait3A_1043 : memref<1000x16xf32, #tpu.memory_space<hbm>>) dst(%dma_wait3A_1038 : memref<104x16xf32, #tpu.memory_space<vmem>>)
    %dma_wait3A_1044 = arith.constant 2 : i32
    %dma_wait3A_1045 = arith.constant 0 : i32
    %dma_wait3A_1046 = arith.constant 0 : i32
    %dma_wait3A_1047 = tpu.memref_slice %arg8[%dma_wait3A_1044, %dma_wait3A_1045, %dma_wait3A_1046] : memref<16x208x16xf32, #tpu.memory_space<vmem>> -> memref<1x104x16xf32, #tpu.memory_space<vmem>>
    %dma_wait3A_1048 = tpu.memref_squeeze %dma_wait3A_1047 : memref<1x104x16xf32, #tpu.memory_space<vmem>> -> memref<104x16xf32, #tpu.memory_space<vmem>>
    %dma_wait3A_1049 = arith.constant 416 : i32
    %dma_wait3A_1050 = tpu.memref_slice %arg6[%dma_wait3A_1049] : memref<3328xi32, #tpu.memory_space<vmem>> -> memref<104xi32, #tpu.memory_space<vmem>>
    %dma_wait3A_1051 = arith.constant 0 : i32
    %dma_wait3A_1052 = arith.constant 0 : i32
    %dma_wait3A_1053 = tpu.memref_slice %arg3[%dma_wait3A_1051, %dma_wait3A_1052] : memref<1000x16xf32, #tpu.memory_space<hbm>> -> memref<1000x16xf32, #tpu.memory_space<hbm>>
    tpu.wait_indirect_dma semaphore(%arg11 : memref<!tpu.dma_semaphore, #tpu.memory_space<semaphore_mem>>) src(%dma_wait3A_1053 : memref<1000x16xf32, #tpu.memory_space<hbm>>) dst(%dma_wait3A_1048 : memref<104x16xf32, #tpu.memory_space<vmem>>)
    %dma_wait3A_1054 = arith.constant 2 : i32
    %dma_wait3A_1055 = arith.constant 104 : i32
    %dma_wait3A_1056 = arith.constant 0 : i32
    %dma_wait3A_1057 = tpu.memref_slice %arg8[%dma_wait3A_1054, %dma_wait3A_1055, %dma_wait3A_1056] : memref<16x208x16xf32, #tpu.memory_space<vmem>> -> memref<1x104x16xf32, #tpu.memory_space<vmem>>
    %dma_wait3A_1058 = tpu.memref_squeeze %dma_wait3A_1057 : memref<1x104x16xf32, #tpu.memory_space<vmem>> -> memref<104x16xf32, #tpu.memory_space<vmem>>
    %dma_wait3A_1059 = arith.constant 520 : i32
    %dma_wait3A_1060 = tpu.memref_slice %arg6[%dma_wait3A_1059] : memref<3328xi32, #tpu.memory_space<vmem>> -> memref<104xi32, #tpu.memory_space<vmem>>
    %dma_wait3A_1061 = arith.constant 0 : i32
    %dma_wait3A_1062 = arith.constant 0 : i32
    %dma_wait3A_1063 = tpu.memref_slice %arg3[%dma_wait3A_1061, %dma_wait3A_1062] : memref<1000x16xf32, #tpu.memory_space<hbm>> -> memref<1000x16xf32, #tpu.memory_space<hbm>>
    tpu.wait_indirect_dma semaphore(%arg11 : memref<!tpu.dma_semaphore, #tpu.memory_space<semaphore_mem>>) src(%dma_wait3A_1063 : memref<1000x16xf32, #tpu.memory_space<hbm>>) dst(%dma_wait3A_1058 : memref<104x16xf32, #tpu.memory_space<vmem>>)
    %dma_wait3A_1064 = arith.constant 3 : i32
    %dma_wait3A_1065 = arith.constant 0 : i32
    %dma_wait3A_1066 = arith.constant 0 : i32
    %dma_wait3A_1067 = tpu.memref_slice %arg8[%dma_wait3A_1064, %dma_wait3A_1065, %dma_wait3A_1066] : memref<16x208x16xf32, #tpu.memory_space<vmem>> -> memref<1x104x16xf32, #tpu.memory_space<vmem>>
    %dma_wait3A_1068 = tpu.memref_squeeze %dma_wait3A_1067 : memref<1x104x16xf32, #tpu.memory_space<vmem>> -> memref<104x16xf32, #tpu.memory_space<vmem>>
    %dma_wait3A_1069 = arith.constant 624 : i32
    %dma_wait3A_1070 = tpu.memref_slice %arg6[%dma_wait3A_1069] : memref<3328xi32, #tpu.memory_space<vmem>> -> memref<104xi32, #tpu.memory_space<vmem>>
    %dma_wait3A_1071 = arith.constant 0 : i32
    %dma_wait3A_1072 = arith.constant 0 : i32
    %dma_wait3A_1073 = tpu.memref_slice %arg3[%dma_wait3A_1071, %dma_wait3A_1072] : memref<1000x16xf32, #tpu.memory_space<hbm>> -> memref<1000x16xf32, #tpu.memory_space<hbm>>
    tpu.wait_indirect_dma semaphore(%arg11 : memref<!tpu.dma_semaphore, #tpu.memory_space<semaphore_mem>>) src(%dma_wait3A_1073 : memref<1000x16xf32, #tpu.memory_space<hbm>>) dst(%dma_wait3A_1068 : memref<104x16xf32, #tpu.memory_space<vmem>>)
    %dma_wait3A_1074 = arith.constant 3 : i32
    %dma_wait3A_1075 = arith.constant 104 : i32
    %dma_wait3A_1076 = arith.constant 0 : i32
    %dma_wait3A_1077 = tpu.memref_slice %arg8[%dma_wait3A_1074, %dma_wait3A_1075, %dma_wait3A_1076] : memref<16x208x16xf32, #tpu.memory_space<vmem>> -> memref<1x104x16xf32, #tpu.memory_space<vmem>>
    %dma_wait3A_1078 = tpu.memref_squeeze %dma_wait3A_1077 : memref<1x104x16xf32, #tpu.memory_space<vmem>> -> memref<104x16xf32, #tpu.memory_space<vmem>>
    %dma_wait3A_1079 = arith.constant 728 : i32
    %dma_wait3A_1080 = tpu.memref_slice %arg6[%dma_wait3A_1079] : memref<3328xi32, #tpu.memory_space<vmem>> -> memref<104xi32, #tpu.memory_space<vmem>>
    %dma_wait3A_1081 = arith.constant 0 : i32
    %dma_wait3A_1082 = arith.constant 0 : i32
    %dma_wait3A_1083 = tpu.memref_slice %arg3[%dma_wait3A_1081, %dma_wait3A_1082] : memref<1000x16xf32, #tpu.memory_space<hbm>> -> memref<1000x16xf32, #tpu.memory_space<hbm>>
    tpu.wait_indirect_dma semaphore(%arg11 : memref<!tpu.dma_semaphore, #tpu.memory_space<semaphore_mem>>) src(%dma_wait3A_1083 : memref<1000x16xf32, #tpu.memory_space<hbm>>) dst(%dma_wait3A_1078 : memref<104x16xf32, #tpu.memory_space<vmem>>)
    %dma_wait3A_1084 = arith.constant 4 : i32
    %dma_wait3A_1085 = arith.constant 0 : i32
    %dma_wait3A_1086 = arith.constant 0 : i32
    %dma_wait3A_1087 = tpu.memref_slice %arg8[%dma_wait3A_1084, %dma_wait3A_1085, %dma_wait3A_1086] : memref<16x208x16xf32, #tpu.memory_space<vmem>> -> memref<1x104x16xf32, #tpu.memory_space<vmem>>
    %dma_wait3A_1088 = tpu.memref_squeeze %dma_wait3A_1087 : memref<1x104x16xf32, #tpu.memory_space<vmem>> -> memref<104x16xf32, #tpu.memory_space<vmem>>
    %dma_wait3A_1089 = arith.constant 832 : i32
    %dma_wait3A_1090 = tpu.memref_slice %arg6[%dma_wait3A_1089] : memref<3328xi32, #tpu.memory_space<vmem>> -> memref<104xi32, #tpu.memory_space<vmem>>
    %dma_wait3A_1091 = arith.constant 0 : i32
    %dma_wait3A_1092 = arith.constant 0 : i32
    %dma_wait3A_1093 = tpu.memref_slice %arg3[%dma_wait3A_1091, %dma_wait3A_1092] : memref<1000x16xf32, #tpu.memory_space<hbm>> -> memref<1000x16xf32, #tpu.memory_space<hbm>>
    tpu.wait_indirect_dma semaphore(%arg11 : memref<!tpu.dma_semaphore, #tpu.memory_space<semaphore_mem>>) src(%dma_wait3A_1093 : memref<1000x16xf32, #tpu.memory_space<hbm>>) dst(%dma_wait3A_1088 : memref<104x16xf32, #tpu.memory_space<vmem>>)
    %dma_wait3A_1094 = arith.constant 4 : i32
    %dma_wait3A_1095 = arith.constant 104 : i32
    %dma_wait3A_1096 = arith.constant 0 : i32
    %dma_wait3A_1097 = tpu.memref_slice %arg8[%dma_wait3A_1094, %dma_wait3A_1095, %dma_wait3A_1096] : memref<16x208x16xf32, #tpu.memory_space<vmem>> -> memref<1x104x16xf32, #tpu.memory_space<vmem>>
    %dma_wait3A_1098 = tpu.memref_squeeze %dma_wait3A_1097 : memref<1x104x16xf32, #tpu.memory_space<vmem>> -> memref<104x16xf32, #tpu.memory_space<vmem>>
    %dma_wait3A_1099 = arith.constant 936 : i32
    %dma_wait3A_1100 = tpu.memref_slice %arg6[%dma_wait3A_1099] : memref<3328xi32, #tpu.memory_space<vmem>> -> memref<104xi32, #tpu.memory_space<vmem>>
    %dma_wait3A_1101 = arith.constant 0 : i32
    %dma_wait3A_1102 = arith.constant 0 : i32
    %dma_wait3A_1103 = tpu.memref_slice %arg3[%dma_wait3A_1101, %dma_wait3A_1102] : memref<1000x16xf32, #tpu.memory_space<hbm>> -> memref<1000x16xf32, #tpu.memory_space<hbm>>
    tpu.wait_indirect_dma semaphore(%arg11 : memref<!tpu.dma_semaphore, #tpu.memory_space<semaphore_mem>>) src(%dma_wait3A_1103 : memref<1000x16xf32, #tpu.memory_space<hbm>>) dst(%dma_wait3A_1098 : memref<104x16xf32, #tpu.memory_space<vmem>>)
    %dma_wait3A_1104 = arith.constant 5 : i32
    %dma_wait3A_1105 = arith.constant 0 : i32
    %dma_wait3A_1106 = arith.constant 0 : i32
    %dma_wait3A_1107 = tpu.memref_slice %arg8[%dma_wait3A_1104, %dma_wait3A_1105, %dma_wait3A_1106] : memref<16x208x16xf32, #tpu.memory_space<vmem>> -> memref<1x104x16xf32, #tpu.memory_space<vmem>>
    %dma_wait3A_1108 = tpu.memref_squeeze %dma_wait3A_1107 : memref<1x104x16xf32, #tpu.memory_space<vmem>> -> memref<104x16xf32, #tpu.memory_space<vmem>>
    %dma_wait3A_1109 = arith.constant 1040 : i32
    %dma_wait3A_1110 = tpu.memref_slice %arg6[%dma_wait3A_1109] : memref<3328xi32, #tpu.memory_space<vmem>> -> memref<104xi32, #tpu.memory_space<vmem>>
    %dma_wait3A_1111 = arith.constant 0 : i32
    %dma_wait3A_1112 = arith.constant 0 : i32
    %dma_wait3A_1113 = tpu.memref_slice %arg3[%dma_wait3A_1111, %dma_wait3A_1112] : memref<1000x16xf32, #tpu.memory_space<hbm>> -> memref<1000x16xf32, #tpu.memory_space<hbm>>
    tpu.wait_indirect_dma semaphore(%arg11 : memref<!tpu.dma_semaphore, #tpu.memory_space<semaphore_mem>>) src(%dma_wait3A_1113 : memref<1000x16xf32, #tpu.memory_space<hbm>>) dst(%dma_wait3A_1108 : memref<104x16xf32, #tpu.memory_space<vmem>>)
    %dma_wait3A_1114 = arith.constant 5 : i32
    %dma_wait3A_1115 = arith.constant 104 : i32
    %dma_wait3A_1116 = arith.constant 0 : i32
    %dma_wait3A_1117 = tpu.memref_slice %arg8[%dma_wait3A_1114, %dma_wait3A_1115, %dma_wait3A_1116] : memref<16x208x16xf32, #tpu.memory_space<vmem>> -> memref<1x104x16xf32, #tpu.memory_space<vmem>>
    %dma_wait3A_1118 = tpu.memref_squeeze %dma_wait3A_1117 : memref<1x104x16xf32, #tpu.memory_space<vmem>> -> memref<104x16xf32, #tpu.memory_space<vmem>>
    %dma_wait3A_1119 = arith.constant 1144 : i32
    %dma_wait3A_1120 = tpu.memref_slice %arg6[%dma_wait3A_1119] : memref<3328xi32, #tpu.memory_space<vmem>> -> memref<104xi32, #tpu.memory_space<vmem>>
    %dma_wait3A_1121 = arith.constant 0 : i32
    %dma_wait3A_1122 = arith.constant 0 : i32
    %dma_wait3A_1123 = tpu.memref_slice %arg3[%dma_wait3A_1121, %dma_wait3A_1122] : memref<1000x16xf32, #tpu.memory_space<hbm>> -> memref<1000x16xf32, #tpu.memory_space<hbm>>
    tpu.wait_indirect_dma semaphore(%arg11 : memref<!tpu.dma_semaphore, #tpu.memory_space<semaphore_mem>>) src(%dma_wait3A_1123 : memref<1000x16xf32, #tpu.memory_space<hbm>>) dst(%dma_wait3A_1118 : memref<104x16xf32, #tpu.memory_space<vmem>>)
    %dma_wait3A_1124 = arith.constant 6 : i32
    %dma_wait3A_1125 = arith.constant 0 : i32
    %dma_wait3A_1126 = arith.constant 0 : i32
    %dma_wait3A_1127 = tpu.memref_slice %arg8[%dma_wait3A_1124, %dma_wait3A_1125, %dma_wait3A_1126] : memref<16x208x16xf32, #tpu.memory_space<vmem>> -> memref<1x104x16xf32, #tpu.memory_space<vmem>>
    %dma_wait3A_1128 = tpu.memref_squeeze %dma_wait3A_1127 : memref<1x104x16xf32, #tpu.memory_space<vmem>> -> memref<104x16xf32, #tpu.memory_space<vmem>>
    %dma_wait3A_1129 = arith.constant 1248 : i32
    %dma_wait3A_1130 = tpu.memref_slice %arg6[%dma_wait3A_1129] : memref<3328xi32, #tpu.memory_space<vmem>> -> memref<104xi32, #tpu.memory_space<vmem>>
    %dma_wait3A_1131 = arith.constant 0 : i32
    %dma_wait3A_1132 = arith.constant 0 : i32
    %dma_wait3A_1133 = tpu.memref_slice %arg3[%dma_wait3A_1131, %dma_wait3A_1132] : memref<1000x16xf32, #tpu.memory_space<hbm>> -> memref<1000x16xf32, #tpu.memory_space<hbm>>
    tpu.wait_indirect_dma semaphore(%arg11 : memref<!tpu.dma_semaphore, #tpu.memory_space<semaphore_mem>>) src(%dma_wait3A_1133 : memref<1000x16xf32, #tpu.memory_space<hbm>>) dst(%dma_wait3A_1128 : memref<104x16xf32, #tpu.memory_space<vmem>>)
    %dma_wait3A_1134 = arith.constant 6 : i32
    %dma_wait3A_1135 = arith.constant 104 : i32
    %dma_wait3A_1136 = arith.constant 0 : i32
    %dma_wait3A_1137 = tpu.memref_slice %arg8[%dma_wait3A_1134, %dma_wait3A_1135, %dma_wait3A_1136] : memref<16x208x16xf32, #tpu.memory_space<vmem>> -> memref<1x104x16xf32, #tpu.memory_space<vmem>>
    %dma_wait3A_1138 = tpu.memref_squeeze %dma_wait3A_1137 : memref<1x104x16xf32, #tpu.memory_space<vmem>> -> memref<104x16xf32, #tpu.memory_space<vmem>>
    %dma_wait3A_1139 = arith.constant 1352 : i32
    %dma_wait3A_1140 = tpu.memref_slice %arg6[%dma_wait3A_1139] : memref<3328xi32, #tpu.memory_space<vmem>> -> memref<104xi32, #tpu.memory_space<vmem>>
    %dma_wait3A_1141 = arith.constant 0 : i32
    %dma_wait3A_1142 = arith.constant 0 : i32
    %dma_wait3A_1143 = tpu.memref_slice %arg3[%dma_wait3A_1141, %dma_wait3A_1142] : memref<1000x16xf32, #tpu.memory_space<hbm>> -> memref<1000x16xf32, #tpu.memory_space<hbm>>
    tpu.wait_indirect_dma semaphore(%arg11 : memref<!tpu.dma_semaphore, #tpu.memory_space<semaphore_mem>>) src(%dma_wait3A_1143 : memref<1000x16xf32, #tpu.memory_space<hbm>>) dst(%dma_wait3A_1138 : memref<104x16xf32, #tpu.memory_space<vmem>>)
    %dma_wait3A_1144 = arith.constant 7 : i32
    %dma_wait3A_1145 = arith.constant 0 : i32
    %dma_wait3A_1146 = arith.constant 0 : i32
    %dma_wait3A_1147 = tpu.memref_slice %arg8[%dma_wait3A_1144, %dma_wait3A_1145, %dma_wait3A_1146] : memref<16x208x16xf32, #tpu.memory_space<vmem>> -> memref<1x104x16xf32, #tpu.memory_space<vmem>>
    %dma_wait3A_1148 = tpu.memref_squeeze %dma_wait3A_1147 : memref<1x104x16xf32, #tpu.memory_space<vmem>> -> memref<104x16xf32, #tpu.memory_space<vmem>>
    %dma_wait3A_1149 = arith.constant 1456 : i32
    %dma_wait3A_1150 = tpu.memref_slice %arg6[%dma_wait3A_1149] : memref<3328xi32, #tpu.memory_space<vmem>> -> memref<104xi32, #tpu.memory_space<vmem>>
    %dma_wait3A_1151 = arith.constant 0 : i32
    %dma_wait3A_1152 = arith.constant 0 : i32
    %dma_wait3A_1153 = tpu.memref_slice %arg3[%dma_wait3A_1151, %dma_wait3A_1152] : memref<1000x16xf32, #tpu.memory_space<hbm>> -> memref<1000x16xf32, #tpu.memory_space<hbm>>
    tpu.wait_indirect_dma semaphore(%arg11 : memref<!tpu.dma_semaphore, #tpu.memory_space<semaphore_mem>>) src(%dma_wait3A_1153 : memref<1000x16xf32, #tpu.memory_space<hbm>>) dst(%dma_wait3A_1148 : memref<104x16xf32, #tpu.memory_space<vmem>>)
    %dma_wait3A_1154 = arith.constant 7 : i32
    %dma_wait3A_1155 = arith.constant 104 : i32
    %dma_wait3A_1156 = arith.constant 0 : i32
    %dma_wait3A_1157 = tpu.memref_slice %arg8[%dma_wait3A_1154, %dma_wait3A_1155, %dma_wait3A_1156] : memref<16x208x16xf32, #tpu.memory_space<vmem>> -> memref<1x104x16xf32, #tpu.memory_space<vmem>>
    %dma_wait3A_1158 = tpu.memref_squeeze %dma_wait3A_1157 : memref<1x104x16xf32, #tpu.memory_space<vmem>> -> memref<104x16xf32, #tpu.memory_space<vmem>>
    %dma_wait3A_1159 = arith.constant 1560 : i32
    %dma_wait3A_1160 = tpu.memref_slice %arg6[%dma_wait3A_1159] : memref<3328xi32, #tpu.memory_space<vmem>> -> memref<104xi32, #tpu.memory_space<vmem>>
    %dma_wait3A_1161 = arith.constant 0 : i32
    %dma_wait3A_1162 = arith.constant 0 : i32
    %dma_wait3A_1163 = tpu.memref_slice %arg3[%dma_wait3A_1161, %dma_wait3A_1162] : memref<1000x16xf32, #tpu.memory_space<hbm>> -> memref<1000x16xf32, #tpu.memory_space<hbm>>
    tpu.wait_indirect_dma semaphore(%arg11 : memref<!tpu.dma_semaphore, #tpu.memory_space<semaphore_mem>>) src(%dma_wait3A_1163 : memref<1000x16xf32, #tpu.memory_space<hbm>>) dst(%dma_wait3A_1158 : memref<104x16xf32, #tpu.memory_space<vmem>>)
    %dma_wait3A_1164 = arith.constant 8 : i32
    %dma_wait3A_1165 = arith.constant 0 : i32
    %dma_wait3A_1166 = arith.constant 0 : i32
    %dma_wait3A_1167 = tpu.memref_slice %arg8[%dma_wait3A_1164, %dma_wait3A_1165, %dma_wait3A_1166] : memref<16x208x16xf32, #tpu.memory_space<vmem>> -> memref<1x104x16xf32, #tpu.memory_space<vmem>>
    %dma_wait3A_1168 = tpu.memref_squeeze %dma_wait3A_1167 : memref<1x104x16xf32, #tpu.memory_space<vmem>> -> memref<104x16xf32, #tpu.memory_space<vmem>>
    %dma_wait3A_1169 = arith.constant 1664 : i32
    %dma_wait3A_1170 = tpu.memref_slice %arg6[%dma_wait3A_1169] : memref<3328xi32, #tpu.memory_space<vmem>> -> memref<104xi32, #tpu.memory_space<vmem>>
    %dma_wait3A_1171 = arith.constant 0 : i32
    %dma_wait3A_1172 = arith.constant 0 : i32
    %dma_wait3A_1173 = tpu.memref_slice %arg3[%dma_wait3A_1171, %dma_wait3A_1172] : memref<1000x16xf32, #tpu.memory_space<hbm>> -> memref<1000x16xf32, #tpu.memory_space<hbm>>
    tpu.wait_indirect_dma semaphore(%arg11 : memref<!tpu.dma_semaphore, #tpu.memory_space<semaphore_mem>>) src(%dma_wait3A_1173 : memref<1000x16xf32, #tpu.memory_space<hbm>>) dst(%dma_wait3A_1168 : memref<104x16xf32, #tpu.memory_space<vmem>>)
    %dma_wait3A_1174 = arith.constant 8 : i32
    %dma_wait3A_1175 = arith.constant 104 : i32
    %dma_wait3A_1176 = arith.constant 0 : i32
    %dma_wait3A_1177 = tpu.memref_slice %arg8[%dma_wait3A_1174, %dma_wait3A_1175, %dma_wait3A_1176] : memref<16x208x16xf32, #tpu.memory_space<vmem>> -> memref<1x104x16xf32, #tpu.memory_space<vmem>>
    %dma_wait3A_1178 = tpu.memref_squeeze %dma_wait3A_1177 : memref<1x104x16xf32, #tpu.memory_space<vmem>> -> memref<104x16xf32, #tpu.memory_space<vmem>>
    %dma_wait3A_1179 = arith.constant 1768 : i32
    %dma_wait3A_1180 = tpu.memref_slice %arg6[%dma_wait3A_1179] : memref<3328xi32, #tpu.memory_space<vmem>> -> memref<104xi32, #tpu.memory_space<vmem>>
    %dma_wait3A_1181 = arith.constant 0 : i32
    %dma_wait3A_1182 = arith.constant 0 : i32
    %dma_wait3A_1183 = tpu.memref_slice %arg3[%dma_wait3A_1181, %dma_wait3A_1182] : memref<1000x16xf32, #tpu.memory_space<hbm>> -> memref<1000x16xf32, #tpu.memory_space<hbm>>
    tpu.wait_indirect_dma semaphore(%arg11 : memref<!tpu.dma_semaphore, #tpu.memory_space<semaphore_mem>>) src(%dma_wait3A_1183 : memref<1000x16xf32, #tpu.memory_space<hbm>>) dst(%dma_wait3A_1178 : memref<104x16xf32, #tpu.memory_space<vmem>>)
    %dma_wait3A_1184 = arith.constant 9 : i32
    %dma_wait3A_1185 = arith.constant 0 : i32
    %dma_wait3A_1186 = arith.constant 0 : i32
    %dma_wait3A_1187 = tpu.memref_slice %arg8[%dma_wait3A_1184, %dma_wait3A_1185, %dma_wait3A_1186] : memref<16x208x16xf32, #tpu.memory_space<vmem>> -> memref<1x104x16xf32, #tpu.memory_space<vmem>>
    %dma_wait3A_1188 = tpu.memref_squeeze %dma_wait3A_1187 : memref<1x104x16xf32, #tpu.memory_space<vmem>> -> memref<104x16xf32, #tpu.memory_space<vmem>>
    %dma_wait3A_1189 = arith.constant 1872 : i32
    %dma_wait3A_1190 = tpu.memref_slice %arg6[%dma_wait3A_1189] : memref<3328xi32, #tpu.memory_space<vmem>> -> memref<104xi32, #tpu.memory_space<vmem>>
    %dma_wait3A_1191 = arith.constant 0 : i32
    %dma_wait3A_1192 = arith.constant 0 : i32
    %dma_wait3A_1193 = tpu.memref_slice %arg3[%dma_wait3A_1191, %dma_wait3A_1192] : memref<1000x16xf32, #tpu.memory_space<hbm>> -> memref<1000x16xf32, #tpu.memory_space<hbm>>
    tpu.wait_indirect_dma semaphore(%arg11 : memref<!tpu.dma_semaphore, #tpu.memory_space<semaphore_mem>>) src(%dma_wait3A_1193 : memref<1000x16xf32, #tpu.memory_space<hbm>>) dst(%dma_wait3A_1188 : memref<104x16xf32, #tpu.memory_space<vmem>>)
    %dma_wait3A_1194 = arith.constant 9 : i32
    %dma_wait3A_1195 = arith.constant 104 : i32
    %dma_wait3A_1196 = arith.constant 0 : i32
    %dma_wait3A_1197 = tpu.memref_slice %arg8[%dma_wait3A_1194, %dma_wait3A_1195, %dma_wait3A_1196] : memref<16x208x16xf32, #tpu.memory_space<vmem>> -> memref<1x104x16xf32, #tpu.memory_space<vmem>>
    %dma_wait3A_1198 = tpu.memref_squeeze %dma_wait3A_1197 : memref<1x104x16xf32, #tpu.memory_space<vmem>> -> memref<104x16xf32, #tpu.memory_space<vmem>>
    %dma_wait3A_1199 = arith.constant 1976 : i32
    %dma_wait3A_1200 = tpu.memref_slice %arg6[%dma_wait3A_1199] : memref<3328xi32, #tpu.memory_space<vmem>> -> memref<104xi32, #tpu.memory_space<vmem>>
    %dma_wait3A_1201 = arith.constant 0 : i32
    %dma_wait3A_1202 = arith.constant 0 : i32
    %dma_wait3A_1203 = tpu.memref_slice %arg3[%dma_wait3A_1201, %dma_wait3A_1202] : memref<1000x16xf32, #tpu.memory_space<hbm>> -> memref<1000x16xf32, #tpu.memory_space<hbm>>
    tpu.wait_indirect_dma semaphore(%arg11 : memref<!tpu.dma_semaphore, #tpu.memory_space<semaphore_mem>>) src(%dma_wait3A_1203 : memref<1000x16xf32, #tpu.memory_space<hbm>>) dst(%dma_wait3A_1198 : memref<104x16xf32, #tpu.memory_space<vmem>>)
    %dma_wait3A_1204 = arith.constant 10 : i32
    %dma_wait3A_1205 = arith.constant 0 : i32
    %dma_wait3A_1206 = arith.constant 0 : i32
    %dma_wait3A_1207 = tpu.memref_slice %arg8[%dma_wait3A_1204, %dma_wait3A_1205, %dma_wait3A_1206] : memref<16x208x16xf32, #tpu.memory_space<vmem>> -> memref<1x104x16xf32, #tpu.memory_space<vmem>>
    %dma_wait3A_1208 = tpu.memref_squeeze %dma_wait3A_1207 : memref<1x104x16xf32, #tpu.memory_space<vmem>> -> memref<104x16xf32, #tpu.memory_space<vmem>>
    %dma_wait3A_1209 = arith.constant 2080 : i32
    %dma_wait3A_1210 = tpu.memref_slice %arg6[%dma_wait3A_1209] : memref<3328xi32, #tpu.memory_space<vmem>> -> memref<104xi32, #tpu.memory_space<vmem>>
    %dma_wait3A_1211 = arith.constant 0 : i32
    %dma_wait3A_1212 = arith.constant 0 : i32
    %dma_wait3A_1213 = tpu.memref_slice %arg3[%dma_wait3A_1211, %dma_wait3A_1212] : memref<1000x16xf32, #tpu.memory_space<hbm>> -> memref<1000x16xf32, #tpu.memory_space<hbm>>
    tpu.wait_indirect_dma semaphore(%arg11 : memref<!tpu.dma_semaphore, #tpu.memory_space<semaphore_mem>>) src(%dma_wait3A_1213 : memref<1000x16xf32, #tpu.memory_space<hbm>>) dst(%dma_wait3A_1208 : memref<104x16xf32, #tpu.memory_space<vmem>>)
    %dma_wait3A_1214 = arith.constant 10 : i32
    %dma_wait3A_1215 = arith.constant 104 : i32
    %dma_wait3A_1216 = arith.constant 0 : i32
    %dma_wait3A_1217 = tpu.memref_slice %arg8[%dma_wait3A_1214, %dma_wait3A_1215, %dma_wait3A_1216] : memref<16x208x16xf32, #tpu.memory_space<vmem>> -> memref<1x104x16xf32, #tpu.memory_space<vmem>>
    %dma_wait3A_1218 = tpu.memref_squeeze %dma_wait3A_1217 : memref<1x104x16xf32, #tpu.memory_space<vmem>> -> memref<104x16xf32, #tpu.memory_space<vmem>>
    %dma_wait3A_1219 = arith.constant 2184 : i32
    %dma_wait3A_1220 = tpu.memref_slice %arg6[%dma_wait3A_1219] : memref<3328xi32, #tpu.memory_space<vmem>> -> memref<104xi32, #tpu.memory_space<vmem>>
    %dma_wait3A_1221 = arith.constant 0 : i32
    %dma_wait3A_1222 = arith.constant 0 : i32
    %dma_wait3A_1223 = tpu.memref_slice %arg3[%dma_wait3A_1221, %dma_wait3A_1222] : memref<1000x16xf32, #tpu.memory_space<hbm>> -> memref<1000x16xf32, #tpu.memory_space<hbm>>
    tpu.wait_indirect_dma semaphore(%arg11 : memref<!tpu.dma_semaphore, #tpu.memory_space<semaphore_mem>>) src(%dma_wait3A_1223 : memref<1000x16xf32, #tpu.memory_space<hbm>>) dst(%dma_wait3A_1218 : memref<104x16xf32, #tpu.memory_space<vmem>>)
    %dma_wait3A_1224 = arith.constant 11 : i32
    %dma_wait3A_1225 = arith.constant 0 : i32
    %dma_wait3A_1226 = arith.constant 0 : i32
    %dma_wait3A_1227 = tpu.memref_slice %arg8[%dma_wait3A_1224, %dma_wait3A_1225, %dma_wait3A_1226] : memref<16x208x16xf32, #tpu.memory_space<vmem>> -> memref<1x104x16xf32, #tpu.memory_space<vmem>>
    %dma_wait3A_1228 = tpu.memref_squeeze %dma_wait3A_1227 : memref<1x104x16xf32, #tpu.memory_space<vmem>> -> memref<104x16xf32, #tpu.memory_space<vmem>>
    %dma_wait3A_1229 = arith.constant 2288 : i32
    %dma_wait3A_1230 = tpu.memref_slice %arg6[%dma_wait3A_1229] : memref<3328xi32, #tpu.memory_space<vmem>> -> memref<104xi32, #tpu.memory_space<vmem>>
    %dma_wait3A_1231 = arith.constant 0 : i32
    %dma_wait3A_1232 = arith.constant 0 : i32
    %dma_wait3A_1233 = tpu.memref_slice %arg3[%dma_wait3A_1231, %dma_wait3A_1232] : memref<1000x16xf32, #tpu.memory_space<hbm>> -> memref<1000x16xf32, #tpu.memory_space<hbm>>
    tpu.wait_indirect_dma semaphore(%arg11 : memref<!tpu.dma_semaphore, #tpu.memory_space<semaphore_mem>>) src(%dma_wait3A_1233 : memref<1000x16xf32, #tpu.memory_space<hbm>>) dst(%dma_wait3A_1228 : memref<104x16xf32, #tpu.memory_space<vmem>>)
    %dma_wait3A_1234 = arith.constant 11 : i32
    %dma_wait3A_1235 = arith.constant 104 : i32
    %dma_wait3A_1236 = arith.constant 0 : i32
    %dma_wait3A_1237 = tpu.memref_slice %arg8[%dma_wait3A_1234, %dma_wait3A_1235, %dma_wait3A_1236] : memref<16x208x16xf32, #tpu.memory_space<vmem>> -> memref<1x104x16xf32, #tpu.memory_space<vmem>>
    %dma_wait3A_1238 = tpu.memref_squeeze %dma_wait3A_1237 : memref<1x104x16xf32, #tpu.memory_space<vmem>> -> memref<104x16xf32, #tpu.memory_space<vmem>>
    %dma_wait3A_1239 = arith.constant 2392 : i32
    %dma_wait3A_1240 = tpu.memref_slice %arg6[%dma_wait3A_1239] : memref<3328xi32, #tpu.memory_space<vmem>> -> memref<104xi32, #tpu.memory_space<vmem>>
    %dma_wait3A_1241 = arith.constant 0 : i32
    %dma_wait3A_1242 = arith.constant 0 : i32
    %dma_wait3A_1243 = tpu.memref_slice %arg3[%dma_wait3A_1241, %dma_wait3A_1242] : memref<1000x16xf32, #tpu.memory_space<hbm>> -> memref<1000x16xf32, #tpu.memory_space<hbm>>
    tpu.wait_indirect_dma semaphore(%arg11 : memref<!tpu.dma_semaphore, #tpu.memory_space<semaphore_mem>>) src(%dma_wait3A_1243 : memref<1000x16xf32, #tpu.memory_space<hbm>>) dst(%dma_wait3A_1238 : memref<104x16xf32, #tpu.memory_space<vmem>>)
    %dma_wait3A_1244 = arith.constant 12 : i32
    %dma_wait3A_1245 = arith.constant 0 : i32
    %dma_wait3A_1246 = arith.constant 0 : i32
    %dma_wait3A_1247 = tpu.memref_slice %arg8[%dma_wait3A_1244, %dma_wait3A_1245, %dma_wait3A_1246] : memref<16x208x16xf32, #tpu.memory_space<vmem>> -> memref<1x104x16xf32, #tpu.memory_space<vmem>>
    %dma_wait3A_1248 = tpu.memref_squeeze %dma_wait3A_1247 : memref<1x104x16xf32, #tpu.memory_space<vmem>> -> memref<104x16xf32, #tpu.memory_space<vmem>>
    %dma_wait3A_1249 = arith.constant 2496 : i32
    %dma_wait3A_1250 = tpu.memref_slice %arg6[%dma_wait3A_1249] : memref<3328xi32, #tpu.memory_space<vmem>> -> memref<104xi32, #tpu.memory_space<vmem>>
    %dma_wait3A_1251 = arith.constant 0 : i32
    %dma_wait3A_1252 = arith.constant 0 : i32
    %dma_wait3A_1253 = tpu.memref_slice %arg3[%dma_wait3A_1251, %dma_wait3A_1252] : memref<1000x16xf32, #tpu.memory_space<hbm>> -> memref<1000x16xf32, #tpu.memory_space<hbm>>
    tpu.wait_indirect_dma semaphore(%arg11 : memref<!tpu.dma_semaphore, #tpu.memory_space<semaphore_mem>>) src(%dma_wait3A_1253 : memref<1000x16xf32, #tpu.memory_space<hbm>>) dst(%dma_wait3A_1248 : memref<104x16xf32, #tpu.memory_space<vmem>>)
    %dma_wait3A_1254 = arith.constant 12 : i32
    %dma_wait3A_1255 = arith.constant 104 : i32
    %dma_wait3A_1256 = arith.constant 0 : i32
    %dma_wait3A_1257 = tpu.memref_slice %arg8[%dma_wait3A_1254, %dma_wait3A_1255, %dma_wait3A_1256] : memref<16x208x16xf32, #tpu.memory_space<vmem>> -> memref<1x104x16xf32, #tpu.memory_space<vmem>>
    %dma_wait3A_1258 = tpu.memref_squeeze %dma_wait3A_1257 : memref<1x104x16xf32, #tpu.memory_space<vmem>> -> memref<104x16xf32, #tpu.memory_space<vmem>>
    %dma_wait3A_1259 = arith.constant 2600 : i32
    %dma_wait3A_1260 = tpu.memref_slice %arg6[%dma_wait3A_1259] : memref<3328xi32, #tpu.memory_space<vmem>> -> memref<104xi32, #tpu.memory_space<vmem>>
    %dma_wait3A_1261 = arith.constant 0 : i32
    %dma_wait3A_1262 = arith.constant 0 : i32
    %dma_wait3A_1263 = tpu.memref_slice %arg3[%dma_wait3A_1261, %dma_wait3A_1262] : memref<1000x16xf32, #tpu.memory_space<hbm>> -> memref<1000x16xf32, #tpu.memory_space<hbm>>
    tpu.wait_indirect_dma semaphore(%arg11 : memref<!tpu.dma_semaphore, #tpu.memory_space<semaphore_mem>>) src(%dma_wait3A_1263 : memref<1000x16xf32, #tpu.memory_space<hbm>>) dst(%dma_wait3A_1258 : memref<104x16xf32, #tpu.memory_space<vmem>>)
    %dma_wait3A_1264 = arith.constant 13 : i32
    %dma_wait3A_1265 = arith.constant 0 : i32
    %dma_wait3A_1266 = arith.constant 0 : i32
    %dma_wait3A_1267 = tpu.memref_slice %arg8[%dma_wait3A_1264, %dma_wait3A_1265, %dma_wait3A_1266] : memref<16x208x16xf32, #tpu.memory_space<vmem>> -> memref<1x104x16xf32, #tpu.memory_space<vmem>>
    %dma_wait3A_1268 = tpu.memref_squeeze %dma_wait3A_1267 : memref<1x104x16xf32, #tpu.memory_space<vmem>> -> memref<104x16xf32, #tpu.memory_space<vmem>>
    %dma_wait3A_1269 = arith.constant 2704 : i32
    %dma_wait3A_1270 = tpu.memref_slice %arg6[%dma_wait3A_1269] : memref<3328xi32, #tpu.memory_space<vmem>> -> memref<104xi32, #tpu.memory_space<vmem>>
    %dma_wait3A_1271 = arith.constant 0 : i32
    %dma_wait3A_1272 = arith.constant 0 : i32
    %dma_wait3A_1273 = tpu.memref_slice %arg3[%dma_wait3A_1271, %dma_wait3A_1272] : memref<1000x16xf32, #tpu.memory_space<hbm>> -> memref<1000x16xf32, #tpu.memory_space<hbm>>
    tpu.wait_indirect_dma semaphore(%arg11 : memref<!tpu.dma_semaphore, #tpu.memory_space<semaphore_mem>>) src(%dma_wait3A_1273 : memref<1000x16xf32, #tpu.memory_space<hbm>>) dst(%dma_wait3A_1268 : memref<104x16xf32, #tpu.memory_space<vmem>>)
    %dma_wait3A_1274 = arith.constant 13 : i32
    %dma_wait3A_1275 = arith.constant 104 : i32
    %dma_wait3A_1276 = arith.constant 0 : i32
    %dma_wait3A_1277 = tpu.memref_slice %arg8[%dma_wait3A_1274, %dma_wait3A_1275, %dma_wait3A_1276] : memref<16x208x16xf32, #tpu.memory_space<vmem>> -> memref<1x104x16xf32, #tpu.memory_space<vmem>>
    %dma_wait3A_1278 = tpu.memref_squeeze %dma_wait3A_1277 : memref<1x104x16xf32, #tpu.memory_space<vmem>> -> memref<104x16xf32, #tpu.memory_space<vmem>>
    %dma_wait3A_1279 = arith.constant 2808 : i32
    %dma_wait3A_1280 = tpu.memref_slice %arg6[%dma_wait3A_1279] : memref<3328xi32, #tpu.memory_space<vmem>> -> memref<104xi32, #tpu.memory_space<vmem>>
    %dma_wait3A_1281 = arith.constant 0 : i32
    %dma_wait3A_1282 = arith.constant 0 : i32
    %dma_wait3A_1283 = tpu.memref_slice %arg3[%dma_wait3A_1281, %dma_wait3A_1282] : memref<1000x16xf32, #tpu.memory_space<hbm>> -> memref<1000x16xf32, #tpu.memory_space<hbm>>
    tpu.wait_indirect_dma semaphore(%arg11 : memref<!tpu.dma_semaphore, #tpu.memory_space<semaphore_mem>>) src(%dma_wait3A_1283 : memref<1000x16xf32, #tpu.memory_space<hbm>>) dst(%dma_wait3A_1278 : memref<104x16xf32, #tpu.memory_space<vmem>>)
    %dma_wait3A_1284 = arith.constant 14 : i32
    %dma_wait3A_1285 = arith.constant 0 : i32
    %dma_wait3A_1286 = arith.constant 0 : i32
    %dma_wait3A_1287 = tpu.memref_slice %arg8[%dma_wait3A_1284, %dma_wait3A_1285, %dma_wait3A_1286] : memref<16x208x16xf32, #tpu.memory_space<vmem>> -> memref<1x104x16xf32, #tpu.memory_space<vmem>>
    %dma_wait3A_1288 = tpu.memref_squeeze %dma_wait3A_1287 : memref<1x104x16xf32, #tpu.memory_space<vmem>> -> memref<104x16xf32, #tpu.memory_space<vmem>>
    %dma_wait3A_1289 = arith.constant 2912 : i32
    %dma_wait3A_1290 = tpu.memref_slice %arg6[%dma_wait3A_1289] : memref<3328xi32, #tpu.memory_space<vmem>> -> memref<104xi32, #tpu.memory_space<vmem>>
    %dma_wait3A_1291 = arith.constant 0 : i32
    %dma_wait3A_1292 = arith.constant 0 : i32
    %dma_wait3A_1293 = tpu.memref_slice %arg3[%dma_wait3A_1291, %dma_wait3A_1292] : memref<1000x16xf32, #tpu.memory_space<hbm>> -> memref<1000x16xf32, #tpu.memory_space<hbm>>
    tpu.wait_indirect_dma semaphore(%arg11 : memref<!tpu.dma_semaphore, #tpu.memory_space<semaphore_mem>>) src(%dma_wait3A_1293 : memref<1000x16xf32, #tpu.memory_space<hbm>>) dst(%dma_wait3A_1288 : memref<104x16xf32, #tpu.memory_space<vmem>>)
    %dma_wait3A_1294 = arith.constant 14 : i32
    %dma_wait3A_1295 = arith.constant 104 : i32
    %dma_wait3A_1296 = arith.constant 0 : i32
    %dma_wait3A_1297 = tpu.memref_slice %arg8[%dma_wait3A_1294, %dma_wait3A_1295, %dma_wait3A_1296] : memref<16x208x16xf32, #tpu.memory_space<vmem>> -> memref<1x104x16xf32, #tpu.memory_space<vmem>>
    %dma_wait3A_1298 = tpu.memref_squeeze %dma_wait3A_1297 : memref<1x104x16xf32, #tpu.memory_space<vmem>> -> memref<104x16xf32, #tpu.memory_space<vmem>>
    %dma_wait3A_1299 = arith.constant 3016 : i32
    %dma_wait3A_1300 = tpu.memref_slice %arg6[%dma_wait3A_1299] : memref<3328xi32, #tpu.memory_space<vmem>> -> memref<104xi32, #tpu.memory_space<vmem>>
    %dma_wait3A_1301 = arith.constant 0 : i32
    %dma_wait3A_1302 = arith.constant 0 : i32
    %dma_wait3A_1303 = tpu.memref_slice %arg3[%dma_wait3A_1301, %dma_wait3A_1302] : memref<1000x16xf32, #tpu.memory_space<hbm>> -> memref<1000x16xf32, #tpu.memory_space<hbm>>
    tpu.wait_indirect_dma semaphore(%arg11 : memref<!tpu.dma_semaphore, #tpu.memory_space<semaphore_mem>>) src(%dma_wait3A_1303 : memref<1000x16xf32, #tpu.memory_space<hbm>>) dst(%dma_wait3A_1298 : memref<104x16xf32, #tpu.memory_space<vmem>>)
    %dma_wait3A_1304 = arith.constant 15 : i32
    %dma_wait3A_1305 = arith.constant 0 : i32
    %dma_wait3A_1306 = arith.constant 0 : i32
    %dma_wait3A_1307 = tpu.memref_slice %arg8[%dma_wait3A_1304, %dma_wait3A_1305, %dma_wait3A_1306] : memref<16x208x16xf32, #tpu.memory_space<vmem>> -> memref<1x104x16xf32, #tpu.memory_space<vmem>>
    %dma_wait3A_1308 = tpu.memref_squeeze %dma_wait3A_1307 : memref<1x104x16xf32, #tpu.memory_space<vmem>> -> memref<104x16xf32, #tpu.memory_space<vmem>>
    %dma_wait3A_1309 = arith.constant 3120 : i32
    %dma_wait3A_1310 = tpu.memref_slice %arg6[%dma_wait3A_1309] : memref<3328xi32, #tpu.memory_space<vmem>> -> memref<104xi32, #tpu.memory_space<vmem>>
    %dma_wait3A_1311 = arith.constant 0 : i32
    %dma_wait3A_1312 = arith.constant 0 : i32
    %dma_wait3A_1313 = tpu.memref_slice %arg3[%dma_wait3A_1311, %dma_wait3A_1312] : memref<1000x16xf32, #tpu.memory_space<hbm>> -> memref<1000x16xf32, #tpu.memory_space<hbm>>
    tpu.wait_indirect_dma semaphore(%arg11 : memref<!tpu.dma_semaphore, #tpu.memory_space<semaphore_mem>>) src(%dma_wait3A_1313 : memref<1000x16xf32, #tpu.memory_space<hbm>>) dst(%dma_wait3A_1308 : memref<104x16xf32, #tpu.memory_space<vmem>>)
    %dma_wait3A_1314 = arith.constant 15 : i32
    %dma_wait3A_1315 = arith.constant 104 : i32
    %dma_wait3A_1316 = arith.constant 0 : i32
    %dma_wait3A_1317 = tpu.memref_slice %arg8[%dma_wait3A_1314, %dma_wait3A_1315, %dma_wait3A_1316] : memref<16x208x16xf32, #tpu.memory_space<vmem>> -> memref<1x104x16xf32, #tpu.memory_space<vmem>>
    %dma_wait3A_1318 = tpu.memref_squeeze %dma_wait3A_1317 : memref<1x104x16xf32, #tpu.memory_space<vmem>> -> memref<104x16xf32, #tpu.memory_space<vmem>>
    %dma_wait3A_1319 = arith.constant 3224 : i32
    %dma_wait3A_1320 = tpu.memref_slice %arg6[%dma_wait3A_1319] : memref<3328xi32, #tpu.memory_space<vmem>> -> memref<104xi32, #tpu.memory_space<vmem>>
    %dma_wait3A_1321 = arith.constant 0 : i32
    %dma_wait3A_1322 = arith.constant 0 : i32
    %dma_wait3A_1323 = tpu.memref_slice %arg3[%dma_wait3A_1321, %dma_wait3A_1322] : memref<1000x16xf32, #tpu.memory_space<hbm>> -> memref<1000x16xf32, #tpu.memory_space<hbm>>
    tpu.wait_indirect_dma semaphore(%arg11 : memref<!tpu.dma_semaphore, #tpu.memory_space<semaphore_mem>>) src(%dma_wait3A_1323 : memref<1000x16xf32, #tpu.memory_space<hbm>>) dst(%dma_wait3A_1318 : memref<104x16xf32, #tpu.memory_space<vmem>>)
    %dma_wait3A_1324 = arith.constant 0 : i32
    %dma_wait3A_1325 = tpu.memref_slice %arg5[%mul3A_665, %dma_wait3A_1324] : memref<1024x208xi32, #tpu.memory_space<hbm>> -> memref<16x208xi32, #tpu.memory_space<hbm>>
    %dma_wait3A_1326 = arith.constant 0 : i32
    %dma_wait3A_1327 = tpu.memref_slice %arg5[%mul3A_665, %dma_wait3A_1326] : memref<1024x208xi32, #tpu.memory_space<hbm>> -> memref<16x208xi32, #tpu.memory_space<hbm>>
    tpu.wait_dma2 semaphore(%arg12 : memref<!tpu.dma_semaphore, #tpu.memory_space<semaphore_mem>>) src(%arg9 : memref<16x208xi32, #tpu.memory_space<vmem>>) dst(%dma_wait3A_1327 : memref<16x208xi32, #tpu.memory_space<hbm>>)
    %mul3A_1328 = arith.constant 16 : i32
    %mul3A_1329 = arith.muli %add3A_671, %mul3A_1328 : i32
    "tpu.region"() ({
      %run_scoped3A = tpu.sem_alloc : memref<!tpu.dma_semaphore, #tpu.memory_space<semaphore_mem>>
      %dma_start3A_1332 = arith.constant 0 : i32
      %dma_start3A_1333 = arith.constant 0 : i32
      %dma_start3A_1334 = tpu.memref_slice %arg4[%mul3A_1329, %dma_start3A_1332, %dma_start3A_1333] : memref<1024x208x16xf32, #tpu.memory_space<hbm>> -> memref<16x208x16xf32, #tpu.memory_space<hbm>>
      %dma_start3A_1335 = arith.constant 0 : i32
      %dma_start3A_1336 = arith.constant 0 : i32
      %dma_start3A_1337 = tpu.memref_slice %arg4[%mul3A_1329, %dma_start3A_1335, %dma_start3A_1336] : memref<1024x208x16xf32, #tpu.memory_space<hbm>> -> memref<16x208x16xf32, #tpu.memory_space<hbm>>
      tpu.enqueue_dma source(%arg8 : memref<16x208x16xf32, #tpu.memory_space<vmem>>) target(%dma_start3A_1337 : memref<16x208x16xf32, #tpu.memory_space<hbm>>) target_semaphore(%run_scoped3A : memref<!tpu.dma_semaphore, #tpu.memory_space<semaphore_mem>>)
      %dma_wait3A_1338 = arith.constant 0 : i32
      %dma_wait3A_1339 = arith.constant 0 : i32
      %dma_wait3A_1340 = tpu.memref_slice %arg4[%mul3A_1329, %dma_wait3A_1338, %dma_wait3A_1339] : memref<1024x208x16xf32, #tpu.memory_space<hbm>> -> memref<16x208x16xf32, #tpu.memory_space<hbm>>
      %dma_wait3A_1341 = arith.constant 0 : i32
      %dma_wait3A_1342 = arith.constant 0 : i32
      %dma_wait3A_1343 = tpu.memref_slice %arg4[%mul3A_1329, %dma_wait3A_1341, %dma_wait3A_1342] : memref<1024x208x16xf32, #tpu.memory_space<hbm>> -> memref<16x208x16xf32, #tpu.memory_space<hbm>>
      tpu.wait_dma2 semaphore(%run_scoped3A : memref<!tpu.dma_semaphore, #tpu.memory_space<semaphore_mem>>) src(%arg8 : memref<16x208x16xf32, #tpu.memory_space<vmem>>) dst(%dma_wait3A_1343 : memref<16x208x16xf32, #tpu.memory_space<hbm>>)
      tpu.yield
    }) : () -> ()
    %mul3A_1330 = arith.constant 16 : i32
    %mul3A_1331 = arith.muli %add3A_671, %mul3A_1330 : i32
    "tpu.region"() ({
      %run_scoped3A = tpu.sem_alloc : memref<!tpu.dma_semaphore, #tpu.memory_space<semaphore_mem>>
      %dma_start3A_1332 = arith.constant 0 : i32
      %dma_start3A_1333 = tpu.memref_slice %arg5[%mul3A_1331, %dma_start3A_1332] : memref<1024x208xi32, #tpu.memory_space<hbm>> -> memref<16x208xi32, #tpu.memory_space<hbm>>
      %dma_start3A_1334 = arith.constant 0 : i32
      %dma_start3A_1335 = tpu.memref_slice %arg5[%mul3A_1331, %dma_start3A_1334] : memref<1024x208xi32, #tpu.memory_space<hbm>> -> memref<16x208xi32, #tpu.memory_space<hbm>>
      tpu.enqueue_dma source(%arg10 : memref<16x208xi32, #tpu.memory_space<vmem>>) target(%dma_start3A_1335 : memref<16x208xi32, #tpu.memory_space<hbm>>) target_semaphore(%run_scoped3A : memref<!tpu.dma_semaphore, #tpu.memory_space<semaphore_mem>>)
      %dma_wait3A_1336 = arith.constant 0 : i32
      %dma_wait3A_1337 = tpu.memref_slice %arg5[%mul3A_1331, %dma_wait3A_1336] : memref<1024x208xi32, #tpu.memory_space<hbm>> -> memref<16x208xi32, #tpu.memory_space<hbm>>
      %dma_wait3A_1338 = arith.constant 0 : i32
      %dma_wait3A_1339 = tpu.memref_slice %arg5[%mul3A_1331, %dma_wait3A_1338] : memref<1024x208xi32, #tpu.memory_space<hbm>> -> memref<16x208xi32, #tpu.memory_space<hbm>>
      tpu.wait_dma2 semaphore(%run_scoped3A : memref<!tpu.dma_semaphore, #tpu.memory_space<semaphore_mem>>) src(%arg10 : memref<16x208xi32, #tpu.memory_space<vmem>>) dst(%dma_wait3A_1339 : memref<16x208xi32, #tpu.memory_space<hbm>>)
      tpu.yield
    }) : () -> ()
    return
  }
}

module attributes {stable_mosaic.version = 14 : i64} {
  func.func @_tc_kernel(%arg0: i32, %arg1: memref<8x50xi32, #tpu.memory_space<vmem>>, %arg2: memref<8x50xi32, #tpu.memory_space<vmem>>, %arg3: memref<8x208xi32, #tpu.memory_space<vmem>>, %arg4: memref<8x208x16xf32, #tpu.memory_space<vmem>>, %arg5: memref<16xf32, #tpu.memory_space<vmem>>, %arg6: memref<8x50x16xf32, #tpu.memory_space<vmem>>) attributes {dimension_semantics = [#tpu.dimension_semantics<arbitrary>], iteration_bounds = array<i64: 128>, scalar_prefetch = 0 : i64, scratch_operands = 0 : i64, tpu.core_type = #tpu.core_type<tc>, window_params = [{transform_indices = @transform_0, window_bounds = array<i64: 8, 50>}, {transform_indices = @transform_1, window_bounds = array<i64: 8, 50>}, {transform_indices = @transform_2, window_bounds = array<i64: 8, 208>}, {transform_indices = @transform_3, window_bounds = array<i64: 8, 208, 16>}, {pipeline_mode = #tpu.pipeline_mode<synchronous>, transform_indices = @transform_4, window_bounds = array<i64: 16>}, {transform_indices = @transform_5, window_bounds = array<i64: 8, 50, 16>}]} {
    %get3A = arith.constant 0 : index
    %get3A_0 = arith.constant 0 : index
    %get3A_1 = vector.load %arg1[%get3A, %get3A_0] : memref<8x50xi32, #tpu.memory_space<vmem>>, vector<8x50xi32>
    %get3A_2 = arith.constant 0 : index
    %get3A_3 = arith.constant 0 : index
    %get3A_4 = vector.load %arg2[%get3A_2, %get3A_3] : memref<8x50xi32, #tpu.memory_space<vmem>>, vector<8x50xi32>
    %get3A_5 = arith.constant 0 : index
    %get3A_6 = arith.constant 0 : index
    %get3A_7 = vector.load %arg3[%get3A_5, %get3A_6] : memref<8x208xi32, #tpu.memory_space<vmem>>, vector<8x208xi32>
    %iota3A = tpu.iota {dimensions = array<i32: 2>} : vector<8x50x208xi32>
    %broadcast_in_dim3A = vector.shape_cast %get3A_1 : vector<8x50xi32> to vector<8x50x1xi32>
    %ge3A = vector.broadcast %broadcast_in_dim3A : vector<8x50x1xi32> to vector<8x50x208xi32>
    %ge3A_8 = arith.cmpi sge, %iota3A, %ge3A : vector<8x50x208xi32>
    %broadcast_in_dim3A_9 = vector.shape_cast %get3A_4 : vector<8x50xi32> to vector<8x50x1xi32>
    %lt3A = vector.broadcast %broadcast_in_dim3A_9 : vector<8x50x1xi32> to vector<8x50x208xi32>
    %lt3A_10 = arith.cmpi slt, %iota3A, %lt3A : vector<8x50x208xi32>
    %and3A = arith.andi %ge3A_8, %lt3A_10 : vector<8x50x208xi1>
    %broadcast_in_dim3A_11 = vector.shape_cast %get3A_7 : vector<8x208xi32> to vector<8x1x208xi32>
    %lt3A_12 = vector.broadcast %broadcast_in_dim3A_11 : vector<8x1x208xi32> to vector<8x50x208xi32>
    %lt3A_13 = vector.broadcast %broadcast_in_dim3A : vector<8x50x1xi32> to vector<8x50x208xi32>
    %lt3A_14 = arith.cmpi slt, %lt3A_12, %lt3A_13 : vector<8x50x208xi32>
    %and3A_15 = arith.andi %and3A, %lt3A_14 : vector<8x50x208xi1>
    %convert_element_type3A = arith.extui %and3A_15 : vector<8x50x208xi1> to vector<8x50x208xi32>
    %convert_element_type3A_16 = arith.sitofp %convert_element_type3A : vector<8x50x208xi32> to vector<8x50x208xf32>
    %get3A_17 = arith.constant 0 : index
    %get3A_18 = arith.constant 0 : index
    %get3A_19 = arith.constant 0 : index
    %get3A_20 = vector.load %arg4[%get3A_17, %get3A_18, %get3A_19] : memref<8x208x16xf32, #tpu.memory_space<vmem>>, vector<8x208x16xf32>
    %dot_general3A = arith.constant dense<0.000000e+00> : vector<8x50x16xf32>
    %dot_general3A_21 = tpu.matmul %convert_element_type3A_16, %get3A_20, %dot_general3A {dimension_numbers = #tpu.dot_dimension_numbers<[2], [1], [1], [2], [0, 0, 0, 1, 1, 2], [0], [0]>, transpose_lhs_hint = false} : vector<8x50x208xf32>, vector<8x208x16xf32>, vector<8x50x16xf32> -> vector<8x50x16xf32>
    %get3A_22 = arith.constant 0 : index
    %get3A_23 = vector.load %arg5[%get3A_22] : memref<16xf32, #tpu.memory_space<vmem>>, vector<16xf32>
    %broadcast_in_dim3A_24 = vector.shape_cast %get3A_23 : vector<16xf32> to vector<1x1x16xf32>
    %add3A = vector.broadcast %broadcast_in_dim3A_24 : vector<1x1x16xf32> to vector<8x50x16xf32>
    %add3A_25 = arith.addf %dot_general3A_21, %add3A : vector<8x50x16xf32>
    %swap3A = arith.constant 0 : index
    %swap3A_26 = arith.constant 0 : index
    %swap3A_27 = arith.constant 0 : index
    %swap3A_28 = vector.load %arg6[%swap3A, %swap3A_26, %swap3A_27] : memref<8x50x16xf32, #tpu.memory_space<vmem>>, vector<8x50x16xf32>
    tpu.vector_store %arg6[%swap3A, %swap3A_26, %swap3A_27], %add3A_25 {strides = array<i32>} : memref<8x50x16xf32, #tpu.memory_space<vmem>>, vector<8x50x16xf32>,
    return
  }
  func.func @transform_0(%arg0: i32) -> (i32, i32) {
    %c0_i32 = arith.constant 0 : i32
    %c0_i32_0 = arith.constant 0 : i32
    return %arg0, %c0_i32 : i32, i32
  }
  func.func @transform_1(%arg0: i32) -> (i32, i32) {
    %c0_i32 = arith.constant 0 : i32
    %c0_i32_0 = arith.constant 0 : i32
    return %arg0, %c0_i32 : i32, i32
  }
  func.func @transform_2(%arg0: i32) -> (i32, i32) {
    %c0_i32 = arith.constant 0 : i32
    %c0_i32_0 = arith.constant 0 : i32
    return %arg0, %c0_i32 : i32, i32
  }
  func.func @transform_3(%arg0: i32) -> (i32, i32, i32) {
    %c0_i32 = arith.constant 0 : i32
    %c0_i32_0 = arith.constant 0 : i32
    %c0_i32_1 = arith.constant 0 : i32
    return %arg0, %c0_i32, %c0_i32_0 : i32, i32, i32
  }
  func.func @transform_4(%arg0: i32) -> i32 {
    %c0_i32 = arith.constant 0 : i32
    %c0_i32_0 = arith.constant 0 : i32
    return %c0_i32 : i32
  }
  func.func @transform_5(%arg0: i32) -> (i32, i32, i32) {
    %c0_i32 = arith.constant 0 : i32
    %c0_i32_0 = arith.constant 0 : i32
    %c0_i32_1 = arith.constant 0 : i32
    return %arg0, %c0_i32, %c0_i32_0 : i32, i32, i32
  }
}

</mosaic_0001>

<sc_bundles>
// kernel: kernel.4.cloned.1.call-start
scs
__scs_entry_jumppad:
0x0: {  	(pc) =	sbr.rel $0x88, $3  }
0x1: {  	(tag) =	ssettag $0x0;
	lr =	simm.s32 $0x1  }
0x2: {  	[smem:$0x3F9D] =	sst lr;
	_ =	strace $0xD0000000  }
0x3: {  	_ = 	snop  }
0x4: {  	_ = 	snop  }
0x5: {  	_ = 	snop  }
0x6: {  	_ = 	snop  }
0x7: {  	_ = 	snop  }
__scs_overlays_trampoline_lowered:
0x8: {  	[smem:$0x3FAC] =	sst s0  }
0x9: {  	[smem:$0x3FAD] =	sst s1  }
0xa: {  	[smem:$0x3FAE] =	sst s2  }
0xb: {  	[smem:$0x3FAF] =	sst s3  }
0xc: {  	[smem:$0x3FB0] =	sst s4  }
0xd: {  	[smem:$0x3FB1] =	sst s5  }
0xe: {  	[smem:$0x3FB2] =	sst s6  }
0xf: {  	[smem:$0x3FB3] =	sst s7  }
0x10: {  	[smem:$0x3FB4] =	sst s8  }
0x11: {  	[smem:$0x3FB5] =	sst s9;
	s0 =	simm.s32 @!p0 $0x0  }
0x12: {  	s1 =	sld [smem:$0x3F9B];
	s0 =	simm.s32 @p0 $0x1  }
0x13: {  	[smem:$0x3FB6] =	sst s0;
	s0 =	simm.s32 @!p1 $0x0  }
0x14: {  	s2 =	sld [smem:$0x3F9A];
	s0 =	simm.s32 @p1 $0x1  }
0x15: {  	[smem:$0x3FB7] =	sst s0;
	s0 =	simm.s32 @!p2 $0x0  }
0x16: {  	s3 =	sld [smem:$0x3FDB];
	s0 =	simm.s32 @p2 $0x1  }
0x17: {  	s4 =	simm.s32 $0x1BF5;
	[smem:$0x3FB9] =	sst s0  }
0x18: {  	s0 =	sld [smem:$0x3F9C];
	_ =	swait.ge [sflag:s4], $0x0  }
0x19: {  	s7 =	sld [smem:$0x3F9D]  }
0x1a: {  	s8 =	sadd.s32 $0xFFFFE003, lr  }
0x1b: {  	s9 =	sadd.s32 $0xFFFFFEF7, lr;
	s5 =	simm.s32 $0xFFFFFFFF;
	p2 =	slt.u32 s8, $0xFFFFF086  }
0x1c: {  	p1 =	slt.u32 s9, $0xF7A;
	s5 =	simm.s32 @!p2 $0x0  }
0x1d: {  	s5 =	simm.s32 @p1 $0x1;
	p0 =	seq.s32 s7, s2  }
0x1e: {  	s7 =	smul.u32 @!p0 $0xF7A, s2;
	p2 =	seq.s32 @!p0 s5, $0x0  }
0x1f: {  	s9 =	smul.u32 $0xF7A, s1;
	s8 =	simm.s32 @!p0 $0x1BF5;
	p2 =	por !p2, p0  }
0x20: {  	[sflag:s8] =	ssyncset.s32 @!p0 $0xFFFFF086;
	s6 =	sadd.s32 @!p0 s3, s7;
	s7 =	simm.s32 @!p0 $0x108  }
0x21: {  	s3 =	sadd.s32 s3, s9;
	s6 =	sadd.s32 @!p0 $0x88, s6;
	s7 =	simm.s32 @p2 $0x1082  }
0x22: {  	[simem:s7], [sflag:s8] =	dma.local @!p0 [hbm:s6], $0xF7A  }
0x23: {  	s9 =	sor.u32 $0xD0000000, s2;
	s6 =	simm.s32 $0x108;
	_ =	swait.ge @!p0 [sflag:s8], $0x0  }
0x24: {  	s3 =	sadd.s32 $0x88, s3;
	s6 =	simm.s32 @!p1 $0x1082;
	[sflag:s4] =	ssyncset.s32 $0xFFFFF086  }
0x25: {  	[simem:s6], [sflag:s4] =	dma.local [hbm:s3], $0xF7A  }
0x26: {  	[smem:$0x3F9D] =	sst s1;
	(tag) =	ssettag s2;
	_ =	strace s9  }
0x27: {  	s1 =	sld [smem:$0x3FAD]  }
0x28: {  	s2 =	sld [smem:$0x3FAE]  }
0x29: {  	s4 =	sld [smem:$0x3FB0]  }
0x2a: {  	p0 =	seq.s32 s5, $0x0;
	s5 =	sld [smem:$0x3FB1]  }
0x2b: {  	s6 =	sld [smem:$0x3FB2]  }
0x2c: {  	s7 =	sld [smem:$0x3FB3]  }
0x2d: {  	s3 =	simm.s32 $0x108;
	s8 =	sld [smem:$0x3FB4]  }
0x2e: {  	s3 =	simm.s32 @!p0 $0x1082;
	s9 =	sld [smem:$0x3FB5]  }
0x2f: {  	lr =	sadd.s32 s0, s3;
	s0 =	sld [smem:$0x3FAC]  }
0x30: {  	s3 =	sld [smem:$0x3FAF]  }
0x31: {  	[smem:$0x3FB8] =	sst s10  }
0x32: {  	s10 =	sld [smem:$0x3FB6];
	_ =	sdelay $0x3  }
0x33: {  	p0 =	seq.s32 s10, $0x1;
	s10 =	sld [smem:$0x3FB8];
	_ =	sdelay $0x3  }
0x34: {  	[smem:$0x3FB8] =	sst s10  }
0x35: {  	s10 =	sld [smem:$0x3FB7];
	_ =	sdelay $0x3  }
0x36: {  	p1 =	seq.s32 s10, $0x1;
	s10 =	sld [smem:$0x3FB8];
	_ =	sdelay $0x3  }
0x37: {  	[smem:$0x3FB8] =	sst s10  }
0x38: {  	s10 =	sld [smem:$0x3FB9]  }
0x39: {  	_ = 	snop;
	(pc) =	sbr.ind lr, $3  }
0x3a: {  	_ = 	snop  }
0x3b: {  	_ = 	snop  }
0x3c: {  	p2 =	seq.s32 s10, $0x1;
	s10 =	sld [smem:$0x3FB8]  }
0x3d: {  	_ =	shalt  }
0x3e: {  	_ =	shalt  }
0x3f: {  	_ =	shalt  }
0x40: {  	_ =	shalt  }
0x41: {  	_ =	shalt  }
0x42: {  	_ =	shalt  }
0x43: {  	_ =	shalt  }
0x44: {  	_ =	shalt  }
0x45: {  	_ =	shalt  }
0x46: {  	_ =	shalt  }
0x47: {  	_ =	shalt  }
0x48: {  	_ =	shalt  }
0x49: {  	_ =	shalt  }
0x4a: {  	_ =	shalt  }
0x4b: {  	_ =	shalt  }
0x4c: {  	_ =	shalt  }
0x4d: {  	_ =	shalt  }
0x4e: {  	_ =	shalt  }
0x4f: {  	_ =	shalt  }
0x50: {  	_ =	shalt  }
0x51: {  	_ =	shalt  }
0x52: {  	_ =	shalt  }
0x53: {  	_ =	shalt  }
0x54: {  	_ =	shalt  }
0x55: {  	_ =	shalt  }
0x56: {  	_ =	shalt  }
0x57: {  	_ =	shalt  }
0x58: {  	_ =	shalt  }
0x59: {  	_ =	shalt  }
0x5a: {  	_ =	shalt  }
0x5b: {  	_ =	shalt  }
0x5c: {  	_ =	shalt  }
0x5d: {  	_ =	shalt  }
0x5e: {  	_ =	shalt  }
0x5f: {  	_ =	shalt  }
0x60: {  	_ =	shalt  }
0x61: {  	_ =	shalt  }
0x62: {  	_ =	shalt  }
0x63: {  	_ =	shalt  }
0x64: {  	_ =	shalt  }
0x65: {  	_ =	shalt  }
0x66: {  	_ =	shalt  }
0x67: {  	_ =	shalt  }
0x68: {  	_ =	shalt  }
0x69: {  	_ =	shalt  }
0x6a: {  	_ =	shalt  }
0x6b: {  	_ =	shalt  }
0x6c: {  	_ =	shalt  }
0x6d: {  	_ =	shalt  }
0x6e: {  	_ =	shalt  }
0x6f: {  	_ =	shalt  }
0x70: {  	_ =	shalt  }
0x71: {  	_ =	shalt  }
0x72: {  	_ =	shalt  }
0x73: {  	_ =	shalt  }
0x74: {  	_ =	shalt  }
0x75: {  	_ =	shalt  }
0x76: {  	_ =	shalt  }
0x77: {  	_ =	shalt  }
0x78: {  	_ =	shalt  }
0x79: {  	_ =	shalt  }
0x7a: {  	_ =	shalt  }
0x7b: {  	_ =	shalt  }
0x7c: {  	_ =	shalt  }
0x7d: {  	_ =	shalt  }
0x7e: {  	_ =	shalt  }
0x7f: {  	_ =	shalt  }
0x80: {  	_ =	shalt  }
0x81: {  	_ =	shalt  }
0x82: {  	_ =	shalt  }
0x83: {  	_ =	shalt  }
0x84: {  	_ =	shalt  }
0x85: {  	_ =	shalt  }
0x86: {  	_ =	shalt  }
0x87: {  	_ =	shalt  }
.Lfunc_end0:
.L_simem_size_0:
called_computation_lowered:
.L_overlay_start_0:
0x88: {  	s2 =	sld [smem:$0x3FD9]  }
0x89: {  	s3 =	sld [smem:$0x3FFE];
	_ =	sdelay $0x1  }
0x8a: {  	s1 =	srdreg.scid  }
0x8b: {  	s0 =	sand.u32 $0x1, s1  }
0x8c: {  	s17 =	sshll.u32 s0, $0xA;
	s2 =	sadd.s32 s3, s2  }
0x8d: {  	s2 =	sadd.s32 s2, s17  }
0x8e: {  	[smem:$0x3FC4] =	sst s2  }
0x8f: {  	_ = 	snop  }
0x90: {  	s2 =	sld [smem:$0x3FD0];
	(tm) =	ssettm $0x1  }
0x91: {  	s18 =	sld [smem:$0x3FFB];
	_ =	sdelay $0x3  }
0x92: {  	_ =	strace s18  }
0x93: {  	s3 =	sld [smem:$0x3FFC];
	_ =	sdelay $0x3  }
0x94: {  	_ =	strace s3  }
0x95: {  	s3 =	sld [smem:$0x3FFD];
	_ =	sdelay $0x3  }
0x96: {  	_ =	strace s3  }
0x97: {  	_ =	strace $0x8FFFFFFF  }
0x98: {  	s19 =	sld [smem:$0x3FDB];
	_ =	sdelay $0x1  }
0x99: {  	s4 =	simm.s32 $_scs_section_size  }
0x9a: {  	s5 =	simm.s32 $_size__tile_overlayer_lowered;
	s6 =	simm.s32 $_tile_overlayer_lowered  }
0x9b: {  	s22 =	simm.s32 $0x1BFF;
	s21 =	sshll.u32 s6, $0x1;
	s3 =	sadd.s32 s4, s19  }
0x9c: {  	s7 =	simm.s32 $0x0;
	s20 =	sshll.u32 s5, $0x1;
	s5 =	sadd.s32 s21, s3  }
0x9d: {  	[timem:s7], [sflag:s22] =	dma.local [hbm:s5], s20  }
0x9e: {  	_ =	swait.ge [sflag:s22], s20  }
0x9f: {  	s4 =	ssub.s32 $0x0, s20;
	[sflag:s22] =	ssyncset.done $0x0  }
0xa0: {  	[sflag:s22] =	ssyncadd.s32 s4;
	_ =	sdelay $0x1  }
0xa1: {  	s23 =	simm.s32 $0x1B8B  }
0xa2: {  	_ =	swait.ge [sflag:s23], $0x1  }
0xa3: {  	[sflag:s23] =	ssyncset.done $0x0  }
0xa4: {  	s25 =	simm.s32 $0x1B8E;
	s24 =	sld [smem:$0x3FFE];
	[sflag:s23] =	ssyncadd.s32 $0xFFFFFFFF  }
0xa5: {  	s26 =	simm.s32 $execute0_lowered;
	[smem:$0x3FD2] =	sst s25  }
0xa6: {  	s5 =	sshll.u32 s26, $0x1;
	_ =	strace $0x80000046;
	[dreg:$0x1] =	wrdreg $0xFFFFFFFF  }
0xa7: {  	s28 =	simm.s32 $_size_execute0_lowered;
	s3 =	sadd.s32 s3, s5;
	[dreg:$0x0] =	wrdreg $0x0  }
0xa8: {  	s5 =	sshll.u32 s28, $0x1;
	[dreg:$0x2] =	wrdreg s3  }
0xa9: {  	[dreg:$0x3] =	wrdreg s5  }
0xaa: {  	[dreg:$0x4] =	wrdreg $0xC0  }
0xab: {  	_ =	task [dreg:s7], $0x5FFFF  }
0xac: {  	[dreg:$0x1] =	wrdreg $0xFFFFFFFF  }
0xad: {  	[dreg:$0x0] =	wrdreg $0x60  }
0xae: {  	[dreg:$0x2] =	wrdreg s2  }
0xaf: {  	[dreg:$0x3] =	wrdreg s24  }
0xb0: {  	[dreg:$0x4] =	wrdreg $0x9  }
0xb1: {  	_ =	task.clear_ibuf [dreg:s7], $0x5FFFF;
	_ =	strace $0x90000046  }
0xb2: {  	s29 =	simm.s32 $0x9;
	_ =	strace $0x80000048  }
0xb3: {  	_ =	swait.ge [sflag:s29], $0x1  }
0xb4: {  	[sflag:s29] =	ssyncadd.s32 $0xFFFFFFFF  }
0xb5: {  	_ =	strace $0x90000048  }
0xb6: {  	_ =	sfence  }
0xb7: {  	s30 =	sld [smem:$0x0];
	_ =	sdelay $0x2  }
0xb8: {  	s31 =	sshll.u32 s1, $0xD;
	s1 =	sshrl.u32 s1, $0x2  }
0xb9: {  	s3 =	sand.u32 $0x4000, s31;
	s1 =	sadd.s32 s1, s30  }
0xba: {  	s0 =	sor.u32 s3, s0;
	s1 =	sshll.u32 s1, $0x11  }
0xbb: {  	s0 =	sor.u32 s1, s0  }
0xbc: {  	s0 =	sadd.s32 $0x8F2B, s0  }
0xbd: {  	[sflag:s0] =	ssyncadd.remote.s32 $0x1  }
0xbe: {  	_ =	sfence.sel $0xFFFF  }
0xbf: {  	[dreg:$0x0] =	wrdreg $0xFFFFFFFF;
	(pc) =	sbr.abs _section_cstart, $3  }
0xc0: {  	[dreg:$0x1] =	wrdreg $0xFFFFFFFF  }
0xc1: {  	_ =	task.clear_ibuf [dreg:s7], $0x2FFFF;
	_ =	strace $0x9FFFFFFF  }
0xc2: {  	(tm) =	ssettm $0x7FFFFFFF  }
0xc3: {  	_ =	shalt  }
tec
execute0_lowered:
.L_overlay_start_1:
0x0: {  	(tag) =	ssettag $0x1  }
0x1: {  	s0 =	rddreg [dreg:$0x0]  }
0x2: {  	s1 =	rddreg [dreg:$0x1]  }
0x3: {  	s3 =	srdreg.scid;
	s5 =	stileid.u32  }
0x4: {  	s2 =	simm.s32 $0x0;
	s11 =	simm.s32 $0x3;
	s12 =	simm.s32 $0x68  }
0x5: {  	s13 =	simm.s32 $0x4B80;
	s14 =	simm.s32 $0xA28;
	s15 =	simm.s32 $0xA90  }
0x6: {  	s16 =	simm.s32 $0xAF8;
	s17 =	simm.s32 $0xB60;
	s18 =	simm.s32 $0xBC8  }
0x7: {  	s19 =	simm.s32 $0xC30;
	s20 =	simm.s32 $0x10E80;
	s21 =	simm.s32 $0xC98  }
0x8: {  	s22 =	simm.s32 $0x11500;
	s23 =	simm.s32 $0xD00;
	s28 =	simm.s32 $0x2  }
0x9: {  	s29 =	simm.s32 $0x0;
	s4 =	sand.u32 $0x1, s3;
	s24 =	sshll.u32 s5, $0x1  }
0xa: {  	[smem:$0x7FF] =	sst s2;
	s3 =	sadd.s32 $0x800, s1;
	s5 =	sor.u32 s4, s24  }
0xb: {  	s8 =	sadd.s32 $0x7800, s1;
	s1 =	sadd.s32 $0x1000, s1;
	s6 =	smul.u32 $0x340, s5  }
0xc: {  	_ =	strace $0x80000047;
	s7 =	smul.u32 $0x3400, s5;
	s5 =	sshllo.u32 s5, $0x1  }
0xd: {  	s4 =	ssub.s32 $0x2, s4;
	s24 =	simm.s32 $0x11B80;
	s9 =	smul.u32 $0x1A0, s5  }
0xe: {  	s10 =	sshrl.u32 s4, $0x1;
	s5 =	smul.u32 $0x1A00, s5;
	s25 =	sadd.s32 s0, s6  }
0xf: {  	s4 =	ssub.s32 s4, s10;
	s7 =	sadd.s32 s8, s7;
	[dreg:$0x3] =	wrdreg s25  }
0x10: {  	s10 =	simm.s32 $0x10800;
	s6 =	sadd.s32 s1, s6;
	[dreg:$0x4] =	wrdreg s7  }
0x11: {  	s31 =	smax.u32 s4, $0x1;
	s4 =	simm.s32 $0x9C0;
	[dreg:$0x5] =	wrdreg s6  }
0x12: {  	s0 =	sadd.s32 s0, s9;
	s26 =	sadd.s32 s8, s5;
	s30 =	sadd.s32 s1, s9  }
0x13: {  	[dreg:$0x9] =	wrdreg s31;
	s1 =	simm.s32 $0xE100;
	s5 =	simm.s32 $0xE780  }
0x14: {  	v0 =	vlaneseq.u32;
	s6 =	simm.s32 $0xEE00;
	s7 =	simm.s32 $0xF480;
	[dreg:$0x6] =	wrdreg s0  }
0x15: {  	v2 =	vmul.u32 $0xD0, v0;
	s8 =	simm.s32 $0xFB00;
	s9 =	simm.s32 $0x10180;
	[dreg:$0x7] =	wrdreg s26  }
0x16: {  	v1 =	vimm.s32 $0x0;
	s25 =	simm.s32 $0x1;
	[dreg:$0x8] =	wrdreg s30;
	s26 =	simm.s32 $0x12880  }
.LBB2_1:
0x17: {  	s30 =	simm.s32 $0x40;
	s31 =	simm.s32 $0x0  }
.LBB2_2:
0x18: {  	p0 =	sne.s32 s30, $0xF9C0;
	[tilespmem:s31+$0xD00] =	vst v1;
	s31 =	smov.u32 s30;
	s30 =	sadd.s32 $0x40, s30  }
.Ltmp0:
0x19: {  	(pc) =	sbr.rel @p0 .LBB2_2-.Ltmp0, $2  }
0x1a: {  	_ =	sdelay $0x2  }
0x1b: {  	s31 =	sshra.s32 s31, $0x2  }
0x1c: {  	[tilespmem:s31+$0xD00] =	vst v1;
	s30 =	simm.s32 $0x0;
	s0 =	rddreg [dreg:$0x3]  }
0x1d: {  	[tilespmem:s30], [sflag:$0x3] =	stream.linear.gather [hbm4b:s0+s30], $0xD00, $0x38;
	[tilespmem:$0x13580] =	vst v63  }
0x1e: {  	_ =	swait.ge [sflag:s11], $0xD00  }
0x1f: {  	[sflag:s11] =	ssyncset.done $0x0  }
0x20: {  	[sflag:s11] =	ssyncadd.s32 $0xFFFFF300  }
0x21: {  	[tilespmem:s13], [sflag:$0x1] =	stream.indirect.gather [hbm4b:s3+s12], $0x10, s30, s12, $0xb8;
	[tilespmem:$0x13580] =	vst v63  }
0x22: {  	s31 =	simm.s32 $0x5200  }
0x23: {  	[tilespmem:s31], [sflag:$0x1] =	stream.indirect.gather [hbm4b:s3+s12], $0x10, s12, s12, $0xb8;
	[tilespmem:$0x13580] =	vst v63  }
0x24: {  	s0 =	simm.s32 $0xD0;
	s31 =	simm.s32 $0x5880  }
0x25: {  	[tilespmem:s31], [sflag:$0x1] =	stream.indirect.gather [hbm4b:s3+s12], $0x10, s0, s12, $0xb8;
	[tilespmem:$0x13580] =	vst v63  }
0x26: {  	s0 =	simm.s32 $0x138;
	s31 =	simm.s32 $0x5F00  }
0x27: {  	[tilespmem:s31], [sflag:$0x1] =	stream.indirect.gather [hbm4b:s3+s12], $0x10, s0, s12, $0xb8;
	[tilespmem:$0x13580] =	vst v63  }
0x28: {  	s0 =	simm.s32 $0x1A0;
	s31 =	simm.s32 $0x6580  }
0x29: {  	[tilespmem:s31], [sflag:$0x1] =	stream.indirect.gather [hbm4b:s3+s12], $0x10, s0, s12, $0xb8;
	[tilespmem:$0x13580] =	vst v63  }
0x2a: {  	s0 =	simm.s32 $0x208;
	s31 =	simm.s32 $0x6C00  }
0x2b: {  	[tilespmem:s31], [sflag:$0x1] =	stream.indirect.gather [hbm4b:s3+s12], $0x10, s0, s12, $0xb8;
	[tilespmem:$0x13580] =	vst v63  }
0x2c: {  	s0 =	simm.s32 $0x270;
	s31 =	simm.s32 $0x7280  }
0x2d: {  	[tilespmem:s31], [sflag:$0x1] =	stream.indirect.gather [hbm4b:s3+s12], $0x10, s0, s12, $0xb8;
	[tilespmem:$0x13580] =	vst v63  }
0x2e: {  	s0 =	simm.s32 $0x2D8;
	s31 =	simm.s32 $0x7900  }
0x2f: {  	[tilespmem:s31], [sflag:$0x1] =	stream.indirect.gather [hbm4b:s3+s12], $0x10, s0, s12, $0xb8;
	[tilespmem:$0x13580] =	vst v63  }
0x30: {  	s0 =	simm.s32 $0x340;
	s31 =	simm.s32 $0x7F80  }
0x31: {  	[tilespmem:s31], [sflag:$0x1] =	stream.indirect.gather [hbm4b:s3+s12], $0x10, s0, s12, $0xb8;
	[tilespmem:$0x13580] =	vst v63  }
0x32: {  	s0 =	simm.s32 $0x3A8;
	s31 =	simm.s32 $0x8600  }
0x33: {  	[tilespmem:s31], [sflag:$0x1] =	stream.indirect.gather [hbm4b:s3+s12], $0x10, s0, s12, $0xb8;
	[tilespmem:$0x13580] =	vst v63  }
0x34: {  	s0 =	simm.s32 $0x410;
	s31 =	simm.s32 $0x8C80  }
0x35: {  	[tilespmem:s31], [sflag:$0x1] =	stream.indirect.gather [hbm4b:s3+s12], $0x10, s0, s12, $0xb8;
	[tilespmem:$0x13580] =	vst v63  }
0x36: {  	s0 =	simm.s32 $0x478;
	s31 =	simm.s32 $0x9300  }
0x37: {  	[tilespmem:s31], [sflag:$0x1] =	stream.indirect.gather [hbm4b:s3+s12], $0x10, s0, s12, $0xb8;
	[tilespmem:$0x13580] =	vst v63  }
0x38: {  	s0 =	simm.s32 $0x4E0;
	s31 =	simm.s32 $0x9980  }
0x39: {  	[tilespmem:s31], [sflag:$0x1] =	stream.indirect.gather [hbm4b:s3+s12], $0x10, s0, s12, $0xb8;
	[tilespmem:$0x13580] =	vst v63  }
0x3a: {  	s0 =	simm.s32 $0x548;
	s31 =	simm.s32 $0xA000  }
0x3b: {  	[tilespmem:s31], [sflag:$0x1] =	stream.indirect.gather [hbm4b:s3+s12], $0x10, s0, s12, $0xb8;
	[tilespmem:$0x13580] =	vst v63  }
0x3c: {  	s0 =	simm.s32 $0x5B0;
	s31 =	simm.s32 $0xA680  }
0x3d: {  	[tilespmem:s31], [sflag:$0x1] =	stream.indirect.gather [hbm4b:s3+s12], $0x10, s0, s12, $0xb8;
	[tilespmem:$0x13580] =	vst v63  }
0x3e: {  	s0 =	simm.s32 $0x618;
	s31 =	simm.s32 $0xAD00  }
0x3f: {  	[tilespmem:s31], [sflag:$0x1] =	stream.indirect.gather [hbm4b:s3+s12], $0x10, s0, s12, $0xb8;
	[tilespmem:$0x13580] =	vst v63  }
0x40: {  	s0 =	simm.s32 $0x680;
	s31 =	simm.s32 $0xB380  }
0x41: {  	[tilespmem:s31], [sflag:$0x1] =	stream.indirect.gather [hbm4b:s3+s12], $0x10, s0, s12, $0xb8;
	[tilespmem:$0x13580] =	vst v63  }
0x42: {  	s0 =	simm.s32 $0x6E8;
	s31 =	simm.s32 $0xBA00  }
0x43: {  	[tilespmem:s31], [sflag:$0x1] =	stream.indirect.gather [hbm4b:s3+s12], $0x10, s0, s12, $0xb8;
	[tilespmem:$0x13580] =	vst v63  }
0x44: {  	s0 =	simm.s32 $0x750;
	s31 =	simm.s32 $0xC080  }
0x45: {  	[tilespmem:s31], [sflag:$0x1] =	stream.indirect.gather [hbm4b:s3+s12], $0x10, s0, s12, $0xb8;
	[tilespmem:$0x13580] =	vst v63  }
0x46: {  	s0 =	simm.s32 $0x7B8;
	s31 =	simm.s32 $0xC700  }
0x47: {  	[tilespmem:s31], [sflag:$0x1] =	stream.indirect.gather [hbm4b:s3+s12], $0x10, s0, s12, $0xb8;
	[tilespmem:$0x13580] =	vst v63  }
0x48: {  	s0 =	simm.s32 $0x820;
	s31 =	simm.s32 $0xCD80  }
0x49: {  	[tilespmem:s31], [sflag:$0x1] =	stream.indirect.gather [hbm4b:s3+s12], $0x10, s0, s12, $0xb8;
	[tilespmem:$0x13580] =	vst v63  }
0x4a: {  	s0 =	simm.s32 $0x888;
	s31 =	simm.s32 $0xD400  }
0x4b: {  	[tilespmem:s31], [sflag:$0x1] =	stream.indirect.gather [hbm4b:s3+s12], $0x10, s0, s12, $0xb8;
	[tilespmem:$0x13580] =	vst v63  }
0x4c: {  	s0 =	simm.s32 $0x8F0;
	s31 =	simm.s32 $0xDA80  }
0x4d: {  	[tilespmem:s31], [sflag:$0x1] =	stream.indirect.gather [hbm4b:s3+s12], $0x10, s0, s12, $0xb8;
	[tilespmem:$0x13580] =	vst v63  }
0x4e: {  	s31 =	simm.s32 $0x958  }
0x4f: {  	[tilespmem:s1], [sflag:$0x1] =	stream.indirect.gather [hbm4b:s3+s12], $0x10, s31, s12, $0xb8;
	[tilespmem:$0x13580] =	vst v63  }
0x50: {  	_ = 	snop  }
0x51: {  	[tilespmem:s5], [sflag:$0x1] =	stream.indirect.gather [hbm4b:s3+s12], $0x10, s4, s12, $0xb8;
	[tilespmem:$0x13580] =	vst v63  }
0x52: {  	_ = 	snop  }
0x53: {  	[tilespmem:s6], [sflag:$0x1] =	stream.indirect.gather [hbm4b:s3+s12], $0x10, s14, s12, $0xb8;
	[tilespmem:$0x13580] =	vst v63  }
0x54: {  	_ = 	snop  }
0x55: {  	[tilespmem:s7], [sflag:$0x1] =	stream.indirect.gather [hbm4b:s3+s12], $0x10, s15, s12, $0xb8;
	[tilespmem:$0x13580] =	vst v63  }
0x56: {  	_ = 	snop  }
0x57: {  	[tilespmem:s8], [sflag:$0x1] =	stream.indirect.gather [hbm4b:s3+s12], $0x10, s16, s12, $0xb8;
	[tilespmem:$0x13580] =	vst v63  }
0x58: {  	_ = 	snop  }
0x59: {  	[tilespmem:s9], [sflag:$0x1] =	stream.indirect.gather [hbm4b:s3+s12], $0x10, s17, s12, $0xb8;
	[tilespmem:$0x13580] =	vst v63  }
0x5a: {  	_ = 	snop  }
0x5b: {  	[tilespmem:s10], [sflag:$0x1] =	stream.indirect.gather [hbm4b:s3+s12], $0x10, s18, s12, $0xb8;
	[tilespmem:$0x13580] =	vst v63  }
0x5c: {  	_ = 	snop  }
0x5d: {  	[tilespmem:s20], [sflag:$0x1] =	stream.indirect.gather [hbm4b:s3+s12], $0x10, s19, s12, $0xb8;
	[tilespmem:$0x13580] =	vst v63  }
0x5e: {  	_ = 	snop  }
0x5f: {  	[tilespmem:s22], [sflag:$0x1] =	stream.indirect.gather [hbm4b:s3+s12], $0x10, s21, s12, $0xb8;
	[tilespmem:$0x13580] =	vst v63  }
.LBB2_4:
0x60: {  	v3 =	vmov s30;
	v4 =	vadd.s32 s30, v2  }
0x61: {  	v4 =	vand.u32 $0x1FF8, v4;
	v5 =	vand.u32 $0x4, v3  }
0x62: {  	v4 =	vor.u32 v5, v4;
	_ =	sdelay $0x4  }
0x63: {  	v4 =	vld.idx.msk [tilespmem:v4+s2+$0x0], $0xffff;
	_ =	sdelay $0x4  }
0x64: {  	v4 =	vshll.u32 v4, $0x4  }
0x65: {  	v4 =	vor.u32 v0, v4;
	_ =	sdelay $0x4  }
0x66: {  	v45 =	vld.idx.msk [tilespmem:v4+s23+$0x0], $0xffff  }
0x67: {  	s31 =	sadd.s32 $0x1, s30  }
0x68: {  	v3 =	vand.u32 $0xFC, v3;
	v6 =	vmov s31;
	v7 =	vadd.s32 s31, v2  }
0x69: {  	v3 =	vadd.s32 v2, v3;
	v7 =	vand.u32 $0x1FF8, v7;
	v8 =	vand.u32 $0x5, v6  }
0x6a: {  	v7 =	vor.u32 v8, v7  }
0x6b: {  	s0 =	sadd.s32 $0x100, s30;
	v46 =	vand.u32 $0xFFFFFF00, v45  }
0x6c: {  	v47 =	vmov s0;
	v5 =	vand.u32 $0xFF, v45;
	vm0 =	veq.s32 v46, $0x100  }
0x6d: {  	[tilespmem:v4+s23+$0x0] =	vst.idx.msk $0xffff, v47;
	v48 =	vnsel vm0, $0xFFFFFFFF, v5  }
0x6e: {  	[tilespmem:v3+s24+$0x0] =	vst.idx.msk $0xffff, v48  }
0x6f: {  	v3 =	vld.idx.msk [tilespmem:v7+s2+$0x0], $0xffff;
	_ =	sdelay $0x4  }
0x70: {  	v3 =	vshll.u32 v3, $0x4  }
0x71: {  	v3 =	vor.u32 v0, v3;
	_ =	sdelay $0x4  }
0x72: {  	v4 =	vld.idx.msk [tilespmem:v3+s23+$0x0], $0xffff  }
0x73: {  	s0 =	sadd.s32 $0x2, s30  }
0x74: {  	v49 =	vand.u32 $0xFD, v6;
	v50 =	vmov s0;
	v51 =	vadd.s32 s0, v2  }
0x75: {  	v52 =	vand.u32 $0x6, v50;
	v5 =	vadd.s32 v2, v49;
	v7 =	vand.u32 $0x1FF8, v51  }
0x76: {  	v7 =	vor.u32 v52, v7  }
0x77: {  	s0 =	sadd.s32 $0x101, s30;
	v53 =	vand.u32 $0xFFFFFF00, v4  }
0x78: {  	v54 =	vmov s0;
	v4 =	vand.u32 $0xFF, v4;
	vm13 =	veq.s32 v53, $0x100  }
0x79: {  	[tilespmem:v3+s23+$0x0] =	vst.idx.msk $0xffff, v54;
	v3 =	vnsel vm13, $0xFFFFFFFF, v4  }
0x7a: {  	[tilespmem:v5+s24+$0x0] =	vst.idx.msk $0xffff, v3  }
0x7b: {  	v3 =	vld.idx.msk [tilespmem:v7+s2+$0x0], $0xffff;
	_ =	sdelay $0x4  }
0x7c: {  	v3 =	vshll.u32 v3, $0x4  }
0x7d: {  	v3 =	vor.u32 v0, v3;
	_ =	sdelay $0x4  }
0x7e: {  	v55 =	vld.idx.msk [tilespmem:v3+s23+$0x0], $0xffff;
	_ =	sdelay $0x1  }
0x7f: {  	v56 =	vand.u32 $0xFE, v50  }
0x80: {  	s31 =	sadd.s32 $0x3, s30;
	v5 =	vadd.s32 v2, v56  }
0x81: {  	v57 =	vadd.s32 s31, v2  }
0x82: {  	s0 =	sadd.s32 $0x102, s30;
	v58 =	vand.u32 $0xFFFFFF00, v55  }
0x83: {  	v59 =	vmov s0;
	v4 =	vand.u32 $0xFF, v55;
	vm14 =	veq.s32 v58, $0x100  }
0x84: {  	[tilespmem:v3+s23+$0x0] =	vst.idx.msk $0xffff, v59;
	v3 =	vnsel vm14, $0xFFFFFFFF, v4  }
0x85: {  	[tilespmem:v5+s24+$0x0] =	vst.idx.msk $0xffff, v3  }
0x86: {  	v3 =	vld.idx.msk [tilespmem:v57+s2+$0x0], $0xffff;
	_ =	sdelay $0x4  }
0x87: {  	v3 =	vshll.u32 v3, $0x4  }
0x88: {  	v3 =	vor.u32 v0, v3;
	_ =	sdelay $0x4  }
0x89: {  	v60 =	vld.idx.msk [tilespmem:v3+s23+$0x0], $0xffff  }
0x8a: {  	v61 =	vmov s31  }
0x8b: {  	v5 =	vand.u32 $0xFF, v61  }
0x8c: {  	p0 =	slt.u32 s30, $0xC4;
	v5 =	vadd.s32 v2, v5  }
.Ltmp1:
0x8d: {  	_ = 	snop;
	(pc) =	sbr.rel @p0 .LBB2_4-.Ltmp1, $4  }
0x8e: {  	s31 =	sadd.s32 $0x103, s30;
	v62 =	vand.u32 $0xFFFFFF00, v60  }
0x8f: {  	v63 =	vmov s31;
	v4 =	vand.u32 $0xFF, v60;
	vm15 =	veq.s32 v62, $0x100  }
0x90: {  	[tilespmem:v3+s23+$0x0] =	vst.idx.msk $0xffff, v63;
	v3 =	vnsel vm15, $0xFFFFFFFF, v4  }
0x91: {  	s30 =	sadd.s32 $0x4, s30;
	[tilespmem:v5+s24+$0x0] =	vst.idx.msk $0xffff, v3  }
0x92: {  	_ =	swait.ge [sflag:s25], $0x680  }
0x93: {  	[sflag:s25] =	ssyncset.done $0x0  }
0x94: {  	[sflag:s25] =	ssyncadd.s32 $0xFFFFF980  }
0x95: {  	_ =	swait.ge [sflag:s25], $0x680  }
0x96: {  	[sflag:s25] =	ssyncset.done $0x0  }
0x97: {  	[sflag:s25] =	ssyncadd.s32 $0xFFFFF980  }
0x98: {  	_ =	swait.ge [sflag:s25], $0x680  }
0x99: {  	[sflag:s25] =	ssyncset.done $0x0  }
0x9a: {  	[sflag:s25] =	ssyncadd.s32 $0xFFFFF980  }
0x9b: {  	_ =	swait.ge [sflag:s25], $0x680  }
0x9c: {  	[sflag:s25] =	ssyncset.done $0x0  }
0x9d: {  	[sflag:s25] =	ssyncadd.s32 $0xFFFFF980  }
0x9e: {  	_ =	swait.ge [sflag:s25], $0x680  }
0x9f: {  	[sflag:s25] =	ssyncset.done $0x0  }
0xa0: {  	[sflag:s25] =	ssyncadd.s32 $0xFFFFF980  }
0xa1: {  	_ =	swait.ge [sflag:s25], $0x680  }
0xa2: {  	[sflag:s25] =	ssyncset.done $0x0  }
0xa3: {  	[sflag:s25] =	ssyncadd.s32 $0xFFFFF980  }
0xa4: {  	_ =	swait.ge [sflag:s25], $0x680  }
0xa5: {  	[sflag:s25] =	ssyncset.done $0x0  }
0xa6: {  	[sflag:s25] =	ssyncadd.s32 $0xFFFFF980  }
0xa7: {  	_ =	swait.ge [sflag:s25], $0x680  }
0xa8: {  	[sflag:s25] =	ssyncset.done $0x0  }
0xa9: {  	[sflag:s25] =	ssyncadd.s32 $0xFFFFF980  }
0xaa: {  	_ =	swait.ge [sflag:s25], $0x680  }
0xab: {  	[sflag:s25] =	ssyncset.done $0x0  }
0xac: {  	[sflag:s25] =	ssyncadd.s32 $0xFFFFF980  }
0xad: {  	_ =	swait.ge [sflag:s25], $0x680  }
0xae: {  	[sflag:s25] =	ssyncset.done $0x0  }
0xaf: {  	[sflag:s25] =	ssyncadd.s32 $0xFFFFF980  }
0xb0: {  	_ =	swait.ge [sflag:s25], $0x680  }
0xb1: {  	[sflag:s25] =	ssyncset.done $0x0  }
0xb2: {  	[sflag:s25] =	ssyncadd.s32 $0xFFFFF980  }
0xb3: {  	_ =	swait.ge [sflag:s25], $0x680  }
0xb4: {  	[sflag:s25] =	ssyncset.done $0x0  }
0xb5: {  	[sflag:s25] =	ssyncadd.s32 $0xFFFFF980  }
0xb6: {  	_ =	swait.ge [sflag:s25], $0x680  }
0xb7: {  	[sflag:s25] =	ssyncset.done $0x0  }
0xb8: {  	[sflag:s25] =	ssyncadd.s32 $0xFFFFF980  }
0xb9: {  	_ =	swait.ge [sflag:s25], $0x680  }
0xba: {  	[sflag:s25] =	ssyncset.done $0x0  }
0xbb: {  	[sflag:s25] =	ssyncadd.s32 $0xFFFFF980  }
0xbc: {  	_ =	swait.ge [sflag:s25], $0x680  }
0xbd: {  	[sflag:s25] =	ssyncset.done $0x0  }
0xbe: {  	[sflag:s25] =	ssyncadd.s32 $0xFFFFF980  }
0xbf: {  	_ =	swait.ge [sflag:s25], $0x680  }
0xc0: {  	[sflag:s25] =	ssyncset.done $0x0  }
0xc1: {  	[sflag:s25] =	ssyncadd.s32 $0xFFFFF980  }
0xc2: {  	_ =	swait.ge [sflag:s25], $0x680  }
0xc3: {  	[sflag:s25] =	ssyncset.done $0x0  }
0xc4: {  	[sflag:s25] =	ssyncadd.s32 $0xFFFFF980  }
0xc5: {  	_ =	swait.ge [sflag:s25], $0x680  }
0xc6: {  	[sflag:s25] =	ssyncset.done $0x0  }
0xc7: {  	[sflag:s25] =	ssyncadd.s32 $0xFFFFF980  }
0xc8: {  	_ =	swait.ge [sflag:s25], $0x680  }
0xc9: {  	[sflag:s25] =	ssyncset.done $0x0  }
0xca: {  	[sflag:s25] =	ssyncadd.s32 $0xFFFFF980  }
0xcb: {  	_ =	swait.ge [sflag:s25], $0x680  }
0xcc: {  	[sflag:s25] =	ssyncset.done $0x0  }
0xcd: {  	[sflag:s25] =	ssyncadd.s32 $0xFFFFF980  }
0xce: {  	_ =	swait.ge [sflag:s25], $0x680  }
0xcf: {  	[sflag:s25] =	ssyncset.done $0x0  }
0xd0: {  	[sflag:s25] =	ssyncadd.s32 $0xFFFFF980  }
0xd1: {  	_ =	swait.ge [sflag:s25], $0x680  }
0xd2: {  	[sflag:s25] =	ssyncset.done $0x0  }
0xd3: {  	[sflag:s25] =	ssyncadd.s32 $0xFFFFF980  }
0xd4: {  	_ =	swait.ge [sflag:s25], $0x680  }
0xd5: {  	[sflag:s25] =	ssyncset.done $0x0  }
0xd6: {  	[sflag:s25] =	ssyncadd.s32 $0xFFFFF980  }
0xd7: {  	_ =	swait.ge [sflag:s25], $0x680  }
0xd8: {  	[sflag:s25] =	ssyncset.done $0x0  }
0xd9: {  	[sflag:s25] =	ssyncadd.s32 $0xFFFFF980  }
0xda: {  	_ =	swait.ge [sflag:s25], $0x680  }
0xdb: {  	[sflag:s25] =	ssyncset.done $0x0  }
0xdc: {  	[sflag:s25] =	ssyncadd.s32 $0xFFFFF980  }
0xdd: {  	_ =	swait.ge [sflag:s25], $0x680  }
0xde: {  	[sflag:s25] =	ssyncset.done $0x0  }
0xdf: {  	[sflag:s25] =	ssyncadd.s32 $0xFFFFF980  }
0xe0: {  	_ =	swait.ge [sflag:s25], $0x680  }
0xe1: {  	[sflag:s25] =	ssyncset.done $0x0  }
0xe2: {  	[sflag:s25] =	ssyncadd.s32 $0xFFFFF980  }
0xe3: {  	_ =	swait.ge [sflag:s25], $0x680  }
0xe4: {  	[sflag:s25] =	ssyncset.done $0x0  }
0xe5: {  	[sflag:s25] =	ssyncadd.s32 $0xFFFFF980  }
0xe6: {  	_ =	swait.ge [sflag:s25], $0x680  }
0xe7: {  	[sflag:s25] =	ssyncset.done $0x0  }
0xe8: {  	[sflag:s25] =	ssyncadd.s32 $0xFFFFF980  }
0xe9: {  	_ =	swait.ge [sflag:s25], $0x680  }
0xea: {  	[sflag:s25] =	ssyncset.done $0x0  }
0xeb: {  	[sflag:s25] =	ssyncadd.s32 $0xFFFFF980  }
0xec: {  	_ =	swait.ge [sflag:s25], $0x680  }
0xed: {  	[sflag:s25] =	ssyncset.done $0x0  }
0xee: {  	[sflag:s25] =	ssyncadd.s32 $0xFFFFF980  }
0xef: {  	_ =	swait.ge [sflag:s25], $0x680  }
0xf0: {  	[sflag:s25] =	ssyncset.done $0x0  }
0xf1: {  	s30 =	simm.s32 $0x0;
	s0 =	rddreg [dreg:$0x4];
	[sflag:s25] =	ssyncadd.s32 $0xFFFFF980  }
0xf2: {  	[hbm4b:s0+s30] =	stream.linear.scatter [tilespmem:s13], [sflag:$0x2], $0xD000, $0x38;
	[tilespmem:$0x13580] =	vst v63  }
0xf3: {  	s31 =	rddreg [dreg:$0x5]  }
0xf4: {  	[hbm4b:s31+s30] =	stream.linear.scatter [tilespmem:s24], [sflag:$0x2], $0xD00, $0x38;
	[tilespmem:$0x13580] =	vst v63  }
0xf5: {  	s31 =	rddreg [dreg:$0x6]  }
0xf6: {  	[tilespmem:s30], [sflag:$0x3] =	stream.linear.gather [hbm4b:s31+s30], $0xD00, $0x38;
	[tilespmem:$0x13580] =	vst v63  }
0xf7: {  	_ =	swait.ge [sflag:s11], $0xD00  }
0xf8: {  	[sflag:s11] =	ssyncset.done $0x0  }
0xf9: {  	[sflag:s11] =	ssyncadd.s32 $0xFFFFF300  }
.LBB2_6:
0xfa: {  	v3 =	vmov s30;
	v4 =	vadd.s32 s30, v2  }
0xfb: {  	v4 =	vand.u32 $0x1FF8, v4;
	v5 =	vand.u32 $0x4, v3  }
0xfc: {  	v4 =	vor.u32 v5, v4;
	_ =	sdelay $0x4  }
0xfd: {  	v4 =	vld.idx.msk [tilespmem:v4+s2+$0x0], $0xffff;
	_ =	sdelay $0x4  }
0xfe: {  	v4 =	vshll.u32 v4, $0x4  }
0xff: {  	v4 =	vor.u32 v0, v4;
	_ =	sdelay $0x4  }
0x100: {  	v45 =	vld.idx.msk [tilespmem:v4+s23+$0x0], $0xffff  }
0x101: {  	s0 =	sadd.s32 $0x1, s30  }
0x102: {  	v3 =	vand.u32 $0xFC, v3;
	v6 =	vmov s0;
	v7 =	vadd.s32 s0, v2  }
0x103: {  	v3 =	vadd.s32 v2, v3;
	v7 =	vand.u32 $0x1FF8, v7;
	v8 =	vand.u32 $0x5, v6  }
0x104: {  	v7 =	vor.u32 v8, v7  }
0x105: {  	s31 =	sadd.s32 $0x200, s30;
	v46 =	vand.u32 $0xFFFFFF00, v45  }
0x106: {  	v47 =	vmov s31;
	v5 =	vand.u32 $0xFF, v45;
	vm0 =	veq.s32 v46, $0x200  }
0x107: {  	[tilespmem:v4+s23+$0x0] =	vst.idx.msk $0xffff, v47;
	v48 =	vnsel vm0, $0xFFFFFFFF, v5  }
0x108: {  	[tilespmem:v3+s26+$0x0] =	vst.idx.msk $0xffff, v48  }
0x109: {  	v3 =	vld.idx.msk [tilespmem:v7+s2+$0x0], $0xffff;
	_ =	sdelay $0x4  }
0x10a: {  	v3 =	vshll.u32 v3, $0x4  }
0x10b: {  	v3 =	vor.u32 v0, v3;
	_ =	sdelay $0x4  }
0x10c: {  	v4 =	vld.idx.msk [tilespmem:v3+s23+$0x0], $0xffff  }
0x10d: {  	s31 =	sadd.s32 $0x2, s30  }
0x10e: {  	v49 =	vand.u32 $0xFD, v6;
	v50 =	vmov s31;
	v51 =	vadd.s32 s31, v2  }
0x10f: {  	v52 =	vand.u32 $0x6, v50;
	v5 =	vadd.s32 v2, v49;
	v7 =	vand.u32 $0x1FF8, v51  }
0x110: {  	v7 =	vor.u32 v52, v7  }
0x111: {  	s31 =	sadd.s32 $0x201, s30;
	v53 =	vand.u32 $0xFFFFFF00, v4  }
0x112: {  	v54 =	vmov s31;
	v4 =	vand.u32 $0xFF, v4;
	vm13 =	veq.s32 v53, $0x200  }
0x113: {  	[tilespmem:v3+s23+$0x0] =	vst.idx.msk $0xffff, v54;
	v3 =	vnsel vm13, $0xFFFFFFFF, v4  }
0x114: {  	[tilespmem:v5+s26+$0x0] =	vst.idx.msk $0xffff, v3  }
0x115: {  	v3 =	vld.idx.msk [tilespmem:v7+s2+$0x0], $0xffff;
	_ =	sdelay $0x4  }
0x116: {  	v3 =	vshll.u32 v3, $0x4  }
0x117: {  	v3 =	vor.u32 v0, v3;
	_ =	sdelay $0x4  }
0x118: {  	v55 =	vld.idx.msk [tilespmem:v3+s23+$0x0], $0xffff;
	_ =	sdelay $0x1  }
0x119: {  	v56 =	vand.u32 $0xFE, v50  }
0x11a: {  	s0 =	sadd.s32 $0x3, s30;
	v5 =	vadd.s32 v2, v56  }
0x11b: {  	v57 =	vadd.s32 s0, v2  }
0x11c: {  	s31 =	sadd.s32 $0x202, s30;
	v58 =	vand.u32 $0xFFFFFF00, v55  }
0x11d: {  	v59 =	vmov s31;
	v4 =	vand.u32 $0xFF, v55;
	vm14 =	veq.s32 v58, $0x200  }
0x11e: {  	[tilespmem:v3+s23+$0x0] =	vst.idx.msk $0xffff, v59;
	v3 =	vnsel vm14, $0xFFFFFFFF, v4  }
0x11f: {  	[tilespmem:v5+s26+$0x0] =	vst.idx.msk $0xffff, v3  }
0x120: {  	v3 =	vld.idx.msk [tilespmem:v57+s2+$0x0], $0xffff;
	_ =	sdelay $0x4  }
0x121: {  	v3 =	vshll.u32 v3, $0x4  }
0x122: {  	v3 =	vor.u32 v0, v3;
	_ =	sdelay $0x4  }
0x123: {  	v60 =	vld.idx.msk [tilespmem:v3+s23+$0x0], $0xffff  }
0x124: {  	v61 =	vmov s0  }
0x125: {  	v5 =	vand.u32 $0xFF, v61  }
0x126: {  	p0 =	slt.u32 s30, $0xC4;
	v5 =	vadd.s32 v2, v5  }
.Ltmp2:
0x127: {  	_ = 	snop;
	(pc) =	sbr.rel @p0 .LBB2_6-.Ltmp2, $4  }
0x128: {  	s31 =	sadd.s32 $0x203, s30;
	v62 =	vand.u32 $0xFFFFFF00, v60  }
0x129: {  	v63 =	vmov s31;
	v4 =	vand.u32 $0xFF, v60;
	vm15 =	veq.s32 v62, $0x200  }
0x12a: {  	[tilespmem:v3+s23+$0x0] =	vst.idx.msk $0xffff, v63;
	v3 =	vnsel vm15, $0xFFFFFFFF, v4  }
0x12b: {  	s30 =	sadd.s32 $0x4, s30;
	[tilespmem:v5+s26+$0x0] =	vst.idx.msk $0xffff, v3  }
0x12c: {  	_ =	swait.ge [sflag:s28], $0xD000  }
0x12d: {  	[sflag:s28] =	ssyncset.done $0x0  }
0x12e: {  	[sflag:s28] =	ssyncadd.s32 $0xFFFF3000  }
0x12f: {  	[tilespmem:s13], [sflag:$0x1] =	stream.indirect.gather [hbm4b:s3+s12], $0x10, s2, s12, $0xb8;
	[tilespmem:$0x13580] =	vst v63  }
0x130: {  	s0 =	simm.s32 $0x5200  }
0x131: {  	[tilespmem:s0], [sflag:$0x1] =	stream.indirect.gather [hbm4b:s3+s12], $0x10, s12, s12, $0xb8;
	[tilespmem:$0x13580] =	vst v63  }
0x132: {  	s31 =	simm.s32 $0xD0;
	s30 =	simm.s32 $0x5880  }
0x133: {  	[tilespmem:s30], [sflag:$0x1] =	stream.indirect.gather [hbm4b:s3+s12], $0x10, s31, s12, $0xb8;
	[tilespmem:$0x13580] =	vst v63  }
0x134: {  	s0 =	simm.s32 $0x138;
	s31 =	simm.s32 $0x5F00  }
0x135: {  	[tilespmem:s31], [sflag:$0x1] =	stream.indirect.gather [hbm4b:s3+s12], $0x10, s0, s12, $0xb8;
	[tilespmem:$0x13580] =	vst v63  }
0x136: {  	s0 =	simm.s32 $0x1A0;
	s31 =	simm.s32 $0x6580  }
0x137: {  	[tilespmem:s31], [sflag:$0x1] =	stream.indirect.gather [hbm4b:s3+s12], $0x10, s0, s12, $0xb8;
	[tilespmem:$0x13580] =	vst v63  }
0x138: {  	s0 =	simm.s32 $0x208;
	s31 =	simm.s32 $0x6C00  }
0x139: {  	[tilespmem:s31], [sflag:$0x1] =	stream.indirect.gather [hbm4b:s3+s12], $0x10, s0, s12, $0xb8;
	[tilespmem:$0x13580] =	vst v63  }
0x13a: {  	s0 =	simm.s32 $0x270;
	s31 =	simm.s32 $0x7280  }
0x13b: {  	[tilespmem:s31], [sflag:$0x1] =	stream.indirect.gather [hbm4b:s3+s12], $0x10, s0, s12, $0xb8;
	[tilespmem:$0x13580] =	vst v63  }
0x13c: {  	s0 =	simm.s32 $0x2D8;
	s31 =	simm.s32 $0x7900  }
0x13d: {  	[tilespmem:s31], [sflag:$0x1] =	stream.indirect.gather [hbm4b:s3+s12], $0x10, s0, s12, $0xb8;
	[tilespmem:$0x13580] =	vst v63  }
0x13e: {  	s0 =	simm.s32 $0x340;
	s31 =	simm.s32 $0x7F80  }
0x13f: {  	[tilespmem:s31], [sflag:$0x1] =	stream.indirect.gather [hbm4b:s3+s12], $0x10, s0, s12, $0xb8;
	[tilespmem:$0x13580] =	vst v63  }
0x140: {  	s0 =	simm.s32 $0x3A8;
	s31 =	simm.s32 $0x8600  }
0x141: {  	[tilespmem:s31], [sflag:$0x1] =	stream.indirect.gather [hbm4b:s3+s12], $0x10, s0, s12, $0xb8;
	[tilespmem:$0x13580] =	vst v63  }
0x142: {  	s0 =	simm.s32 $0x410;
	s31 =	simm.s32 $0x8C80  }
0x143: {  	[tilespmem:s31], [sflag:$0x1] =	stream.indirect.gather [hbm4b:s3+s12], $0x10, s0, s12, $0xb8;
	[tilespmem:$0x13580] =	vst v63  }
0x144: {  	s0 =	simm.s32 $0x478;
	s31 =	simm.s32 $0x9300  }
0x145: {  	[tilespmem:s31], [sflag:$0x1] =	stream.indirect.gather [hbm4b:s3+s12], $0x10, s0, s12, $0xb8;
	[tilespmem:$0x13580] =	vst v63  }
0x146: {  	s0 =	simm.s32 $0x4E0;
	s31 =	simm.s32 $0x9980  }
0x147: {  	[tilespmem:s31], [sflag:$0x1] =	stream.indirect.gather [hbm4b:s3+s12], $0x10, s0, s12, $0xb8;
	[tilespmem:$0x13580] =	vst v63  }
0x148: {  	s0 =	simm.s32 $0x548;
	s31 =	simm.s32 $0xA000  }
0x149: {  	[tilespmem:s31], [sflag:$0x1] =	stream.indirect.gather [hbm4b:s3+s12], $0x10, s0, s12, $0xb8;
	[tilespmem:$0x13580] =	vst v63  }
0x14a: {  	s0 =	simm.s32 $0x5B0;
	s31 =	simm.s32 $0xA680  }
0x14b: {  	[tilespmem:s31], [sflag:$0x1] =	stream.indirect.gather [hbm4b:s3+s12], $0x10, s0, s12, $0xb8;
	[tilespmem:$0x13580] =	vst v63  }
0x14c: {  	s0 =	simm.s32 $0x618;
	s31 =	simm.s32 $0xAD00  }
0x14d: {  	[tilespmem:s31], [sflag:$0x1] =	stream.indirect.gather [hbm4b:s3+s12], $0x10, s0, s12, $0xb8;
	[tilespmem:$0x13580] =	vst v63  }
0x14e: {  	s0 =	simm.s32 $0x680;
	s31 =	simm.s32 $0xB380  }
0x14f: {  	[tilespmem:s31], [sflag:$0x1] =	stream.indirect.gather [hbm4b:s3+s12], $0x10, s0, s12, $0xb8;
	[tilespmem:$0x13580] =	vst v63  }
0x150: {  	s0 =	simm.s32 $0x6E8;
	s31 =	simm.s32 $0xBA00  }
0x151: {  	[tilespmem:s31], [sflag:$0x1] =	stream.indirect.gather [hbm4b:s3+s12], $0x10, s0, s12, $0xb8;
	[tilespmem:$0x13580] =	vst v63  }
0x152: {  	s0 =	simm.s32 $0x750;
	s31 =	simm.s32 $0xC080  }
0x153: {  	[tilespmem:s31], [sflag:$0x1] =	stream.indirect.gather [hbm4b:s3+s12], $0x10, s0, s12, $0xb8;
	[tilespmem:$0x13580] =	vst v63  }
0x154: {  	s0 =	simm.s32 $0x7B8;
	s31 =	simm.s32 $0xC700  }
0x155: {  	[tilespmem:s31], [sflag:$0x1] =	stream.indirect.gather [hbm4b:s3+s12], $0x10, s0, s12, $0xb8;
	[tilespmem:$0x13580] =	vst v63  }
0x156: {  	s0 =	simm.s32 $0x820;
	s31 =	simm.s32 $0xCD80  }
0x157: {  	[tilespmem:s31], [sflag:$0x1] =	stream.indirect.gather [hbm4b:s3+s12], $0x10, s0, s12, $0xb8;
	[tilespmem:$0x13580] =	vst v63  }
0x158: {  	s0 =	simm.s32 $0x888;
	s31 =	simm.s32 $0xD400  }
0x159: {  	[tilespmem:s31], [sflag:$0x1] =	stream.indirect.gather [hbm4b:s3+s12], $0x10, s0, s12, $0xb8;
	[tilespmem:$0x13580] =	vst v63  }
0x15a: {  	s0 =	simm.s32 $0x8F0;
	s31 =	simm.s32 $0xDA80  }
0x15b: {  	[tilespmem:s31], [sflag:$0x1] =	stream.indirect.gather [hbm4b:s3+s12], $0x10, s0, s12, $0xb8;
	[tilespmem:$0x13580] =	vst v63  }
0x15c: {  	s30 =	simm.s32 $0x958  }
0x15d: {  	[tilespmem:s1], [sflag:$0x1] =	stream.indirect.gather [hbm4b:s3+s12], $0x10, s30, s12, $0xb8;
	[tilespmem:$0x13580] =	vst v63  }
0x15e: {  	_ = 	snop  }
0x15f: {  	[tilespmem:s5], [sflag:$0x1] =	stream.indirect.gather [hbm4b:s3+s12], $0x10, s4, s12, $0xb8;
	[tilespmem:$0x13580] =	vst v63  }
0x160: {  	_ = 	snop  }
0x161: {  	[tilespmem:s6], [sflag:$0x1] =	stream.indirect.gather [hbm4b:s3+s12], $0x10, s14, s12, $0xb8;
	[tilespmem:$0x13580] =	vst v63  }
0x162: {  	_ = 	snop  }
0x163: {  	[tilespmem:s7], [sflag:$0x1] =	stream.indirect.gather [hbm4b:s3+s12], $0x10, s15, s12, $0xb8;
	[tilespmem:$0x13580] =	vst v63  }
0x164: {  	_ = 	snop  }
0x165: {  	[tilespmem:s8], [sflag:$0x1] =	stream.indirect.gather [hbm4b:s3+s12], $0x10, s16, s12, $0xb8;
	[tilespmem:$0x13580] =	vst v63  }
0x166: {  	_ = 	snop  }
0x167: {  	[tilespmem:s9], [sflag:$0x1] =	stream.indirect.gather [hbm4b:s3+s12], $0x10, s17, s12, $0xb8;
	[tilespmem:$0x13580] =	vst v63  }
0x168: {  	_ = 	snop  }
0x169: {  	[tilespmem:s10], [sflag:$0x1] =	stream.indirect.gather [hbm4b:s3+s12], $0x10, s18, s12, $0xb8;
	[tilespmem:$0x13580] =	vst v63  }
0x16a: {  	_ = 	snop  }
0x16b: {  	[tilespmem:s20], [sflag:$0x1] =	stream.indirect.gather [hbm4b:s3+s12], $0x10, s19, s12, $0xb8;
	[tilespmem:$0x13580] =	vst v63  }
0x16c: {  	_ = 	snop  }
0x16d: {  	[tilespmem:s22], [sflag:$0x1] =	stream.indirect.gather [hbm4b:s3+s12], $0x10, s21, s12, $0xb8;
	[tilespmem:$0x13580] =	vst v63  }
0x16e: {  	_ =	swait.ge [sflag:s25], $0x680  }
0x16f: {  	[sflag:s25] =	ssyncset.done $0x0  }
0x170: {  	[sflag:s25] =	ssyncadd.s32 $0xFFFFF980  }
0x171: {  	_ =	swait.ge [sflag:s25], $0x680  }
0x172: {  	[sflag:s25] =	ssyncset.done $0x0  }
0x173: {  	[sflag:s25] =	ssyncadd.s32 $0xFFFFF980  }
0x174: {  	_ =	swait.ge [sflag:s25], $0x680  }
0x175: {  	[sflag:s25] =	ssyncset.done $0x0  }
0x176: {  	[sflag:s25] =	ssyncadd.s32 $0xFFFFF980  }
0x177: {  	_ =	swait.ge [sflag:s25], $0x680  }
0x178: {  	[sflag:s25] =	ssyncset.done $0x0  }
0x179: {  	[sflag:s25] =	ssyncadd.s32 $0xFFFFF980  }
0x17a: {  	_ =	swait.ge [sflag:s25], $0x680  }
0x17b: {  	[sflag:s25] =	ssyncset.done $0x0  }
0x17c: {  	[sflag:s25] =	ssyncadd.s32 $0xFFFFF980  }
0x17d: {  	_ =	swait.ge [sflag:s25], $0x680  }
0x17e: {  	[sflag:s25] =	ssyncset.done $0x0  }
0x17f: {  	[sflag:s25] =	ssyncadd.s32 $0xFFFFF980  }
0x180: {  	_ =	swait.ge [sflag:s25], $0x680  }
0x181: {  	[sflag:s25] =	ssyncset.done $0x0  }
0x182: {  	[sflag:s25] =	ssyncadd.s32 $0xFFFFF980  }
0x183: {  	_ =	swait.ge [sflag:s25], $0x680  }
0x184: {  	[sflag:s25] =	ssyncset.done $0x0  }
0x185: {  	[sflag:s25] =	ssyncadd.s32 $0xFFFFF980  }
0x186: {  	_ =	swait.ge [sflag:s25], $0x680  }
0x187: {  	[sflag:s25] =	ssyncset.done $0x0  }
0x188: {  	[sflag:s25] =	ssyncadd.s32 $0xFFFFF980  }
0x189: {  	_ =	swait.ge [sflag:s25], $0x680  }
0x18a: {  	[sflag:s25] =	ssyncset.done $0x0  }
0x18b: {  	[sflag:s25] =	ssyncadd.s32 $0xFFFFF980  }
0x18c: {  	_ =	swait.ge [sflag:s25], $0x680  }
0x18d: {  	[sflag:s25] =	ssyncset.done $0x0  }
0x18e: {  	[sflag:s25] =	ssyncadd.s32 $0xFFFFF980  }
0x18f: {  	_ =	swait.ge [sflag:s25], $0x680  }
0x190: {  	[sflag:s25] =	ssyncset.done $0x0  }
0x191: {  	[sflag:s25] =	ssyncadd.s32 $0xFFFFF980  }
0x192: {  	_ =	swait.ge [sflag:s25], $0x680  }
0x193: {  	[sflag:s25] =	ssyncset.done $0x0  }
0x194: {  	[sflag:s25] =	ssyncadd.s32 $0xFFFFF980  }
0x195: {  	_ =	swait.ge [sflag:s25], $0x680  }
0x196: {  	[sflag:s25] =	ssyncset.done $0x0  }
0x197: {  	[sflag:s25] =	ssyncadd.s32 $0xFFFFF980  }
0x198: {  	_ =	swait.ge [sflag:s25], $0x680  }
0x199: {  	[sflag:s25] =	ssyncset.done $0x0  }
0x19a: {  	[sflag:s25] =	ssyncadd.s32 $0xFFFFF980  }
0x19b: {  	_ =	swait.ge [sflag:s25], $0x680  }
0x19c: {  	[sflag:s25] =	ssyncset.done $0x0  }
0x19d: {  	[sflag:s25] =	ssyncadd.s32 $0xFFFFF980  }
0x19e: {  	_ =	swait.ge [sflag:s25], $0x680  }
0x19f: {  	[sflag:s25] =	ssyncset.done $0x0  }
0x1a0: {  	[sflag:s25] =	ssyncadd.s32 $0xFFFFF980  }
0x1a1: {  	_ =	swait.ge [sflag:s25], $0x680  }
0x1a2: {  	[sflag:s25] =	ssyncset.done $0x0  }
0x1a3: {  	[sflag:s25] =	ssyncadd.s32 $0xFFFFF980  }
0x1a4: {  	_ =	swait.ge [sflag:s25], $0x680  }
0x1a5: {  	[sflag:s25] =	ssyncset.done $0x0  }
0x1a6: {  	[sflag:s25] =	ssyncadd.s32 $0xFFFFF980  }
0x1a7: {  	_ =	swait.ge [sflag:s25], $0x680  }
0x1a8: {  	[sflag:s25] =	ssyncset.done $0x0  }
0x1a9: {  	[sflag:s25] =	ssyncadd.s32 $0xFFFFF980  }
0x1aa: {  	_ =	swait.ge [sflag:s25], $0x680  }
0x1ab: {  	[sflag:s25] =	ssyncset.done $0x0  }
0x1ac: {  	[sflag:s25] =	ssyncadd.s32 $0xFFFFF980  }
0x1ad: {  	_ =	swait.ge [sflag:s25], $0x680  }
0x1ae: {  	[sflag:s25] =	ssyncset.done $0x0  }
0x1af: {  	[sflag:s25] =	ssyncadd.s32 $0xFFFFF980  }
0x1b0: {  	_ =	swait.ge [sflag:s25], $0x680  }
0x1b1: {  	[sflag:s25] =	ssyncset.done $0x0  }
0x1b2: {  	[sflag:s25] =	ssyncadd.s32 $0xFFFFF980  }
0x1b3: {  	_ =	swait.ge [sflag:s25], $0x680  }
0x1b4: {  	[sflag:s25] =	ssyncset.done $0x0  }
0x1b5: {  	[sflag:s25] =	ssyncadd.s32 $0xFFFFF980  }
0x1b6: {  	_ =	swait.ge [sflag:s25], $0x680  }
0x1b7: {  	[sflag:s25] =	ssyncset.done $0x0  }
0x1b8: {  	[sflag:s25] =	ssyncadd.s32 $0xFFFFF980  }
0x1b9: {  	_ =	swait.ge [sflag:s25], $0x680  }
0x1ba: {  	[sflag:s25] =	ssyncset.done $0x0  }
0x1bb: {  	[sflag:s25] =	ssyncadd.s32 $0xFFFFF980  }
0x1bc: {  	_ =	swait.ge [sflag:s25], $0x680  }
0x1bd: {  	[sflag:s25] =	ssyncset.done $0x0  }
0x1be: {  	[sflag:s25] =	ssyncadd.s32 $0xFFFFF980  }
0x1bf: {  	_ =	swait.ge [sflag:s25], $0x680  }
0x1c0: {  	[sflag:s25] =	ssyncset.done $0x0  }
0x1c1: {  	[sflag:s25] =	ssyncadd.s32 $0xFFFFF980  }
0x1c2: {  	_ =	swait.ge [sflag:s25], $0x680  }
0x1c3: {  	[sflag:s25] =	ssyncset.done $0x0  }
0x1c4: {  	[sflag:s25] =	ssyncadd.s32 $0xFFFFF980  }
0x1c5: {  	_ =	swait.ge [sflag:s25], $0x680  }
0x1c6: {  	[sflag:s25] =	ssyncset.done $0x0  }
0x1c7: {  	[sflag:s25] =	ssyncadd.s32 $0xFFFFF980  }
0x1c8: {  	_ =	swait.ge [sflag:s25], $0x680  }
0x1c9: {  	[sflag:s25] =	ssyncset.done $0x0  }
0x1ca: {  	[sflag:s25] =	ssyncadd.s32 $0xFFFFF980  }
0x1cb: {  	_ =	swait.ge [sflag:s25], $0x680  }
0x1cc: {  	[sflag:s25] =	ssyncset.done $0x0  }
0x1cd: {  	[sflag:s25] =	ssyncadd.s32 $0xFFFFF980  }
0x1ce: {  	_ =	swait.ge [sflag:s28], $0xD00  }
0x1cf: {  	[sflag:s28] =	ssyncset.done $0x0  }
0x1d0: {  	s31 =	rddreg [dreg:$0x7];
	[sflag:s28] =	ssyncadd.s32 $0xFFFFF300  }
0x1d1: {  	[hbm4b:s31+s2] =	stream.linear.scatter [tilespmem:s13], [sflag:$0x3], $0xD000, $0x38;
	[tilespmem:$0x13580] =	vst v63  }
0x1d2: {  	_ =	swait.ge [sflag:s11], $0xD000  }
0x1d3: {  	[sflag:s11] =	ssyncset.done $0x0  }
0x1d4: {  	s30 =	rddreg [dreg:$0x8];
	[sflag:s11] =	ssyncadd.s32 $0xFFFF3000  }
0x1d5: {  	[hbm4b:s30+s2] =	stream.linear.scatter [tilespmem:s26], [sflag:$0x3], $0xD00, $0x38;
	[tilespmem:$0x13580] =	vst v63  }
0x1d6: {  	_ =	swait.ge [sflag:s11], $0xD00  }
0x1d7: {  	s29 =	sadd.s32 $0x1, s29;
	s31 =	rddreg [dreg:$0x9]  }
0x1d8: {  	p0 =	sne.s32 s29, s31  }
.Ltmp3:
0x1d9: {  	_ = 	snop;
	(pc) =	sbr.rel @p0 .LBB2_1-.Ltmp3, $3  }
0x1da: {  	_ =	sdelay $0x1  }
0x1db: {  	[sflag:s11] =	ssyncset.done $0x0  }
0x1dc: {  	[sflag:s11] =	ssyncadd.s32 $0xFFFFF300  }
0x1dd: {  	_ =	sfence.sel $0x180000  }
0x1de: {  	[bflag:$0x0] =	sbarrier.arrive $0xFFFF  }
0x1df: {  	_ =	strace $0x90000047  }
0x1e0: {  	s0 =	stileid.u32;
	[bflag:$0x2] =	sbarrier.arrive $0xFFFF  }
0x1e1: {  	p0 =	sne.s32 s0, $0x0;
	s0 =	rddreg [dreg:$0x2]  }
0x1e2: {  	s0 =	sadd.s32 @!p0 $0x100000, s0  }
0x1e3: {  	[sflag:s0] =	ssyncadd.tile.s32 @!p0 $0x1;
	_ =	shalt  }
.Lfunc_end2:
_tile_overlayer_lowered:
.L_overlay_start_2:
0x1e4: {  	(tag) =	ssettag $0x2  }
0x1e5: {  	s0 =	rddreg [dreg:$0x0];
	s2 =	stileid.u32  }
0x1e6: {  	s1 =	rddreg [dreg:$0x1];
	p0 =	sne.s32 s2, $0x0  }
0x1e7: {  	s3 =	rddreg [dreg:$0x2];
	[bflag:$0x3] =	sbarrier.arrive $0xFFFF;
	s2 =	simm.s32 @!p0 $0x1C03  }
0x1e8: {  	[timem:s3], [sflag:s2] =	dma.local @!p0 [hbm:s0], s1  }
0x1e9: {  	s0 =	simm.s32 @!p0 $0x3  }
0x1ea: {  	_ =	swait.ge @!p0 [sflag:s0], s1  }
0x1eb: {  	s1 =	ssub.s32 @!p0 $0x0, s1;
	[sflag:s0] =	ssyncset.done @!p0 $0x0  }
0x1ec: {  	[sflag:s0] =	ssyncadd.s32 @!p0 s1  }
0x1ed: {  	[bflag:$0x3] =	sbarrier.arrive $0xFFFF  }
0x1ee: {  	_ =	shalt  }

</sc_bundles>
